<compile_context>
chip_gen: v7x
topology: tpu7x:2x2x1
jax: 0.10.2.dev20260603
libtpu: 0.0.44.dev20260713+nightly
codegen_flags: <defaults>
</compile_context>

<pallas_src>
import functools

import jax
import jax.numpy as jnp
from jax import lax
from jax.experimental import pallas as pl
from jax.experimental.pallas import tpu as pltpu
from jax.experimental.pallas import tpu_sc as plsc

_ROWS = 128
_COLS = 32768
_NC = 2
_NS = 16
_NW = _NC * _NS
_RPW = 3
_SC_ROWS = _NW * _RPW
_TC_ROWS = _ROWS - _SC_ROWS
_L = 16
_UNROLL = 8
_NIT = _COLS // (_L * _UNROLL)



def _permute(x, perm):
    dn = lax.GatherDimensionNumbers(
        offset_dims=(), collapsed_slice_dims=(0,), start_index_map=(0,)
    )
    return lax.gather(
        x, perm[:, None], dn, slice_sizes=(1,),
        mode=lax.GatherScatterMode.PROMISE_IN_BOUNDS,
    )


def _merge(m, e, pm, pe):
    better = (pm > m) | ((pm == m) & (pe < e))
    return jnp.where(better, pm, m), jnp.where(better, pe, e)


_QN = 4
_QW = _COLS // _QN
_QIT = _NIT // _QN

_INIT_CARRY_NEG = None


def _scan_quarter(buf, q, carry):

    def step(it, c):
        ms = c[:_UNROLL]
        js = c[_UNROLL:-1]
        itv = c[-1]
        new_ms, new_js = [], []
        base = it * _UNROLL
        for a in range(_UNROLL):
            v = buf[pl.ds((base + a) * _L, _L)]
            gt = v > ms[a]
            new_ms.append(jnp.where(gt, v, ms[a]))
            new_js.append(jnp.where(gt, itv, js[a]))
        return tuple(new_ms) + tuple(new_js) + (itv + 1,)

    return lax.fori_loop(q * _QIT, (q + 1) * _QIT, step, carry)


def _finish_row(carry):
    iota = lax.iota(jnp.int32, _L)
    ms = carry[:_UNROLL]
    js = carry[_UNROLL:-1]

    m, e = ms[0], js[0] * (_UNROLL * _L) + iota
    for a in range(1, _UNROLL):
        m, e = _merge(m, e, ms[a], js[a] * (_UNROLL * _L) + (iota + a * _L))

    km = m
    for s in (8, 4, 2, 1):
        km = jnp.maximum(km, _permute(km, iota ^ s))
    cand = jnp.where(m == km, e, jnp.int32(_COLS))
    for s in (8, 4, 2, 1):
        cand = jnp.minimum(cand, _permute(cand, iota ^ s))
    return cand


@functools.partial(
    pl.kernel,
    out_type=jax.ShapeDtypeStruct((_NW, _L), jnp.int32),
    mesh=plsc.VectorSubcoreMesh(core_axis_name="c", subcore_axis_name="s"),
    scratch_types=[
        pltpu.VMEM((_COLS,), jnp.float32),
        pltpu.VMEM((_COLS,), jnp.float32),
        pltpu.VMEM((_L,), jnp.int32),
    ] + [pltpu.SemaphoreType.DMA] * (2 * _QN),
)
def _argmax_sc(x_hbm, out_hbm, buf0, buf1, outv,
               s00, s01, s02, s03, s10, s11, s12, s13):
    wid = lax.axis_index("c") * _NS + lax.axis_index("s")
    row0 = wid * _RPW
    bufs = (buf0, buf1)
    sems = ((s00, s01, s02, s03), (s10, s11, s12, s13))
    iota = lax.iota(jnp.int32, _L)

    def issue(row, q, b):
        return pltpu.async_copy(
            x_hbm.at[row, pl.ds(q * _QW, _QW)],
            bufs[b].at[pl.ds(q * _QW, _QW)],
            sems[b][q],
        )

    handles = {}
    for q in range(_QN):
        handles[(0, q)] = issue(row0, q, 0)
    for q in range(_QN):
        handles[(1, q)] = issue(row0 + 1, q, 1)

    neg = jnp.full((_L,), -jnp.inf, dtype=jnp.float32)
    zero = jnp.zeros((_L,), dtype=jnp.int32)
    acc = jnp.zeros((_L,), dtype=jnp.int32)
    for k in range(_RPW):
        b = k % 2
        carry = (neg,) * _UNROLL + (zero,) * _UNROLL + (zero,)
        for q in range(_QN):
            handles[(k, q)].wait()
            carry = _scan_quarter(bufs[b], q, carry)
            if k + 2 < _RPW:
                handles[(k + 2, q)] = issue(row0 + k + 2, q, b)
        r = _finish_row(carry)
        acc = jnp.where(iota == k, r, acc)
    outv[...] = acc
    pltpu.sync_copy(outv, out_hbm.at[wid])



_BR = 8
_W = 512
_NCH = _COLS // _W


def _tc_body(x_ref, out_ref):
    iota_w = lax.broadcasted_iota(jnp.int32, (_BR, _W), 1)

    def step(c, carry):
        m, j = carry
        v = x_ref[:, pl.ds(c * _W, _W)]
        gt = v > m
        return jnp.where(gt, v, m), jnp.where(gt, c, j)

    m0 = jnp.full((_BR, _W), -jnp.inf, jnp.float32)
    j0 = jnp.zeros((_BR, _W), jnp.int32)
    m, j = lax.fori_loop(0, _NCH, step, (m0, j0))

    elem = j * _W + iota_w
    rowmax = jnp.max(m, axis=1, keepdims=True)
    cand = jnp.where(m == rowmax, elem, jnp.int32(_COLS))
    out_ref[0, 0, :] = jnp.min(cand, axis=1)


_tc_argmax = pl.pallas_call(
    _tc_body,
    grid=(_TC_ROWS // _BR,),
    in_specs=[pl.BlockSpec((_BR, _COLS), lambda i: (i + _SC_ROWS // _BR, 0))],
    out_specs=pl.BlockSpec((1, 1, _BR), lambda i: (i, 0, 0)),
    out_shape=jax.ShapeDtypeStruct((_TC_ROWS // _BR, 1, _BR), jnp.int32),
)


def kernel(x):
    sc_out = _argmax_sc(x)
    tc_out = _tc_argmax(x)
    return jnp.concatenate(
        [sc_out[:, :_RPW].reshape(_SC_ROWS), tc_out.reshape(_TC_ROWS)]
    )

# --- scband reference (transcript-rebuilt; emitter-appended) ---
"""Pipeline reference for scband-argmax-962072674348 (READ-ONLY COPY).

The authoritative reference and input builder live on the scoring server;
editing this copy changes nothing except your own understanding.
"""

import jax, jax.numpy as jnp
import numpy as np


def setup_inputs(seed: int = 0) -> dict:
    key = jax.random.key(seed)
    x = jax.random.normal(key, (128, 32768), dtype=jnp.float32)
    return {"x": x}


def reference(x) -> jnp.ndarray:
    # Faithful translation of tf.argmax(x, axis=-1, output_type=tf.int32)
    return jnp.argmax(x, axis=-1).astype(jnp.int32)

if __name__ == "__main__":
    import jax
    _d = setup_inputs()
    print(jax.jit(kernel)(*tuple(_d.values())))

</pallas_src>

<mosaic_0001>
#map = affine_map<(d0, d1) -> (0, 0)>
module attributes {stable_mosaic.version = 14 : i64} {
  func.func @_argmax_sc(%arg0: i32, %arg1: i32, %arg2: memref<128x32768xf32, #tpu.memory_space<hbm>>, %arg3: memref<32x16xi32, #tpu.memory_space<hbm>>, %arg4: memref<32768xf32, #tpu.memory_space<vmem>>, %arg5: memref<32768xf32, #tpu.memory_space<vmem>>, %arg6: memref<16xi32, #tpu.memory_space<vmem>>, %arg7: memref<!tpu.dma_semaphore, #tpu.memory_space<semaphore_mem>>, %arg8: memref<!tpu.dma_semaphore, #tpu.memory_space<semaphore_mem>>, %arg9: memref<!tpu.dma_semaphore, #tpu.memory_space<semaphore_mem>>, %arg10: memref<!tpu.dma_semaphore, #tpu.memory_space<semaphore_mem>>, %arg11: memref<!tpu.dma_semaphore, #tpu.memory_space<semaphore_mem>>, %arg12: memref<!tpu.dma_semaphore, #tpu.memory_space<semaphore_mem>>, %arg13: memref<!tpu.dma_semaphore, #tpu.memory_space<semaphore_mem>>, %arg14: memref<!tpu.dma_semaphore, #tpu.memory_space<semaphore_mem>>) attributes {dimension_semantics = [#tpu.dimension_semantics<core_parallel>, #tpu.dimension_semantics<subcore_parallel>], iteration_bounds = array<i64: 2, 16>, scalar_prefetch = 0 : i64, scratch_operands = 11 : i64, tpu.core_type = #tpu.core_type<sc_vector_subcore>, window_params = [{transform_indices = #map}, {transform_indices = #map}]} {
    %mul3A = arith.constant 16 : i32
    %mul3A_0 = arith.muli %arg0, %mul3A : i32
    %add3A = arith.addi %mul3A_0, %arg1 : i32
    %mul3A_1 = arith.constant 3 : i32
    %mul3A_2 = arith.muli %add3A, %mul3A_1 : i32
    %iota3A = tpu.iota {dimensions = array<i32: 0>} : vector<16xi32>
    %dma_start3A = arith.constant 0 : i32
    %dma_start3A_3 = tpu.memref_slice %arg4[%dma_start3A] : memref<32768xf32, #tpu.memory_space<vmem>> -> memref<8192xf32, #tpu.memory_space<vmem>>
    %dma_start3A_4 = arith.constant 0 : i32
    %dma_start3A_5 = tpu.memref_slice %arg2[%mul3A_2, %dma_start3A_4] : memref<128x32768xf32, #tpu.memory_space<hbm>> -> memref<1x8192xf32, #tpu.memory_space<hbm>>
    %dma_start3A_6 = tpu.memref_squeeze %dma_start3A_5 : memref<1x8192xf32, #tpu.memory_space<hbm>> -> memref<8192xf32, #tpu.memory_space<hbm>>
    %dma_start3A_7 = arith.constant 0 : i32
    %dma_start3A_8 = tpu.memref_slice %arg4[%dma_start3A_7] : memref<32768xf32, #tpu.memory_space<vmem>> -> memref<8192xf32, #tpu.memory_space<vmem>>
    %dma_start3A_9 = arith.constant 0 : i32
    %dma_start3A_10 = tpu.memref_slice %arg2[%mul3A_2, %dma_start3A_9] : memref<128x32768xf32, #tpu.memory_space<hbm>> -> memref<1x8192xf32, #tpu.memory_space<hbm>>
    %dma_start3A_11 = tpu.memref_squeeze %dma_start3A_10 : memref<1x8192xf32, #tpu.memory_space<hbm>> -> memref<8192xf32, #tpu.memory_space<hbm>>
    tpu.enqueue_dma source(%dma_start3A_11 : memref<8192xf32, #tpu.memory_space<hbm>>) target(%dma_start3A_8 : memref<8192xf32, #tpu.memory_space<vmem>>) target_semaphore(%arg7 : memref<!tpu.dma_semaphore, #tpu.memory_space<semaphore_mem>>)
    %dma_start3A_12 = arith.constant 8192 : i32
    %dma_start3A_13 = tpu.memref_slice %arg4[%dma_start3A_12] : memref<32768xf32, #tpu.memory_space<vmem>> -> memref<8192xf32, #tpu.memory_space<vmem>>
    %dma_start3A_14 = arith.constant 8192 : i32
    %dma_start3A_15 = tpu.memref_slice %arg2[%mul3A_2, %dma_start3A_14] : memref<128x32768xf32, #tpu.memory_space<hbm>> -> memref<1x8192xf32, #tpu.memory_space<hbm>>
    %dma_start3A_16 = tpu.memref_squeeze %dma_start3A_15 : memref<1x8192xf32, #tpu.memory_space<hbm>> -> memref<8192xf32, #tpu.memory_space<hbm>>
    %dma_start3A_17 = arith.constant 8192 : i32
    %dma_start3A_18 = tpu.memref_slice %arg4[%dma_start3A_17] : memref<32768xf32, #tpu.memory_space<vmem>> -> memref<8192xf32, #tpu.memory_space<vmem>>
    %dma_start3A_19 = arith.constant 8192 : i32
    %dma_start3A_20 = tpu.memref_slice %arg2[%mul3A_2, %dma_start3A_19] : memref<128x32768xf32, #tpu.memory_space<hbm>> -> memref<1x8192xf32, #tpu.memory_space<hbm>>
    %dma_start3A_21 = tpu.memref_squeeze %dma_start3A_20 : memref<1x8192xf32, #tpu.memory_space<hbm>> -> memref<8192xf32, #tpu.memory_space<hbm>>
    tpu.enqueue_dma source(%dma_start3A_21 : memref<8192xf32, #tpu.memory_space<hbm>>) target(%dma_start3A_18 : memref<8192xf32, #tpu.memory_space<vmem>>) target_semaphore(%arg8 : memref<!tpu.dma_semaphore, #tpu.memory_space<semaphore_mem>>)
    %dma_start3A_22 = arith.constant 16384 : i32
    %dma_start3A_23 = tpu.memref_slice %arg4[%dma_start3A_22] : memref<32768xf32, #tpu.memory_space<vmem>> -> memref<8192xf32, #tpu.memory_space<vmem>>
    %dma_start3A_24 = arith.constant 16384 : i32
    %dma_start3A_25 = tpu.memref_slice %arg2[%mul3A_2, %dma_start3A_24] : memref<128x32768xf32, #tpu.memory_space<hbm>> -> memref<1x8192xf32, #tpu.memory_space<hbm>>
    %dma_start3A_26 = tpu.memref_squeeze %dma_start3A_25 : memref<1x8192xf32, #tpu.memory_space<hbm>> -> memref<8192xf32, #tpu.memory_space<hbm>>
    %dma_start3A_27 = arith.constant 16384 : i32
    %dma_start3A_28 = tpu.memref_slice %arg4[%dma_start3A_27] : memref<32768xf32, #tpu.memory_space<vmem>> -> memref<8192xf32, #tpu.memory_space<vmem>>
    %dma_start3A_29 = arith.constant 16384 : i32
    %dma_start3A_30 = tpu.memref_slice %arg2[%mul3A_2, %dma_start3A_29] : memref<128x32768xf32, #tpu.memory_space<hbm>> -> memref<1x8192xf32, #tpu.memory_space<hbm>>
    %dma_start3A_31 = tpu.memref_squeeze %dma_start3A_30 : memref<1x8192xf32, #tpu.memory_space<hbm>> -> memref<8192xf32, #tpu.memory_space<hbm>>
    tpu.enqueue_dma source(%dma_start3A_31 : memref<8192xf32, #tpu.memory_space<hbm>>) target(%dma_start3A_28 : memref<8192xf32, #tpu.memory_space<vmem>>) target_semaphore(%arg9 : memref<!tpu.dma_semaphore, #tpu.memory_space<semaphore_mem>>)
    %dma_start3A_32 = arith.constant 24576 : i32
    %dma_start3A_33 = tpu.memref_slice %arg4[%dma_start3A_32] : memref<32768xf32, #tpu.memory_space<vmem>> -> memref<8192xf32, #tpu.memory_space<vmem>>
    %dma_start3A_34 = arith.constant 24576 : i32
    %dma_start3A_35 = tpu.memref_slice %arg2[%mul3A_2, %dma_start3A_34] : memref<128x32768xf32, #tpu.memory_space<hbm>> -> memref<1x8192xf32, #tpu.memory_space<hbm>>
    %dma_start3A_36 = tpu.memref_squeeze %dma_start3A_35 : memref<1x8192xf32, #tpu.memory_space<hbm>> -> memref<8192xf32, #tpu.memory_space<hbm>>
    %dma_start3A_37 = arith.constant 24576 : i32
    %dma_start3A_38 = tpu.memref_slice %arg4[%dma_start3A_37] : memref<32768xf32, #tpu.memory_space<vmem>> -> memref<8192xf32, #tpu.memory_space<vmem>>
    %dma_start3A_39 = arith.constant 24576 : i32
    %dma_start3A_40 = tpu.memref_slice %arg2[%mul3A_2, %dma_start3A_39] : memref<128x32768xf32, #tpu.memory_space<hbm>> -> memref<1x8192xf32, #tpu.memory_space<hbm>>
    %dma_start3A_41 = tpu.memref_squeeze %dma_start3A_40 : memref<1x8192xf32, #tpu.memory_space<hbm>> -> memref<8192xf32, #tpu.memory_space<hbm>>
    tpu.enqueue_dma source(%dma_start3A_41 : memref<8192xf32, #tpu.memory_space<hbm>>) target(%dma_start3A_38 : memref<8192xf32, #tpu.memory_space<vmem>>) target_semaphore(%arg10 : memref<!tpu.dma_semaphore, #tpu.memory_space<semaphore_mem>>)
    %add3A_42 = arith.constant 1 : i32
    %add3A_43 = arith.addi %mul3A_2, %add3A_42 : i32
    %dma_start3A_44 = arith.constant 0 : i32
    %dma_start3A_45 = tpu.memref_slice %arg5[%dma_start3A_44] : memref<32768xf32, #tpu.memory_space<vmem>> -> memref<8192xf32, #tpu.memory_space<vmem>>
    %dma_start3A_46 = arith.constant 0 : i32
    %dma_start3A_47 = tpu.memref_slice %arg2[%add3A_43, %dma_start3A_46] : memref<128x32768xf32, #tpu.memory_space<hbm>> -> memref<1x8192xf32, #tpu.memory_space<hbm>>
    %dma_start3A_48 = tpu.memref_squeeze %dma_start3A_47 : memref<1x8192xf32, #tpu.memory_space<hbm>> -> memref<8192xf32, #tpu.memory_space<hbm>>
    %dma_start3A_49 = arith.constant 0 : i32
    %dma_start3A_50 = tpu.memref_slice %arg5[%dma_start3A_49] : memref<32768xf32, #tpu.memory_space<vmem>> -> memref<8192xf32, #tpu.memory_space<vmem>>
    %dma_start3A_51 = arith.constant 0 : i32
    %dma_start3A_52 = tpu.memref_slice %arg2[%add3A_43, %dma_start3A_51] : memref<128x32768xf32, #tpu.memory_space<hbm>> -> memref<1x8192xf32, #tpu.memory_space<hbm>>
    %dma_start3A_53 = tpu.memref_squeeze %dma_start3A_52 : memref<1x8192xf32, #tpu.memory_space<hbm>> -> memref<8192xf32, #tpu.memory_space<hbm>>
    tpu.enqueue_dma source(%dma_start3A_53 : memref<8192xf32, #tpu.memory_space<hbm>>) target(%dma_start3A_50 : memref<8192xf32, #tpu.memory_space<vmem>>) target_semaphore(%arg11 : memref<!tpu.dma_semaphore, #tpu.memory_space<semaphore_mem>>)
    %add3A_54 = arith.constant 1 : i32
    %add3A_55 = arith.addi %mul3A_2, %add3A_54 : i32
    %dma_start3A_56 = arith.constant 8192 : i32
    %dma_start3A_57 = tpu.memref_slice %arg5[%dma_start3A_56] : memref<32768xf32, #tpu.memory_space<vmem>> -> memref<8192xf32, #tpu.memory_space<vmem>>
    %dma_start3A_58 = arith.constant 8192 : i32
    %dma_start3A_59 = tpu.memref_slice %arg2[%add3A_55, %dma_start3A_58] : memref<128x32768xf32, #tpu.memory_space<hbm>> -> memref<1x8192xf32, #tpu.memory_space<hbm>>
    %dma_start3A_60 = tpu.memref_squeeze %dma_start3A_59 : memref<1x8192xf32, #tpu.memory_space<hbm>> -> memref<8192xf32, #tpu.memory_space<hbm>>
    %dma_start3A_61 = arith.constant 8192 : i32
    %dma_start3A_62 = tpu.memref_slice %arg5[%dma_start3A_61] : memref<32768xf32, #tpu.memory_space<vmem>> -> memref<8192xf32, #tpu.memory_space<vmem>>
    %dma_start3A_63 = arith.constant 8192 : i32
    %dma_start3A_64 = tpu.memref_slice %arg2[%add3A_55, %dma_start3A_63] : memref<128x32768xf32, #tpu.memory_space<hbm>> -> memref<1x8192xf32, #tpu.memory_space<hbm>>
    %dma_start3A_65 = tpu.memref_squeeze %dma_start3A_64 : memref<1x8192xf32, #tpu.memory_space<hbm>> -> memref<8192xf32, #tpu.memory_space<hbm>>
    tpu.enqueue_dma source(%dma_start3A_65 : memref<8192xf32, #tpu.memory_space<hbm>>) target(%dma_start3A_62 : memref<8192xf32, #tpu.memory_space<vmem>>) target_semaphore(%arg12 : memref<!tpu.dma_semaphore, #tpu.memory_space<semaphore_mem>>)
    %add3A_66 = arith.constant 1 : i32
    %add3A_67 = arith.addi %mul3A_2, %add3A_66 : i32
    %dma_start3A_68 = arith.constant 16384 : i32
    %dma_start3A_69 = tpu.memref_slice %arg5[%dma_start3A_68] : memref<32768xf32, #tpu.memory_space<vmem>> -> memref<8192xf32, #tpu.memory_space<vmem>>
    %dma_start3A_70 = arith.constant 16384 : i32
    %dma_start3A_71 = tpu.memref_slice %arg2[%add3A_67, %dma_start3A_70] : memref<128x32768xf32, #tpu.memory_space<hbm>> -> memref<1x8192xf32, #tpu.memory_space<hbm>>
    %dma_start3A_72 = tpu.memref_squeeze %dma_start3A_71 : memref<1x8192xf32, #tpu.memory_space<hbm>> -> memref<8192xf32, #tpu.memory_space<hbm>>
    %dma_start3A_73 = arith.constant 16384 : i32
    %dma_start3A_74 = tpu.memref_slice %arg5[%dma_start3A_73] : memref<32768xf32, #tpu.memory_space<vmem>> -> memref<8192xf32, #tpu.memory_space<vmem>>
    %dma_start3A_75 = arith.constant 16384 : i32
    %dma_start3A_76 = tpu.memref_slice %arg2[%add3A_67, %dma_start3A_75] : memref<128x32768xf32, #tpu.memory_space<hbm>> -> memref<1x8192xf32, #tpu.memory_space<hbm>>
    %dma_start3A_77 = tpu.memref_squeeze %dma_start3A_76 : memref<1x8192xf32, #tpu.memory_space<hbm>> -> memref<8192xf32, #tpu.memory_space<hbm>>
    tpu.enqueue_dma source(%dma_start3A_77 : memref<8192xf32, #tpu.memory_space<hbm>>) target(%dma_start3A_74 : memref<8192xf32, #tpu.memory_space<vmem>>) target_semaphore(%arg13 : memref<!tpu.dma_semaphore, #tpu.memory_space<semaphore_mem>>)
    %add3A_78 = arith.constant 1 : i32
    %add3A_79 = arith.addi %mul3A_2, %add3A_78 : i32
    %dma_start3A_80 = arith.constant 24576 : i32
    %dma_start3A_81 = tpu.memref_slice %arg5[%dma_start3A_80] : memref<32768xf32, #tpu.memory_space<vmem>> -> memref<8192xf32, #tpu.memory_space<vmem>>
    %dma_start3A_82 = arith.constant 24576 : i32
    %dma_start3A_83 = tpu.memref_slice %arg2[%add3A_79, %dma_start3A_82] : memref<128x32768xf32, #tpu.memory_space<hbm>> -> memref<1x8192xf32, #tpu.memory_space<hbm>>
    %dma_start3A_84 = tpu.memref_squeeze %dma_start3A_83 : memref<1x8192xf32, #tpu.memory_space<hbm>> -> memref<8192xf32, #tpu.memory_space<hbm>>
    %dma_start3A_85 = arith.constant 24576 : i32
    %dma_start3A_86 = tpu.memref_slice %arg5[%dma_start3A_85] : memref<32768xf32, #tpu.memory_space<vmem>> -> memref<8192xf32, #tpu.memory_space<vmem>>
    %dma_start3A_87 = arith.constant 24576 : i32
    %dma_start3A_88 = tpu.memref_slice %arg2[%add3A_79, %dma_start3A_87] : memref<128x32768xf32, #tpu.memory_space<hbm>> -> memref<1x8192xf32, #tpu.memory_space<hbm>>
    %dma_start3A_89 = tpu.memref_squeeze %dma_start3A_88 : memref<1x8192xf32, #tpu.memory_space<hbm>> -> memref<8192xf32, #tpu.memory_space<hbm>>
    tpu.enqueue_dma source(%dma_start3A_89 : memref<8192xf32, #tpu.memory_space<hbm>>) target(%dma_start3A_86 : memref<8192xf32, #tpu.memory_space<vmem>>) target_semaphore(%arg14 : memref<!tpu.dma_semaphore, #tpu.memory_space<semaphore_mem>>)
    %broadcast_in_dim3A = arith.constant 0xFF800000 : f32
    %broadcast_in_dim3A_90 = vector.broadcast %broadcast_in_dim3A : f32 to vector<16xf32>
    %broadcast_in_dim3A_91 = arith.constant 0 : i32
    %broadcast_in_dim3A_92 = vector.broadcast %broadcast_in_dim3A_91 : i32 to vector<16xi32>
    %broadcast_in_dim3A_93 = arith.constant 0 : i32
    %broadcast_in_dim3A_94 = vector.broadcast %broadcast_in_dim3A_93 : i32 to vector<16xi32>
    %dma_wait3A = arith.constant 0 : i32
    %dma_wait3A_95 = tpu.memref_slice %arg4[%dma_wait3A] : memref<32768xf32, #tpu.memory_space<vmem>> -> memref<8192xf32, #tpu.memory_space<vmem>>
    %dma_wait3A_96 = arith.constant 0 : i32
    %dma_wait3A_97 = tpu.memref_slice %arg2[%mul3A_2, %dma_wait3A_96] : memref<128x32768xf32, #tpu.memory_space<hbm>> -> memref<1x8192xf32, #tpu.memory_space<hbm>>
    %dma_wait3A_98 = tpu.memref_squeeze %dma_wait3A_97 : memref<1x8192xf32, #tpu.memory_space<hbm>> -> memref<8192xf32, #tpu.memory_space<hbm>>
    %dma_wait3A_99 = arith.constant 0 : i32
    %dma_wait3A_100 = tpu.memref_slice %arg4[%dma_wait3A_99] : memref<32768xf32, #tpu.memory_space<vmem>> -> memref<8192xf32, #tpu.memory_space<vmem>>
    %dma_wait3A_101 = arith.constant 0 : i32
    %dma_wait3A_102 = tpu.memref_slice %arg2[%mul3A_2, %dma_wait3A_101] : memref<128x32768xf32, #tpu.memory_space<hbm>> -> memref<1x8192xf32, #tpu.memory_space<hbm>>
    %dma_wait3A_103 = tpu.memref_squeeze %dma_wait3A_102 : memref<1x8192xf32, #tpu.memory_space<hbm>> -> memref<8192xf32, #tpu.memory_space<hbm>>
    tpu.wait_dma2 semaphore(%arg7 : memref<!tpu.dma_semaphore, #tpu.memory_space<semaphore_mem>>) src(%dma_wait3A_103 : memref<8192xf32, #tpu.memory_space<hbm>>) dst(%dma_wait3A_100 : memref<8192xf32, #tpu.memory_space<vmem>>)
    %scan3A = arith.constant 0 : i32
    %scan3A_104 = arith.constant 64 : i32
    %scan3A_105 = arith.addi %scan3A, %scan3A_104 : i32
    %scan3A_106 = arith.constant 1 : i32
    %scan3A_107:17 = scf.for %scan3A_834 = %scan3A to %scan3A_105 step %scan3A_106 iter_args(%scan3A_835 = %broadcast_in_dim3A_90, %scan3A_836 = %broadcast_in_dim3A_90, %scan3A_837 = %broadcast_in_dim3A_90, %scan3A_838 = %broadcast_in_dim3A_90, %scan3A_839 = %broadcast_in_dim3A_90, %scan3A_840 = %broadcast_in_dim3A_90, %scan3A_841 = %broadcast_in_dim3A_90, %scan3A_842 = %broadcast_in_dim3A_90, %scan3A_843 = %broadcast_in_dim3A_92, %scan3A_844 = %broadcast_in_dim3A_92, %scan3A_845 = %broadcast_in_dim3A_92, %scan3A_846 = %broadcast_in_dim3A_92, %scan3A_847 = %broadcast_in_dim3A_92, %scan3A_848 = %broadcast_in_dim3A_92, %scan3A_849 = %broadcast_in_dim3A_92, %scan3A_850 = %broadcast_in_dim3A_92, %scan3A_851 = %broadcast_in_dim3A_92) -> (vector<16xf32>, vector<16xf32>, vector<16xf32>, vector<16xf32>, vector<16xf32>, vector<16xf32>, vector<16xf32>, vector<16xf32>, vector<16xi32>, vector<16xi32>, vector<16xi32>, vector<16xi32>, vector<16xi32>, vector<16xi32>, vector<16xi32>, vector<16xi32>, vector<16xi32>)  : i32 {
      %mul3A_852 = arith.constant 8 : i32
      %mul3A_853 = arith.muli %scan3A_834, %mul3A_852 : i32
      %add3A_854 = arith.constant 0 : i32
      %add3A_855 = arith.addi %mul3A_853, %add3A_854 : i32
      %mul3A_856 = arith.constant 16 : i32
      %mul3A_857 = arith.muli %add3A_855, %mul3A_856 : i32
      %get3A = arith.index_cast %mul3A_857 : i32 to index
      %get3A_858 = tpu.vector_load %arg4[%get3A] {strides = array<i32>} : memref<32768xf32, #tpu.memory_space<vmem>>, vector<16xf32>,
      %get3A_859 = vector.shape_cast %get3A_858 : vector<16xf32> to vector<16xf32>
      %gt3A_860 = arith.cmpf ogt, %get3A_859, %scan3A_835 : vector<16xf32>
      %select_n3A_861 = arith.select %gt3A_860, %get3A_859, %scan3A_835 : vector<16xi1>, vector<16xf32>
      %select_n3A_862 = arith.select %gt3A_860, %scan3A_851, %scan3A_843 : vector<16xi1>, vector<16xi32>
      %add3A_863 = arith.constant 1 : i32
      %add3A_864 = arith.addi %mul3A_853, %add3A_863 : i32
      %mul3A_865 = arith.constant 16 : i32
      %mul3A_866 = arith.muli %add3A_864, %mul3A_865 : i32
      %get3A_867 = arith.index_cast %mul3A_866 : i32 to index
      %get3A_868 = tpu.vector_load %arg4[%get3A_867] {strides = array<i32>} : memref<32768xf32, #tpu.memory_space<vmem>>, vector<16xf32>,
      %get3A_869 = vector.shape_cast %get3A_868 : vector<16xf32> to vector<16xf32>
      %gt3A_870 = arith.cmpf ogt, %get3A_869, %scan3A_836 : vector<16xf32>
      %select_n3A_871 = arith.select %gt3A_870, %get3A_869, %scan3A_836 : vector<16xi1>, vector<16xf32>
      %select_n3A_872 = arith.select %gt3A_870, %scan3A_851, %scan3A_844 : vector<16xi1>, vector<16xi32>
      %add3A_873 = arith.constant 2 : i32
      %add3A_874 = arith.addi %mul3A_853, %add3A_873 : i32
      %mul3A_875 = arith.constant 16 : i32
      %mul3A_876 = arith.muli %add3A_874, %mul3A_875 : i32
      %get3A_877 = arith.index_cast %mul3A_876 : i32 to index
      %get3A_878 = tpu.vector_load %arg4[%get3A_877] {strides = array<i32>} : memref<32768xf32, #tpu.memory_space<vmem>>, vector<16xf32>,
      %get3A_879 = vector.shape_cast %get3A_878 : vector<16xf32> to vector<16xf32>
      %gt3A_880 = arith.cmpf ogt, %get3A_879, %scan3A_837 : vector<16xf32>
      %select_n3A_881 = arith.select %gt3A_880, %get3A_879, %scan3A_837 : vector<16xi1>, vector<16xf32>
      %select_n3A_882 = arith.select %gt3A_880, %scan3A_851, %scan3A_845 : vector<16xi1>, vector<16xi32>
      %add3A_883 = arith.constant 3 : i32
      %add3A_884 = arith.addi %mul3A_853, %add3A_883 : i32
      %mul3A_885 = arith.constant 16 : i32
      %mul3A_886 = arith.muli %add3A_884, %mul3A_885 : i32
      %get3A_887 = arith.index_cast %mul3A_886 : i32 to index
      %get3A_888 = tpu.vector_load %arg4[%get3A_887] {strides = array<i32>} : memref<32768xf32, #tpu.memory_space<vmem>>, vector<16xf32>,
      %get3A_889 = vector.shape_cast %get3A_888 : vector<16xf32> to vector<16xf32>
      %gt3A_890 = arith.cmpf ogt, %get3A_889, %scan3A_838 : vector<16xf32>
      %select_n3A_891 = arith.select %gt3A_890, %get3A_889, %scan3A_838 : vector<16xi1>, vector<16xf32>
      %select_n3A_892 = arith.select %gt3A_890, %scan3A_851, %scan3A_846 : vector<16xi1>, vector<16xi32>
      %add3A_893 = arith.constant 4 : i32
      %add3A_894 = arith.addi %mul3A_853, %add3A_893 : i32
      %mul3A_895 = arith.constant 16 : i32
      %mul3A_896 = arith.muli %add3A_894, %mul3A_895 : i32
      %get3A_897 = arith.index_cast %mul3A_896 : i32 to index
      %get3A_898 = tpu.vector_load %arg4[%get3A_897] {strides = array<i32>} : memref<32768xf32, #tpu.memory_space<vmem>>, vector<16xf32>,
      %get3A_899 = vector.shape_cast %get3A_898 : vector<16xf32> to vector<16xf32>
      %gt3A_900 = arith.cmpf ogt, %get3A_899, %scan3A_839 : vector<16xf32>
      %select_n3A_901 = arith.select %gt3A_900, %get3A_899, %scan3A_839 : vector<16xi1>, vector<16xf32>
      %select_n3A_902 = arith.select %gt3A_900, %scan3A_851, %scan3A_847 : vector<16xi1>, vector<16xi32>
      %add3A_903 = arith.constant 5 : i32
      %add3A_904 = arith.addi %mul3A_853, %add3A_903 : i32
      %mul3A_905 = arith.constant 16 : i32
      %mul3A_906 = arith.muli %add3A_904, %mul3A_905 : i32
      %get3A_907 = arith.index_cast %mul3A_906 : i32 to index
      %get3A_908 = tpu.vector_load %arg4[%get3A_907] {strides = array<i32>} : memref<32768xf32, #tpu.memory_space<vmem>>, vector<16xf32>,
      %get3A_909 = vector.shape_cast %get3A_908 : vector<16xf32> to vector<16xf32>
      %gt3A_910 = arith.cmpf ogt, %get3A_909, %scan3A_840 : vector<16xf32>
      %select_n3A_911 = arith.select %gt3A_910, %get3A_909, %scan3A_840 : vector<16xi1>, vector<16xf32>
      %select_n3A_912 = arith.select %gt3A_910, %scan3A_851, %scan3A_848 : vector<16xi1>, vector<16xi32>
      %add3A_913 = arith.constant 6 : i32
      %add3A_914 = arith.addi %mul3A_853, %add3A_913 : i32
      %mul3A_915 = arith.constant 16 : i32
      %mul3A_916 = arith.muli %add3A_914, %mul3A_915 : i32
      %get3A_917 = arith.index_cast %mul3A_916 : i32 to index
      %get3A_918 = tpu.vector_load %arg4[%get3A_917] {strides = array<i32>} : memref<32768xf32, #tpu.memory_space<vmem>>, vector<16xf32>,
      %get3A_919 = vector.shape_cast %get3A_918 : vector<16xf32> to vector<16xf32>
      %gt3A_920 = arith.cmpf ogt, %get3A_919, %scan3A_841 : vector<16xf32>
      %select_n3A_921 = arith.select %gt3A_920, %get3A_919, %scan3A_841 : vector<16xi1>, vector<16xf32>
      %select_n3A_922 = arith.select %gt3A_920, %scan3A_851, %scan3A_849 : vector<16xi1>, vector<16xi32>
      %add3A_923 = arith.constant 7 : i32
      %add3A_924 = arith.addi %mul3A_853, %add3A_923 : i32
      %mul3A_925 = arith.constant 16 : i32
      %mul3A_926 = arith.muli %add3A_924, %mul3A_925 : i32
      %get3A_927 = arith.index_cast %mul3A_926 : i32 to index
      %get3A_928 = tpu.vector_load %arg4[%get3A_927] {strides = array<i32>} : memref<32768xf32, #tpu.memory_space<vmem>>, vector<16xf32>,
      %get3A_929 = vector.shape_cast %get3A_928 : vector<16xf32> to vector<16xf32>
      %gt3A_930 = arith.cmpf ogt, %get3A_929, %scan3A_842 : vector<16xf32>
      %select_n3A_931 = arith.select %gt3A_930, %get3A_929, %scan3A_842 : vector<16xi1>, vector<16xf32>
      %select_n3A_932 = arith.select %gt3A_930, %scan3A_851, %scan3A_850 : vector<16xi1>, vector<16xi32>
      %add3A_933 = arith.constant 1 : i32
      %add3A_934 = vector.broadcast %add3A_933 : i32 to vector<16xi32>
      %add3A_935 = arith.addi %scan3A_851, %add3A_934 : vector<16xi32>
      scf.yield %select_n3A_861, %select_n3A_871, %select_n3A_881, %select_n3A_891, %select_n3A_901, %select_n3A_911, %select_n3A_921, %select_n3A_931, %select_n3A_862, %select_n3A_872, %select_n3A_882, %select_n3A_892, %select_n3A_902, %select_n3A_912, %select_n3A_922, %select_n3A_932, %add3A_935 : vector<16xf32>, vector<16xf32>, vector<16xf32>, vector<16xf32>, vector<16xf32>, vector<16xf32>, vector<16xf32>, vector<16xf32>, vector<16xi32>, vector<16xi32>, vector<16xi32>, vector<16xi32>, vector<16xi32>, vector<16xi32>, vector<16xi32>, vector<16xi32>, vector<16xi32>
    }
    %scan3A_108 = arith.constant 64 : i32
    %add3A_109 = arith.constant 0 : i32
    %add3A_110 = arith.addi %mul3A_2, %add3A_109 : i32
    %add3A_111 = arith.constant 2 : i32
    %add3A_112 = arith.addi %add3A_110, %add3A_111 : i32
    %dma_start3A_113 = arith.constant 0 : i32
    %dma_start3A_114 = tpu.memref_slice %arg4[%dma_start3A_113] : memref<32768xf32, #tpu.memory_space<vmem>> -> memref<8192xf32, #tpu.memory_space<vmem>>
    %dma_start3A_115 = arith.constant 0 : i32
    %dma_start3A_116 = tpu.memref_slice %arg2[%add3A_112, %dma_start3A_115] : memref<128x32768xf32, #tpu.memory_space<hbm>> -> memref<1x8192xf32, #tpu.memory_space<hbm>>
    %dma_start3A_117 = tpu.memref_squeeze %dma_start3A_116 : memref<1x8192xf32, #tpu.memory_space<hbm>> -> memref<8192xf32, #tpu.memory_space<hbm>>
    %dma_start3A_118 = arith.constant 0 : i32
    %dma_start3A_119 = tpu.memref_slice %arg4[%dma_start3A_118] : memref<32768xf32, #tpu.memory_space<vmem>> -> memref<8192xf32, #tpu.memory_space<vmem>>
    %dma_start3A_120 = arith.constant 0 : i32
    %dma_start3A_121 = tpu.memref_slice %arg2[%add3A_112, %dma_start3A_120] : memref<128x32768xf32, #tpu.memory_space<hbm>> -> memref<1x8192xf32, #tpu.memory_space<hbm>>
    %dma_start3A_122 = tpu.memref_squeeze %dma_start3A_121 : memref<1x8192xf32, #tpu.memory_space<hbm>> -> memref<8192xf32, #tpu.memory_space<hbm>>
    tpu.enqueue_dma source(%dma_start3A_122 : memref<8192xf32, #tpu.memory_space<hbm>>) target(%dma_start3A_119 : memref<8192xf32, #tpu.memory_space<vmem>>) target_semaphore(%arg7 : memref<!tpu.dma_semaphore, #tpu.memory_space<semaphore_mem>>)
    %dma_wait3A_123 = arith.constant 8192 : i32
    %dma_wait3A_124 = tpu.memref_slice %arg4[%dma_wait3A_123] : memref<32768xf32, #tpu.memory_space<vmem>> -> memref<8192xf32, #tpu.memory_space<vmem>>
    %dma_wait3A_125 = arith.constant 8192 : i32
    %dma_wait3A_126 = tpu.memref_slice %arg2[%mul3A_2, %dma_wait3A_125] : memref<128x32768xf32, #tpu.memory_space<hbm>> -> memref<1x8192xf32, #tpu.memory_space<hbm>>
    %dma_wait3A_127 = tpu.memref_squeeze %dma_wait3A_126 : memref<1x8192xf32, #tpu.memory_space<hbm>> -> memref<8192xf32, #tpu.memory_space<hbm>>
    %dma_wait3A_128 = arith.constant 8192 : i32
    %dma_wait3A_129 = tpu.memref_slice %arg4[%dma_wait3A_128] : memref<32768xf32, #tpu.memory_space<vmem>> -> memref<8192xf32, #tpu.memory_space<vmem>>
    %dma_wait3A_130 = arith.constant 8192 : i32
    %dma_wait3A_131 = tpu.memref_slice %arg2[%mul3A_2, %dma_wait3A_130] : memref<128x32768xf32, #tpu.memory_space<hbm>> -> memref<1x8192xf32, #tpu.memory_space<hbm>>
    %dma_wait3A_132 = tpu.memref_squeeze %dma_wait3A_131 : memref<1x8192xf32, #tpu.memory_space<hbm>> -> memref<8192xf32, #tpu.memory_space<hbm>>
    tpu.wait_dma2 semaphore(%arg8 : memref<!tpu.dma_semaphore, #tpu.memory_space<semaphore_mem>>) src(%dma_wait3A_132 : memref<8192xf32, #tpu.memory_space<hbm>>) dst(%dma_wait3A_129 : memref<8192xf32, #tpu.memory_space<vmem>>)
    %scan3A_133 = arith.constant 64 : i32
    %scan3A_134 = arith.constant 64 : i32
    %scan3A_135 = arith.addi %scan3A_133, %scan3A_134 : i32
    %scan3A_136 = arith.constant 1 : i32
    %scan3A_137:17 = scf.for %scan3A_834 = %scan3A_133 to %scan3A_135 step %scan3A_136 iter_args(%scan3A_835 = %scan3A_107#0, %scan3A_836 = %scan3A_107#1, %scan3A_837 = %scan3A_107#2, %scan3A_838 = %scan3A_107#3, %scan3A_839 = %scan3A_107#4, %scan3A_840 = %scan3A_107#5, %scan3A_841 = %scan3A_107#6, %scan3A_842 = %scan3A_107#7, %scan3A_843 = %scan3A_107#8, %scan3A_844 = %scan3A_107#9, %scan3A_845 = %scan3A_107#10, %scan3A_846 = %scan3A_107#11, %scan3A_847 = %scan3A_107#12, %scan3A_848 = %scan3A_107#13, %scan3A_849 = %scan3A_107#14, %scan3A_850 = %scan3A_107#15, %scan3A_851 = %scan3A_107#16) -> (vector<16xf32>, vector<16xf32>, vector<16xf32>, vector<16xf32>, vector<16xf32>, vector<16xf32>, vector<16xf32>, vector<16xf32>, vector<16xi32>, vector<16xi32>, vector<16xi32>, vector<16xi32>, vector<16xi32>, vector<16xi32>, vector<16xi32>, vector<16xi32>, vector<16xi32>)  : i32 {
      %mul3A_852 = arith.constant 8 : i32
      %mul3A_853 = arith.muli %scan3A_834, %mul3A_852 : i32
      %add3A_854 = arith.constant 0 : i32
      %add3A_855 = arith.addi %mul3A_853, %add3A_854 : i32
      %mul3A_856 = arith.constant 16 : i32
      %mul3A_857 = arith.muli %add3A_855, %mul3A_856 : i32
      %get3A = arith.index_cast %mul3A_857 : i32 to index
      %get3A_858 = tpu.vector_load %arg4[%get3A] {strides = array<i32>} : memref<32768xf32, #tpu.memory_space<vmem>>, vector<16xf32>,
      %get3A_859 = vector.shape_cast %get3A_858 : vector<16xf32> to vector<16xf32>
      %gt3A_860 = arith.cmpf ogt, %get3A_859, %scan3A_835 : vector<16xf32>
      %select_n3A_861 = arith.select %gt3A_860, %get3A_859, %scan3A_835 : vector<16xi1>, vector<16xf32>
      %select_n3A_862 = arith.select %gt3A_860, %scan3A_851, %scan3A_843 : vector<16xi1>, vector<16xi32>
      %add3A_863 = arith.constant 1 : i32
      %add3A_864 = arith.addi %mul3A_853, %add3A_863 : i32
      %mul3A_865 = arith.constant 16 : i32
      %mul3A_866 = arith.muli %add3A_864, %mul3A_865 : i32
      %get3A_867 = arith.index_cast %mul3A_866 : i32 to index
      %get3A_868 = tpu.vector_load %arg4[%get3A_867] {strides = array<i32>} : memref<32768xf32, #tpu.memory_space<vmem>>, vector<16xf32>,
      %get3A_869 = vector.shape_cast %get3A_868 : vector<16xf32> to vector<16xf32>
      %gt3A_870 = arith.cmpf ogt, %get3A_869, %scan3A_836 : vector<16xf32>
      %select_n3A_871 = arith.select %gt3A_870, %get3A_869, %scan3A_836 : vector<16xi1>, vector<16xf32>
      %select_n3A_872 = arith.select %gt3A_870, %scan3A_851, %scan3A_844 : vector<16xi1>, vector<16xi32>
      %add3A_873 = arith.constant 2 : i32
      %add3A_874 = arith.addi %mul3A_853, %add3A_873 : i32
      %mul3A_875 = arith.constant 16 : i32
      %mul3A_876 = arith.muli %add3A_874, %mul3A_875 : i32
      %get3A_877 = arith.index_cast %mul3A_876 : i32 to index
      %get3A_878 = tpu.vector_load %arg4[%get3A_877] {strides = array<i32>} : memref<32768xf32, #tpu.memory_space<vmem>>, vector<16xf32>,
      %get3A_879 = vector.shape_cast %get3A_878 : vector<16xf32> to vector<16xf32>
      %gt3A_880 = arith.cmpf ogt, %get3A_879, %scan3A_837 : vector<16xf32>
      %select_n3A_881 = arith.select %gt3A_880, %get3A_879, %scan3A_837 : vector<16xi1>, vector<16xf32>
      %select_n3A_882 = arith.select %gt3A_880, %scan3A_851, %scan3A_845 : vector<16xi1>, vector<16xi32>
      %add3A_883 = arith.constant 3 : i32
      %add3A_884 = arith.addi %mul3A_853, %add3A_883 : i32
      %mul3A_885 = arith.constant 16 : i32
      %mul3A_886 = arith.muli %add3A_884, %mul3A_885 : i32
      %get3A_887 = arith.index_cast %mul3A_886 : i32 to index
      %get3A_888 = tpu.vector_load %arg4[%get3A_887] {strides = array<i32>} : memref<32768xf32, #tpu.memory_space<vmem>>, vector<16xf32>,
      %get3A_889 = vector.shape_cast %get3A_888 : vector<16xf32> to vector<16xf32>
      %gt3A_890 = arith.cmpf ogt, %get3A_889, %scan3A_838 : vector<16xf32>
      %select_n3A_891 = arith.select %gt3A_890, %get3A_889, %scan3A_838 : vector<16xi1>, vector<16xf32>
      %select_n3A_892 = arith.select %gt3A_890, %scan3A_851, %scan3A_846 : vector<16xi1>, vector<16xi32>
      %add3A_893 = arith.constant 4 : i32
      %add3A_894 = arith.addi %mul3A_853, %add3A_893 : i32
      %mul3A_895 = arith.constant 16 : i32
      %mul3A_896 = arith.muli %add3A_894, %mul3A_895 : i32
      %get3A_897 = arith.index_cast %mul3A_896 : i32 to index
      %get3A_898 = tpu.vector_load %arg4[%get3A_897] {strides = array<i32>} : memref<32768xf32, #tpu.memory_space<vmem>>, vector<16xf32>,
      %get3A_899 = vector.shape_cast %get3A_898 : vector<16xf32> to vector<16xf32>
      %gt3A_900 = arith.cmpf ogt, %get3A_899, %scan3A_839 : vector<16xf32>
      %select_n3A_901 = arith.select %gt3A_900, %get3A_899, %scan3A_839 : vector<16xi1>, vector<16xf32>
      %select_n3A_902 = arith.select %gt3A_900, %scan3A_851, %scan3A_847 : vector<16xi1>, vector<16xi32>
      %add3A_903 = arith.constant 5 : i32
      %add3A_904 = arith.addi %mul3A_853, %add3A_903 : i32
      %mul3A_905 = arith.constant 16 : i32
      %mul3A_906 = arith.muli %add3A_904, %mul3A_905 : i32
      %get3A_907 = arith.index_cast %mul3A_906 : i32 to index
      %get3A_908 = tpu.vector_load %arg4[%get3A_907] {strides = array<i32>} : memref<32768xf32, #tpu.memory_space<vmem>>, vector<16xf32>,
      %get3A_909 = vector.shape_cast %get3A_908 : vector<16xf32> to vector<16xf32>
      %gt3A_910 = arith.cmpf ogt, %get3A_909, %scan3A_840 : vector<16xf32>
      %select_n3A_911 = arith.select %gt3A_910, %get3A_909, %scan3A_840 : vector<16xi1>, vector<16xf32>
      %select_n3A_912 = arith.select %gt3A_910, %scan3A_851, %scan3A_848 : vector<16xi1>, vector<16xi32>
      %add3A_913 = arith.constant 6 : i32
      %add3A_914 = arith.addi %mul3A_853, %add3A_913 : i32
      %mul3A_915 = arith.constant 16 : i32
      %mul3A_916 = arith.muli %add3A_914, %mul3A_915 : i32
      %get3A_917 = arith.index_cast %mul3A_916 : i32 to index
      %get3A_918 = tpu.vector_load %arg4[%get3A_917] {strides = array<i32>} : memref<32768xf32, #tpu.memory_space<vmem>>, vector<16xf32>,
      %get3A_919 = vector.shape_cast %get3A_918 : vector<16xf32> to vector<16xf32>
      %gt3A_920 = arith.cmpf ogt, %get3A_919, %scan3A_841 : vector<16xf32>
      %select_n3A_921 = arith.select %gt3A_920, %get3A_919, %scan3A_841 : vector<16xi1>, vector<16xf32>
      %select_n3A_922 = arith.select %gt3A_920, %scan3A_851, %scan3A_849 : vector<16xi1>, vector<16xi32>
      %add3A_923 = arith.constant 7 : i32
      %add3A_924 = arith.addi %mul3A_853, %add3A_923 : i32
      %mul3A_925 = arith.constant 16 : i32
      %mul3A_926 = arith.muli %add3A_924, %mul3A_925 : i32
      %get3A_927 = arith.index_cast %mul3A_926 : i32 to index
      %get3A_928 = tpu.vector_load %arg4[%get3A_927] {strides = array<i32>} : memref<32768xf32, #tpu.memory_space<vmem>>, vector<16xf32>,
      %get3A_929 = vector.shape_cast %get3A_928 : vector<16xf32> to vector<16xf32>
      %gt3A_930 = arith.cmpf ogt, %get3A_929, %scan3A_842 : vector<16xf32>
      %select_n3A_931 = arith.select %gt3A_930, %get3A_929, %scan3A_842 : vector<16xi1>, vector<16xf32>
      %select_n3A_932 = arith.select %gt3A_930, %scan3A_851, %scan3A_850 : vector<16xi1>, vector<16xi32>
      %add3A_933 = arith.constant 1 : i32
      %add3A_934 = vector.broadcast %add3A_933 : i32 to vector<16xi32>
      %add3A_935 = arith.addi %scan3A_851, %add3A_934 : vector<16xi32>
      scf.yield %select_n3A_861, %select_n3A_871, %select_n3A_881, %select_n3A_891, %select_n3A_901, %select_n3A_911, %select_n3A_921, %select_n3A_931, %select_n3A_862, %select_n3A_872, %select_n3A_882, %select_n3A_892, %select_n3A_902, %select_n3A_912, %select_n3A_922, %select_n3A_932, %add3A_935 : vector<16xf32>, vector<16xf32>, vector<16xf32>, vector<16xf32>, vector<16xf32>, vector<16xf32>, vector<16xf32>, vector<16xf32>, vector<16xi32>, vector<16xi32>, vector<16xi32>, vector<16xi32>, vector<16xi32>, vector<16xi32>, vector<16xi32>, vector<16xi32>, vector<16xi32>
    }
    %scan3A_138 = arith.constant 64 : i32
    %add3A_139 = arith.constant 0 : i32
    %add3A_140 = arith.addi %mul3A_2, %add3A_139 : i32
    %add3A_141 = arith.constant 2 : i32
    %add3A_142 = arith.addi %add3A_140, %add3A_141 : i32
    %dma_start3A_143 = arith.constant 8192 : i32
    %dma_start3A_144 = tpu.memref_slice %arg4[%dma_start3A_143] : memref<32768xf32, #tpu.memory_space<vmem>> -> memref<8192xf32, #tpu.memory_space<vmem>>
    %dma_start3A_145 = arith.constant 8192 : i32
    %dma_start3A_146 = tpu.memref_slice %arg2[%add3A_142, %dma_start3A_145] : memref<128x32768xf32, #tpu.memory_space<hbm>> -> memref<1x8192xf32, #tpu.memory_space<hbm>>
    %dma_start3A_147 = tpu.memref_squeeze %dma_start3A_146 : memref<1x8192xf32, #tpu.memory_space<hbm>> -> memref<8192xf32, #tpu.memory_space<hbm>>
    %dma_start3A_148 = arith.constant 8192 : i32
    %dma_start3A_149 = tpu.memref_slice %arg4[%dma_start3A_148] : memref<32768xf32, #tpu.memory_space<vmem>> -> memref<8192xf32, #tpu.memory_space<vmem>>
    %dma_start3A_150 = arith.constant 8192 : i32
    %dma_start3A_151 = tpu.memref_slice %arg2[%add3A_142, %dma_start3A_150] : memref<128x32768xf32, #tpu.memory_space<hbm>> -> memref<1x8192xf32, #tpu.memory_space<hbm>>
    %dma_start3A_152 = tpu.memref_squeeze %dma_start3A_151 : memref<1x8192xf32, #tpu.memory_space<hbm>> -> memref<8192xf32, #tpu.memory_space<hbm>>
    tpu.enqueue_dma source(%dma_start3A_152 : memref<8192xf32, #tpu.memory_space<hbm>>) target(%dma_start3A_149 : memref<8192xf32, #tpu.memory_space<vmem>>) target_semaphore(%arg8 : memref<!tpu.dma_semaphore, #tpu.memory_space<semaphore_mem>>)
    %dma_wait3A_153 = arith.constant 16384 : i32
    %dma_wait3A_154 = tpu.memref_slice %arg4[%dma_wait3A_153] : memref<32768xf32, #tpu.memory_space<vmem>> -> memref<8192xf32, #tpu.memory_space<vmem>>
    %dma_wait3A_155 = arith.constant 16384 : i32
    %dma_wait3A_156 = tpu.memref_slice %arg2[%mul3A_2, %dma_wait3A_155] : memref<128x32768xf32, #tpu.memory_space<hbm>> -> memref<1x8192xf32, #tpu.memory_space<hbm>>
    %dma_wait3A_157 = tpu.memref_squeeze %dma_wait3A_156 : memref<1x8192xf32, #tpu.memory_space<hbm>> -> memref<8192xf32, #tpu.memory_space<hbm>>
    %dma_wait3A_158 = arith.constant 16384 : i32
    %dma_wait3A_159 = tpu.memref_slice %arg4[%dma_wait3A_158] : memref<32768xf32, #tpu.memory_space<vmem>> -> memref<8192xf32, #tpu.memory_space<vmem>>
    %dma_wait3A_160 = arith.constant 16384 : i32
    %dma_wait3A_161 = tpu.memref_slice %arg2[%mul3A_2, %dma_wait3A_160] : memref<128x32768xf32, #tpu.memory_space<hbm>> -> memref<1x8192xf32, #tpu.memory_space<hbm>>
    %dma_wait3A_162 = tpu.memref_squeeze %dma_wait3A_161 : memref<1x8192xf32, #tpu.memory_space<hbm>> -> memref<8192xf32, #tpu.memory_space<hbm>>
    tpu.wait_dma2 semaphore(%arg9 : memref<!tpu.dma_semaphore, #tpu.memory_space<semaphore_mem>>) src(%dma_wait3A_162 : memref<8192xf32, #tpu.memory_space<hbm>>) dst(%dma_wait3A_159 : memref<8192xf32, #tpu.memory_space<vmem>>)
    %scan3A_163 = arith.constant 128 : i32
    %scan3A_164 = arith.constant 64 : i32
    %scan3A_165 = arith.addi %scan3A_163, %scan3A_164 : i32
    %scan3A_166 = arith.constant 1 : i32
    %scan3A_167:17 = scf.for %scan3A_834 = %scan3A_163 to %scan3A_165 step %scan3A_166 iter_args(%scan3A_835 = %scan3A_137#0, %scan3A_836 = %scan3A_137#1, %scan3A_837 = %scan3A_137#2, %scan3A_838 = %scan3A_137#3, %scan3A_839 = %scan3A_137#4, %scan3A_840 = %scan3A_137#5, %scan3A_841 = %scan3A_137#6, %scan3A_842 = %scan3A_137#7, %scan3A_843 = %scan3A_137#8, %scan3A_844 = %scan3A_137#9, %scan3A_845 = %scan3A_137#10, %scan3A_846 = %scan3A_137#11, %scan3A_847 = %scan3A_137#12, %scan3A_848 = %scan3A_137#13, %scan3A_849 = %scan3A_137#14, %scan3A_850 = %scan3A_137#15, %scan3A_851 = %scan3A_137#16) -> (vector<16xf32>, vector<16xf32>, vector<16xf32>, vector<16xf32>, vector<16xf32>, vector<16xf32>, vector<16xf32>, vector<16xf32>, vector<16xi32>, vector<16xi32>, vector<16xi32>, vector<16xi32>, vector<16xi32>, vector<16xi32>, vector<16xi32>, vector<16xi32>, vector<16xi32>)  : i32 {
      %mul3A_852 = arith.constant 8 : i32
      %mul3A_853 = arith.muli %scan3A_834, %mul3A_852 : i32
      %add3A_854 = arith.constant 0 : i32
      %add3A_855 = arith.addi %mul3A_853, %add3A_854 : i32
      %mul3A_856 = arith.constant 16 : i32
      %mul3A_857 = arith.muli %add3A_855, %mul3A_856 : i32
      %get3A = arith.index_cast %mul3A_857 : i32 to index
      %get3A_858 = tpu.vector_load %arg4[%get3A] {strides = array<i32>} : memref<32768xf32, #tpu.memory_space<vmem>>, vector<16xf32>,
      %get3A_859 = vector.shape_cast %get3A_858 : vector<16xf32> to vector<16xf32>
      %gt3A_860 = arith.cmpf ogt, %get3A_859, %scan3A_835 : vector<16xf32>
      %select_n3A_861 = arith.select %gt3A_860, %get3A_859, %scan3A_835 : vector<16xi1>, vector<16xf32>
      %select_n3A_862 = arith.select %gt3A_860, %scan3A_851, %scan3A_843 : vector<16xi1>, vector<16xi32>
      %add3A_863 = arith.constant 1 : i32
      %add3A_864 = arith.addi %mul3A_853, %add3A_863 : i32
      %mul3A_865 = arith.constant 16 : i32
      %mul3A_866 = arith.muli %add3A_864, %mul3A_865 : i32
      %get3A_867 = arith.index_cast %mul3A_866 : i32 to index
      %get3A_868 = tpu.vector_load %arg4[%get3A_867] {strides = array<i32>} : memref<32768xf32, #tpu.memory_space<vmem>>, vector<16xf32>,
      %get3A_869 = vector.shape_cast %get3A_868 : vector<16xf32> to vector<16xf32>
      %gt3A_870 = arith.cmpf ogt, %get3A_869, %scan3A_836 : vector<16xf32>
      %select_n3A_871 = arith.select %gt3A_870, %get3A_869, %scan3A_836 : vector<16xi1>, vector<16xf32>
      %select_n3A_872 = arith.select %gt3A_870, %scan3A_851, %scan3A_844 : vector<16xi1>, vector<16xi32>
      %add3A_873 = arith.constant 2 : i32
      %add3A_874 = arith.addi %mul3A_853, %add3A_873 : i32
      %mul3A_875 = arith.constant 16 : i32
      %mul3A_876 = arith.muli %add3A_874, %mul3A_875 : i32
      %get3A_877 = arith.index_cast %mul3A_876 : i32 to index
      %get3A_878 = tpu.vector_load %arg4[%get3A_877] {strides = array<i32>} : memref<32768xf32, #tpu.memory_space<vmem>>, vector<16xf32>,
      %get3A_879 = vector.shape_cast %get3A_878 : vector<16xf32> to vector<16xf32>
      %gt3A_880 = arith.cmpf ogt, %get3A_879, %scan3A_837 : vector<16xf32>
      %select_n3A_881 = arith.select %gt3A_880, %get3A_879, %scan3A_837 : vector<16xi1>, vector<16xf32>
      %select_n3A_882 = arith.select %gt3A_880, %scan3A_851, %scan3A_845 : vector<16xi1>, vector<16xi32>
      %add3A_883 = arith.constant 3 : i32
      %add3A_884 = arith.addi %mul3A_853, %add3A_883 : i32
      %mul3A_885 = arith.constant 16 : i32
      %mul3A_886 = arith.muli %add3A_884, %mul3A_885 : i32
      %get3A_887 = arith.index_cast %mul3A_886 : i32 to index
      %get3A_888 = tpu.vector_load %arg4[%get3A_887] {strides = array<i32>} : memref<32768xf32, #tpu.memory_space<vmem>>, vector<16xf32>,
      %get3A_889 = vector.shape_cast %get3A_888 : vector<16xf32> to vector<16xf32>
      %gt3A_890 = arith.cmpf ogt, %get3A_889, %scan3A_838 : vector<16xf32>
      %select_n3A_891 = arith.select %gt3A_890, %get3A_889, %scan3A_838 : vector<16xi1>, vector<16xf32>
      %select_n3A_892 = arith.select %gt3A_890, %scan3A_851, %scan3A_846 : vector<16xi1>, vector<16xi32>
      %add3A_893 = arith.constant 4 : i32
      %add3A_894 = arith.addi %mul3A_853, %add3A_893 : i32
      %mul3A_895 = arith.constant 16 : i32
      %mul3A_896 = arith.muli %add3A_894, %mul3A_895 : i32
      %get3A_897 = arith.index_cast %mul3A_896 : i32 to index
      %get3A_898 = tpu.vector_load %arg4[%get3A_897] {strides = array<i32>} : memref<32768xf32, #tpu.memory_space<vmem>>, vector<16xf32>,
      %get3A_899 = vector.shape_cast %get3A_898 : vector<16xf32> to vector<16xf32>
      %gt3A_900 = arith.cmpf ogt, %get3A_899, %scan3A_839 : vector<16xf32>
      %select_n3A_901 = arith.select %gt3A_900, %get3A_899, %scan3A_839 : vector<16xi1>, vector<16xf32>
      %select_n3A_902 = arith.select %gt3A_900, %scan3A_851, %scan3A_847 : vector<16xi1>, vector<16xi32>
      %add3A_903 = arith.constant 5 : i32
      %add3A_904 = arith.addi %mul3A_853, %add3A_903 : i32
      %mul3A_905 = arith.constant 16 : i32
      %mul3A_906 = arith.muli %add3A_904, %mul3A_905 : i32
      %get3A_907 = arith.index_cast %mul3A_906 : i32 to index
      %get3A_908 = tpu.vector_load %arg4[%get3A_907] {strides = array<i32>} : memref<32768xf32, #tpu.memory_space<vmem>>, vector<16xf32>,
      %get3A_909 = vector.shape_cast %get3A_908 : vector<16xf32> to vector<16xf32>
      %gt3A_910 = arith.cmpf ogt, %get3A_909, %scan3A_840 : vector<16xf32>
      %select_n3A_911 = arith.select %gt3A_910, %get3A_909, %scan3A_840 : vector<16xi1>, vector<16xf32>
      %select_n3A_912 = arith.select %gt3A_910, %scan3A_851, %scan3A_848 : vector<16xi1>, vector<16xi32>
      %add3A_913 = arith.constant 6 : i32
      %add3A_914 = arith.addi %mul3A_853, %add3A_913 : i32
      %mul3A_915 = arith.constant 16 : i32
      %mul3A_916 = arith.muli %add3A_914, %mul3A_915 : i32
      %get3A_917 = arith.index_cast %mul3A_916 : i32 to index
      %get3A_918 = tpu.vector_load %arg4[%get3A_917] {strides = array<i32>} : memref<32768xf32, #tpu.memory_space<vmem>>, vector<16xf32>,
      %get3A_919 = vector.shape_cast %get3A_918 : vector<16xf32> to vector<16xf32>
      %gt3A_920 = arith.cmpf ogt, %get3A_919, %scan3A_841 : vector<16xf32>
      %select_n3A_921 = arith.select %gt3A_920, %get3A_919, %scan3A_841 : vector<16xi1>, vector<16xf32>
      %select_n3A_922 = arith.select %gt3A_920, %scan3A_851, %scan3A_849 : vector<16xi1>, vector<16xi32>
      %add3A_923 = arith.constant 7 : i32
      %add3A_924 = arith.addi %mul3A_853, %add3A_923 : i32
      %mul3A_925 = arith.constant 16 : i32
      %mul3A_926 = arith.muli %add3A_924, %mul3A_925 : i32
      %get3A_927 = arith.index_cast %mul3A_926 : i32 to index
      %get3A_928 = tpu.vector_load %arg4[%get3A_927] {strides = array<i32>} : memref<32768xf32, #tpu.memory_space<vmem>>, vector<16xf32>,
      %get3A_929 = vector.shape_cast %get3A_928 : vector<16xf32> to vector<16xf32>
      %gt3A_930 = arith.cmpf ogt, %get3A_929, %scan3A_842 : vector<16xf32>
      %select_n3A_931 = arith.select %gt3A_930, %get3A_929, %scan3A_842 : vector<16xi1>, vector<16xf32>
      %select_n3A_932 = arith.select %gt3A_930, %scan3A_851, %scan3A_850 : vector<16xi1>, vector<16xi32>
      %add3A_933 = arith.constant 1 : i32
      %add3A_934 = vector.broadcast %add3A_933 : i32 to vector<16xi32>
      %add3A_935 = arith.addi %scan3A_851, %add3A_934 : vector<16xi32>
      scf.yield %select_n3A_861, %select_n3A_871, %select_n3A_881, %select_n3A_891, %select_n3A_901, %select_n3A_911, %select_n3A_921, %select_n3A_931, %select_n3A_862, %select_n3A_872, %select_n3A_882, %select_n3A_892, %select_n3A_902, %select_n3A_912, %select_n3A_922, %select_n3A_932, %add3A_935 : vector<16xf32>, vector<16xf32>, vector<16xf32>, vector<16xf32>, vector<16xf32>, vector<16xf32>, vector<16xf32>, vector<16xf32>, vector<16xi32>, vector<16xi32>, vector<16xi32>, vector<16xi32>, vector<16xi32>, vector<16xi32>, vector<16xi32>, vector<16xi32>, vector<16xi32>
    }
    %scan3A_168 = arith.constant 64 : i32
    %add3A_169 = arith.constant 0 : i32
    %add3A_170 = arith.addi %mul3A_2, %add3A_169 : i32
    %add3A_171 = arith.constant 2 : i32
    %add3A_172 = arith.addi %add3A_170, %add3A_171 : i32
    %dma_start3A_173 = arith.constant 16384 : i32
    %dma_start3A_174 = tpu.memref_slice %arg4[%dma_start3A_173] : memref<32768xf32, #tpu.memory_space<vmem>> -> memref<8192xf32, #tpu.memory_space<vmem>>
    %dma_start3A_175 = arith.constant 16384 : i32
    %dma_start3A_176 = tpu.memref_slice %arg2[%add3A_172, %dma_start3A_175] : memref<128x32768xf32, #tpu.memory_space<hbm>> -> memref<1x8192xf32, #tpu.memory_space<hbm>>
    %dma_start3A_177 = tpu.memref_squeeze %dma_start3A_176 : memref<1x8192xf32, #tpu.memory_space<hbm>> -> memref<8192xf32, #tpu.memory_space<hbm>>
    %dma_start3A_178 = arith.constant 16384 : i32
    %dma_start3A_179 = tpu.memref_slice %arg4[%dma_start3A_178] : memref<32768xf32, #tpu.memory_space<vmem>> -> memref<8192xf32, #tpu.memory_space<vmem>>
    %dma_start3A_180 = arith.constant 16384 : i32
    %dma_start3A_181 = tpu.memref_slice %arg2[%add3A_172, %dma_start3A_180] : memref<128x32768xf32, #tpu.memory_space<hbm>> -> memref<1x8192xf32, #tpu.memory_space<hbm>>
    %dma_start3A_182 = tpu.memref_squeeze %dma_start3A_181 : memref<1x8192xf32, #tpu.memory_space<hbm>> -> memref<8192xf32, #tpu.memory_space<hbm>>
    tpu.enqueue_dma source(%dma_start3A_182 : memref<8192xf32, #tpu.memory_space<hbm>>) target(%dma_start3A_179 : memref<8192xf32, #tpu.memory_space<vmem>>) target_semaphore(%arg9 : memref<!tpu.dma_semaphore, #tpu.memory_space<semaphore_mem>>)
    %dma_wait3A_183 = arith.constant 24576 : i32
    %dma_wait3A_184 = tpu.memref_slice %arg4[%dma_wait3A_183] : memref<32768xf32, #tpu.memory_space<vmem>> -> memref<8192xf32, #tpu.memory_space<vmem>>
    %dma_wait3A_185 = arith.constant 24576 : i32
    %dma_wait3A_186 = tpu.memref_slice %arg2[%mul3A_2, %dma_wait3A_185] : memref<128x32768xf32, #tpu.memory_space<hbm>> -> memref<1x8192xf32, #tpu.memory_space<hbm>>
    %dma_wait3A_187 = tpu.memref_squeeze %dma_wait3A_186 : memref<1x8192xf32, #tpu.memory_space<hbm>> -> memref<8192xf32, #tpu.memory_space<hbm>>
    %dma_wait3A_188 = arith.constant 24576 : i32
    %dma_wait3A_189 = tpu.memref_slice %arg4[%dma_wait3A_188] : memref<32768xf32, #tpu.memory_space<vmem>> -> memref<8192xf32, #tpu.memory_space<vmem>>
    %dma_wait3A_190 = arith.constant 24576 : i32
    %dma_wait3A_191 = tpu.memref_slice %arg2[%mul3A_2, %dma_wait3A_190] : memref<128x32768xf32, #tpu.memory_space<hbm>> -> memref<1x8192xf32, #tpu.memory_space<hbm>>
    %dma_wait3A_192 = tpu.memref_squeeze %dma_wait3A_191 : memref<1x8192xf32, #tpu.memory_space<hbm>> -> memref<8192xf32, #tpu.memory_space<hbm>>
    tpu.wait_dma2 semaphore(%arg10 : memref<!tpu.dma_semaphore, #tpu.memory_space<semaphore_mem>>) src(%dma_wait3A_192 : memref<8192xf32, #tpu.memory_space<hbm>>) dst(%dma_wait3A_189 : memref<8192xf32, #tpu.memory_space<vmem>>)
    %scan3A_193 = arith.constant 192 : i32
    %scan3A_194 = arith.constant 64 : i32
    %scan3A_195 = arith.addi %scan3A_193, %scan3A_194 : i32
    %scan3A_196 = arith.constant 1 : i32
    %scan3A_197:17 = scf.for %scan3A_834 = %scan3A_193 to %scan3A_195 step %scan3A_196 iter_args(%scan3A_835 = %scan3A_167#0, %scan3A_836 = %scan3A_167#1, %scan3A_837 = %scan3A_167#2, %scan3A_838 = %scan3A_167#3, %scan3A_839 = %scan3A_167#4, %scan3A_840 = %scan3A_167#5, %scan3A_841 = %scan3A_167#6, %scan3A_842 = %scan3A_167#7, %scan3A_843 = %scan3A_167#8, %scan3A_844 = %scan3A_167#9, %scan3A_845 = %scan3A_167#10, %scan3A_846 = %scan3A_167#11, %scan3A_847 = %scan3A_167#12, %scan3A_848 = %scan3A_167#13, %scan3A_849 = %scan3A_167#14, %scan3A_850 = %scan3A_167#15, %scan3A_851 = %scan3A_167#16) -> (vector<16xf32>, vector<16xf32>, vector<16xf32>, vector<16xf32>, vector<16xf32>, vector<16xf32>, vector<16xf32>, vector<16xf32>, vector<16xi32>, vector<16xi32>, vector<16xi32>, vector<16xi32>, vector<16xi32>, vector<16xi32>, vector<16xi32>, vector<16xi32>, vector<16xi32>)  : i32 {
      %mul3A_852 = arith.constant 8 : i32
      %mul3A_853 = arith.muli %scan3A_834, %mul3A_852 : i32
      %add3A_854 = arith.constant 0 : i32
      %add3A_855 = arith.addi %mul3A_853, %add3A_854 : i32
      %mul3A_856 = arith.constant 16 : i32
      %mul3A_857 = arith.muli %add3A_855, %mul3A_856 : i32
      %get3A = arith.index_cast %mul3A_857 : i32 to index
      %get3A_858 = tpu.vector_load %arg4[%get3A] {strides = array<i32>} : memref<32768xf32, #tpu.memory_space<vmem>>, vector<16xf32>,
      %get3A_859 = vector.shape_cast %get3A_858 : vector<16xf32> to vector<16xf32>
      %gt3A_860 = arith.cmpf ogt, %get3A_859, %scan3A_835 : vector<16xf32>
      %select_n3A_861 = arith.select %gt3A_860, %get3A_859, %scan3A_835 : vector<16xi1>, vector<16xf32>
      %select_n3A_862 = arith.select %gt3A_860, %scan3A_851, %scan3A_843 : vector<16xi1>, vector<16xi32>
      %add3A_863 = arith.constant 1 : i32
      %add3A_864 = arith.addi %mul3A_853, %add3A_863 : i32
      %mul3A_865 = arith.constant 16 : i32
      %mul3A_866 = arith.muli %add3A_864, %mul3A_865 : i32
      %get3A_867 = arith.index_cast %mul3A_866 : i32 to index
      %get3A_868 = tpu.vector_load %arg4[%get3A_867] {strides = array<i32>} : memref<32768xf32, #tpu.memory_space<vmem>>, vector<16xf32>,
      %get3A_869 = vector.shape_cast %get3A_868 : vector<16xf32> to vector<16xf32>
      %gt3A_870 = arith.cmpf ogt, %get3A_869, %scan3A_836 : vector<16xf32>
      %select_n3A_871 = arith.select %gt3A_870, %get3A_869, %scan3A_836 : vector<16xi1>, vector<16xf32>
      %select_n3A_872 = arith.select %gt3A_870, %scan3A_851, %scan3A_844 : vector<16xi1>, vector<16xi32>
      %add3A_873 = arith.constant 2 : i32
      %add3A_874 = arith.addi %mul3A_853, %add3A_873 : i32
      %mul3A_875 = arith.constant 16 : i32
      %mul3A_876 = arith.muli %add3A_874, %mul3A_875 : i32
      %get3A_877 = arith.index_cast %mul3A_876 : i32 to index
      %get3A_878 = tpu.vector_load %arg4[%get3A_877] {strides = array<i32>} : memref<32768xf32, #tpu.memory_space<vmem>>, vector<16xf32>,
      %get3A_879 = vector.shape_cast %get3A_878 : vector<16xf32> to vector<16xf32>
      %gt3A_880 = arith.cmpf ogt, %get3A_879, %scan3A_837 : vector<16xf32>
      %select_n3A_881 = arith.select %gt3A_880, %get3A_879, %scan3A_837 : vector<16xi1>, vector<16xf32>
      %select_n3A_882 = arith.select %gt3A_880, %scan3A_851, %scan3A_845 : vector<16xi1>, vector<16xi32>
      %add3A_883 = arith.constant 3 : i32
      %add3A_884 = arith.addi %mul3A_853, %add3A_883 : i32
      %mul3A_885 = arith.constant 16 : i32
      %mul3A_886 = arith.muli %add3A_884, %mul3A_885 : i32
      %get3A_887 = arith.index_cast %mul3A_886 : i32 to index
      %get3A_888 = tpu.vector_load %arg4[%get3A_887] {strides = array<i32>} : memref<32768xf32, #tpu.memory_space<vmem>>, vector<16xf32>,
      %get3A_889 = vector.shape_cast %get3A_888 : vector<16xf32> to vector<16xf32>
      %gt3A_890 = arith.cmpf ogt, %get3A_889, %scan3A_838 : vector<16xf32>
      %select_n3A_891 = arith.select %gt3A_890, %get3A_889, %scan3A_838 : vector<16xi1>, vector<16xf32>
      %select_n3A_892 = arith.select %gt3A_890, %scan3A_851, %scan3A_846 : vector<16xi1>, vector<16xi32>
      %add3A_893 = arith.constant 4 : i32
      %add3A_894 = arith.addi %mul3A_853, %add3A_893 : i32
      %mul3A_895 = arith.constant 16 : i32
      %mul3A_896 = arith.muli %add3A_894, %mul3A_895 : i32
      %get3A_897 = arith.index_cast %mul3A_896 : i32 to index
      %get3A_898 = tpu.vector_load %arg4[%get3A_897] {strides = array<i32>} : memref<32768xf32, #tpu.memory_space<vmem>>, vector<16xf32>,
      %get3A_899 = vector.shape_cast %get3A_898 : vector<16xf32> to vector<16xf32>
      %gt3A_900 = arith.cmpf ogt, %get3A_899, %scan3A_839 : vector<16xf32>
      %select_n3A_901 = arith.select %gt3A_900, %get3A_899, %scan3A_839 : vector<16xi1>, vector<16xf32>
      %select_n3A_902 = arith.select %gt3A_900, %scan3A_851, %scan3A_847 : vector<16xi1>, vector<16xi32>
      %add3A_903 = arith.constant 5 : i32
      %add3A_904 = arith.addi %mul3A_853, %add3A_903 : i32
      %mul3A_905 = arith.constant 16 : i32
      %mul3A_906 = arith.muli %add3A_904, %mul3A_905 : i32
      %get3A_907 = arith.index_cast %mul3A_906 : i32 to index
      %get3A_908 = tpu.vector_load %arg4[%get3A_907] {strides = array<i32>} : memref<32768xf32, #tpu.memory_space<vmem>>, vector<16xf32>,
      %get3A_909 = vector.shape_cast %get3A_908 : vector<16xf32> to vector<16xf32>
      %gt3A_910 = arith.cmpf ogt, %get3A_909, %scan3A_840 : vector<16xf32>
      %select_n3A_911 = arith.select %gt3A_910, %get3A_909, %scan3A_840 : vector<16xi1>, vector<16xf32>
      %select_n3A_912 = arith.select %gt3A_910, %scan3A_851, %scan3A_848 : vector<16xi1>, vector<16xi32>
      %add3A_913 = arith.constant 6 : i32
      %add3A_914 = arith.addi %mul3A_853, %add3A_913 : i32
      %mul3A_915 = arith.constant 16 : i32
      %mul3A_916 = arith.muli %add3A_914, %mul3A_915 : i32
      %get3A_917 = arith.index_cast %mul3A_916 : i32 to index
      %get3A_918 = tpu.vector_load %arg4[%get3A_917] {strides = array<i32>} : memref<32768xf32, #tpu.memory_space<vmem>>, vector<16xf32>,
      %get3A_919 = vector.shape_cast %get3A_918 : vector<16xf32> to vector<16xf32>
      %gt3A_920 = arith.cmpf ogt, %get3A_919, %scan3A_841 : vector<16xf32>
      %select_n3A_921 = arith.select %gt3A_920, %get3A_919, %scan3A_841 : vector<16xi1>, vector<16xf32>
      %select_n3A_922 = arith.select %gt3A_920, %scan3A_851, %scan3A_849 : vector<16xi1>, vector<16xi32>
      %add3A_923 = arith.constant 7 : i32
      %add3A_924 = arith.addi %mul3A_853, %add3A_923 : i32
      %mul3A_925 = arith.constant 16 : i32
      %mul3A_926 = arith.muli %add3A_924, %mul3A_925 : i32
      %get3A_927 = arith.index_cast %mul3A_926 : i32 to index
      %get3A_928 = tpu.vector_load %arg4[%get3A_927] {strides = array<i32>} : memref<32768xf32, #tpu.memory_space<vmem>>, vector<16xf32>,
      %get3A_929 = vector.shape_cast %get3A_928 : vector<16xf32> to vector<16xf32>
      %gt3A_930 = arith.cmpf ogt, %get3A_929, %scan3A_842 : vector<16xf32>
      %select_n3A_931 = arith.select %gt3A_930, %get3A_929, %scan3A_842 : vector<16xi1>, vector<16xf32>
      %select_n3A_932 = arith.select %gt3A_930, %scan3A_851, %scan3A_850 : vector<16xi1>, vector<16xi32>
      %add3A_933 = arith.constant 1 : i32
      %add3A_934 = vector.broadcast %add3A_933 : i32 to vector<16xi32>
      %add3A_935 = arith.addi %scan3A_851, %add3A_934 : vector<16xi32>
      scf.yield %select_n3A_861, %select_n3A_871, %select_n3A_881, %select_n3A_891, %select_n3A_901, %select_n3A_911, %select_n3A_921, %select_n3A_931, %select_n3A_862, %select_n3A_872, %select_n3A_882, %select_n3A_892, %select_n3A_902, %select_n3A_912, %select_n3A_922, %select_n3A_932, %add3A_935 : vector<16xf32>, vector<16xf32>, vector<16xf32>, vector<16xf32>, vector<16xf32>, vector<16xf32>, vector<16xf32>, vector<16xf32>, vector<16xi32>, vector<16xi32>, vector<16xi32>, vector<16xi32>, vector<16xi32>, vector<16xi32>, vector<16xi32>, vector<16xi32>, vector<16xi32>
    }
    %scan3A_198 = arith.constant 64 : i32
    %add3A_199 = arith.constant 0 : i32
    %add3A_200 = arith.addi %mul3A_2, %add3A_199 : i32
    %add3A_201 = arith.constant 2 : i32
    %add3A_202 = arith.addi %add3A_200, %add3A_201 : i32
    %dma_start3A_203 = arith.constant 24576 : i32
    %dma_start3A_204 = tpu.memref_slice %arg4[%dma_start3A_203] : memref<32768xf32, #tpu.memory_space<vmem>> -> memref<8192xf32, #tpu.memory_space<vmem>>
    %dma_start3A_205 = arith.constant 24576 : i32
    %dma_start3A_206 = tpu.memref_slice %arg2[%add3A_202, %dma_start3A_205] : memref<128x32768xf32, #tpu.memory_space<hbm>> -> memref<1x8192xf32, #tpu.memory_space<hbm>>
    %dma_start3A_207 = tpu.memref_squeeze %dma_start3A_206 : memref<1x8192xf32, #tpu.memory_space<hbm>> -> memref<8192xf32, #tpu.memory_space<hbm>>
    %dma_start3A_208 = arith.constant 24576 : i32
    %dma_start3A_209 = tpu.memref_slice %arg4[%dma_start3A_208] : memref<32768xf32, #tpu.memory_space<vmem>> -> memref<8192xf32, #tpu.memory_space<vmem>>
    %dma_start3A_210 = arith.constant 24576 : i32
    %dma_start3A_211 = tpu.memref_slice %arg2[%add3A_202, %dma_start3A_210] : memref<128x32768xf32, #tpu.memory_space<hbm>> -> memref<1x8192xf32, #tpu.memory_space<hbm>>
    %dma_start3A_212 = tpu.memref_squeeze %dma_start3A_211 : memref<1x8192xf32, #tpu.memory_space<hbm>> -> memref<8192xf32, #tpu.memory_space<hbm>>
    tpu.enqueue_dma source(%dma_start3A_212 : memref<8192xf32, #tpu.memory_space<hbm>>) target(%dma_start3A_209 : memref<8192xf32, #tpu.memory_space<vmem>>) target_semaphore(%arg10 : memref<!tpu.dma_semaphore, #tpu.memory_space<semaphore_mem>>)
    %iota3A_213 = tpu.iota {dimensions = array<i32: 0>} : vector<16xi32>
    %mul3A_214 = arith.constant 128 : i32
    %mul3A_215 = vector.broadcast %mul3A_214 : i32 to vector<16xi32>
    %mul3A_216 = arith.muli %scan3A_197#8, %mul3A_215 : vector<16xi32>
    %add3A_217 = arith.addi %mul3A_216, %iota3A_213 : vector<16xi32>
    %mul3A_218 = arith.constant 128 : i32
    %mul3A_219 = vector.broadcast %mul3A_218 : i32 to vector<16xi32>
    %mul3A_220 = arith.muli %scan3A_197#9, %mul3A_219 : vector<16xi32>
    %add3A_221 = arith.constant 16 : i32
    %add3A_222 = vector.broadcast %add3A_221 : i32 to vector<16xi32>
    %add3A_223 = arith.addi %iota3A_213, %add3A_222 : vector<16xi32>
    %add3A_224 = arith.addi %mul3A_220, %add3A_223 : vector<16xi32>
    %gt3A = arith.cmpf ogt, %scan3A_197#1, %scan3A_197#0 : vector<16xf32>
    %eq3A = arith.cmpf oeq, %scan3A_197#1, %scan3A_197#0 : vector<16xf32>
    %lt3A = arith.cmpi slt, %add3A_224, %add3A_217 : vector<16xi32>
    %and3A = arith.andi %eq3A, %lt3A : vector<16xi1>
    %or3A = arith.ori %gt3A, %and3A : vector<16xi1>
    %select_n3A = arith.select %or3A, %scan3A_197#1, %scan3A_197#0 : vector<16xi1>, vector<16xf32>
    %select_n3A_225 = arith.select %or3A, %add3A_224, %add3A_217 : vector<16xi1>, vector<16xi32>
    %mul3A_226 = arith.constant 128 : i32
    %mul3A_227 = vector.broadcast %mul3A_226 : i32 to vector<16xi32>
    %mul3A_228 = arith.muli %scan3A_197#10, %mul3A_227 : vector<16xi32>
    %add3A_229 = arith.constant 32 : i32
    %add3A_230 = vector.broadcast %add3A_229 : i32 to vector<16xi32>
    %add3A_231 = arith.addi %iota3A_213, %add3A_230 : vector<16xi32>
    %add3A_232 = arith.addi %mul3A_228, %add3A_231 : vector<16xi32>
    %gt3A_233 = arith.cmpf ogt, %scan3A_197#2, %select_n3A : vector<16xf32>
    %eq3A_234 = arith.cmpf oeq, %scan3A_197#2, %select_n3A : vector<16xf32>
    %lt3A_235 = arith.cmpi slt, %add3A_232, %select_n3A_225 : vector<16xi32>
    %and3A_236 = arith.andi %eq3A_234, %lt3A_235 : vector<16xi1>
    %or3A_237 = arith.ori %gt3A_233, %and3A_236 : vector<16xi1>
    %select_n3A_238 = arith.select %or3A_237, %scan3A_197#2, %select_n3A : vector<16xi1>, vector<16xf32>
    %select_n3A_239 = arith.select %or3A_237, %add3A_232, %select_n3A_225 : vector<16xi1>, vector<16xi32>
    %mul3A_240 = arith.constant 128 : i32
    %mul3A_241 = vector.broadcast %mul3A_240 : i32 to vector<16xi32>
    %mul3A_242 = arith.muli %scan3A_197#11, %mul3A_241 : vector<16xi32>
    %add3A_243 = arith.constant 48 : i32
    %add3A_244 = vector.broadcast %add3A_243 : i32 to vector<16xi32>
    %add3A_245 = arith.addi %iota3A_213, %add3A_244 : vector<16xi32>
    %add3A_246 = arith.addi %mul3A_242, %add3A_245 : vector<16xi32>
    %gt3A_247 = arith.cmpf ogt, %scan3A_197#3, %select_n3A_238 : vector<16xf32>
    %eq3A_248 = arith.cmpf oeq, %scan3A_197#3, %select_n3A_238 : vector<16xf32>
    %lt3A_249 = arith.cmpi slt, %add3A_246, %select_n3A_239 : vector<16xi32>
    %and3A_250 = arith.andi %eq3A_248, %lt3A_249 : vector<16xi1>
    %or3A_251 = arith.ori %gt3A_247, %and3A_250 : vector<16xi1>
    %select_n3A_252 = arith.select %or3A_251, %scan3A_197#3, %select_n3A_238 : vector<16xi1>, vector<16xf32>
    %select_n3A_253 = arith.select %or3A_251, %add3A_246, %select_n3A_239 : vector<16xi1>, vector<16xi32>
    %mul3A_254 = arith.constant 128 : i32
    %mul3A_255 = vector.broadcast %mul3A_254 : i32 to vector<16xi32>
    %mul3A_256 = arith.muli %scan3A_197#12, %mul3A_255 : vector<16xi32>
    %add3A_257 = arith.constant 64 : i32
    %add3A_258 = vector.broadcast %add3A_257 : i32 to vector<16xi32>
    %add3A_259 = arith.addi %iota3A_213, %add3A_258 : vector<16xi32>
    %add3A_260 = arith.addi %mul3A_256, %add3A_259 : vector<16xi32>
    %gt3A_261 = arith.cmpf ogt, %scan3A_197#4, %select_n3A_252 : vector<16xf32>
    %eq3A_262 = arith.cmpf oeq, %scan3A_197#4, %select_n3A_252 : vector<16xf32>
    %lt3A_263 = arith.cmpi slt, %add3A_260, %select_n3A_253 : vector<16xi32>
    %and3A_264 = arith.andi %eq3A_262, %lt3A_263 : vector<16xi1>
    %or3A_265 = arith.ori %gt3A_261, %and3A_264 : vector<16xi1>
    %select_n3A_266 = arith.select %or3A_265, %scan3A_197#4, %select_n3A_252 : vector<16xi1>, vector<16xf32>
    %select_n3A_267 = arith.select %or3A_265, %add3A_260, %select_n3A_253 : vector<16xi1>, vector<16xi32>
    %mul3A_268 = arith.constant 128 : i32
    %mul3A_269 = vector.broadcast %mul3A_268 : i32 to vector<16xi32>
    %mul3A_270 = arith.muli %scan3A_197#13, %mul3A_269 : vector<16xi32>
    %add3A_271 = arith.constant 80 : i32
    %add3A_272 = vector.broadcast %add3A_271 : i32 to vector<16xi32>
    %add3A_273 = arith.addi %iota3A_213, %add3A_272 : vector<16xi32>
    %add3A_274 = arith.addi %mul3A_270, %add3A_273 : vector<16xi32>
    %gt3A_275 = arith.cmpf ogt, %scan3A_197#5, %select_n3A_266 : vector<16xf32>
    %eq3A_276 = arith.cmpf oeq, %scan3A_197#5, %select_n3A_266 : vector<16xf32>
    %lt3A_277 = arith.cmpi slt, %add3A_274, %select_n3A_267 : vector<16xi32>
    %and3A_278 = arith.andi %eq3A_276, %lt3A_277 : vector<16xi1>
    %or3A_279 = arith.ori %gt3A_275, %and3A_278 : vector<16xi1>
    %select_n3A_280 = arith.select %or3A_279, %scan3A_197#5, %select_n3A_266 : vector<16xi1>, vector<16xf32>
    %select_n3A_281 = arith.select %or3A_279, %add3A_274, %select_n3A_267 : vector<16xi1>, vector<16xi32>
    %mul3A_282 = arith.constant 128 : i32
    %mul3A_283 = vector.broadcast %mul3A_282 : i32 to vector<16xi32>
    %mul3A_284 = arith.muli %scan3A_197#14, %mul3A_283 : vector<16xi32>
    %add3A_285 = arith.constant 96 : i32
    %add3A_286 = vector.broadcast %add3A_285 : i32 to vector<16xi32>
    %add3A_287 = arith.addi %iota3A_213, %add3A_286 : vector<16xi32>
    %add3A_288 = arith.addi %mul3A_284, %add3A_287 : vector<16xi32>
    %gt3A_289 = arith.cmpf ogt, %scan3A_197#6, %select_n3A_280 : vector<16xf32>
    %eq3A_290 = arith.cmpf oeq, %scan3A_197#6, %select_n3A_280 : vector<16xf32>
    %lt3A_291 = arith.cmpi slt, %add3A_288, %select_n3A_281 : vector<16xi32>
    %and3A_292 = arith.andi %eq3A_290, %lt3A_291 : vector<16xi1>
    %or3A_293 = arith.ori %gt3A_289, %and3A_292 : vector<16xi1>
    %select_n3A_294 = arith.select %or3A_293, %scan3A_197#6, %select_n3A_280 : vector<16xi1>, vector<16xf32>
    %select_n3A_295 = arith.select %or3A_293, %add3A_288, %select_n3A_281 : vector<16xi1>, vector<16xi32>
    %mul3A_296 = arith.constant 128 : i32
    %mul3A_297 = vector.broadcast %mul3A_296 : i32 to vector<16xi32>
    %mul3A_298 = arith.muli %scan3A_197#15, %mul3A_297 : vector<16xi32>
    %add3A_299 = arith.constant 112 : i32
    %add3A_300 = vector.broadcast %add3A_299 : i32 to vector<16xi32>
    %add3A_301 = arith.addi %iota3A_213, %add3A_300 : vector<16xi32>
    %add3A_302 = arith.addi %mul3A_298, %add3A_301 : vector<16xi32>
    %gt3A_303 = arith.cmpf ogt, %scan3A_197#7, %select_n3A_294 : vector<16xf32>
    %eq3A_304 = arith.cmpf oeq, %scan3A_197#7, %select_n3A_294 : vector<16xf32>
    %lt3A_305 = arith.cmpi slt, %add3A_302, %select_n3A_295 : vector<16xi32>
    %and3A_306 = arith.andi %eq3A_304, %lt3A_305 : vector<16xi1>
    %or3A_307 = arith.ori %gt3A_303, %and3A_306 : vector<16xi1>
    %select_n3A_308 = arith.select %or3A_307, %scan3A_197#7, %select_n3A_294 : vector<16xi1>, vector<16xf32>
    %select_n3A_309 = arith.select %or3A_307, %add3A_302, %select_n3A_295 : vector<16xi1>, vector<16xi32>
    %xor3A = arith.constant 8 : i32
    %xor3A_310 = vector.broadcast %xor3A : i32 to vector<16xi32>
    %xor3A_311 = arith.xori %iota3A_213, %xor3A_310 : vector<16xi32>
    %broadcast_in_dim3A_312 = vector.shape_cast %xor3A_311 : vector<16xi32> to vector<16x1xi32>
    %gather3A = vector.shape_cast %broadcast_in_dim3A_312 : vector<16x1xi32> to vector<16xi32>
    %gather3A_313 = tpu.dynamic_gather %select_n3A_308[%gather3A] in [0] : vector<16xf32>, vector<16xi32> -> vector<16xf32>
    %max3A = arith.maximumf %select_n3A_308, %gather3A_313 : vector<16xf32>
    %xor3A_314 = arith.constant 4 : i32
    %xor3A_315 = vector.broadcast %xor3A_314 : i32 to vector<16xi32>
    %xor3A_316 = arith.xori %iota3A_213, %xor3A_315 : vector<16xi32>
    %broadcast_in_dim3A_317 = vector.shape_cast %xor3A_316 : vector<16xi32> to vector<16x1xi32>
    %gather3A_318 = vector.shape_cast %broadcast_in_dim3A_317 : vector<16x1xi32> to vector<16xi32>
    %gather3A_319 = tpu.dynamic_gather %max3A[%gather3A_318] in [0] : vector<16xf32>, vector<16xi32> -> vector<16xf32>
    %max3A_320 = arith.maximumf %max3A, %gather3A_319 : vector<16xf32>
    %xor3A_321 = arith.constant 2 : i32
    %xor3A_322 = vector.broadcast %xor3A_321 : i32 to vector<16xi32>
    %xor3A_323 = arith.xori %iota3A_213, %xor3A_322 : vector<16xi32>
    %broadcast_in_dim3A_324 = vector.shape_cast %xor3A_323 : vector<16xi32> to vector<16x1xi32>
    %gather3A_325 = vector.shape_cast %broadcast_in_dim3A_324 : vector<16x1xi32> to vector<16xi32>
    %gather3A_326 = tpu.dynamic_gather %max3A_320[%gather3A_325] in [0] : vector<16xf32>, vector<16xi32> -> vector<16xf32>
    %max3A_327 = arith.maximumf %max3A_320, %gather3A_326 : vector<16xf32>
    %xor3A_328 = arith.constant 1 : i32
    %xor3A_329 = vector.broadcast %xor3A_328 : i32 to vector<16xi32>
    %xor3A_330 = arith.xori %iota3A_213, %xor3A_329 : vector<16xi32>
    %broadcast_in_dim3A_331 = vector.shape_cast %xor3A_330 : vector<16xi32> to vector<16x1xi32>
    %gather3A_332 = vector.shape_cast %broadcast_in_dim3A_331 : vector<16x1xi32> to vector<16xi32>
    %gather3A_333 = tpu.dynamic_gather %max3A_327[%gather3A_332] in [0] : vector<16xf32>, vector<16xi32> -> vector<16xf32>
    %max3A_334 = arith.maximumf %max3A_327, %gather3A_333 : vector<16xf32>
    %eq3A_335 = arith.cmpf oeq, %select_n3A_308, %max3A_334 : vector<16xf32>
    %jit3A = arith.constant 32768 : i32
    %broadcast_in_dim3A_336 = vector.broadcast %jit3A : i32 to vector<16xi32>
    %select_n3A_337 = arith.select %eq3A_335, %select_n3A_309, %broadcast_in_dim3A_336 : vector<16xi1>, vector<16xi32>
    %xor3A_338 = arith.constant 8 : i32
    %xor3A_339 = vector.broadcast %xor3A_338 : i32 to vector<16xi32>
    %xor3A_340 = arith.xori %iota3A_213, %xor3A_339 : vector<16xi32>
    %broadcast_in_dim3A_341 = vector.shape_cast %xor3A_340 : vector<16xi32> to vector<16x1xi32>
    %gather3A_342 = vector.shape_cast %broadcast_in_dim3A_341 : vector<16x1xi32> to vector<16xi32>
    %gather3A_343 = tpu.dynamic_gather %select_n3A_337[%gather3A_342] in [0] : vector<16xi32>, vector<16xi32> -> vector<16xi32>
    %min3A = arith.minsi %select_n3A_337, %gather3A_343 : vector<16xi32>
    %xor3A_344 = arith.constant 4 : i32
    %xor3A_345 = vector.broadcast %xor3A_344 : i32 to vector<16xi32>
    %xor3A_346 = arith.xori %iota3A_213, %xor3A_345 : vector<16xi32>
    %broadcast_in_dim3A_347 = vector.shape_cast %xor3A_346 : vector<16xi32> to vector<16x1xi32>
    %gather3A_348 = vector.shape_cast %broadcast_in_dim3A_347 : vector<16x1xi32> to vector<16xi32>
    %gather3A_349 = tpu.dynamic_gather %min3A[%gather3A_348] in [0] : vector<16xi32>, vector<16xi32> -> vector<16xi32>
    %min3A_350 = arith.minsi %min3A, %gather3A_349 : vector<16xi32>
    %xor3A_351 = arith.constant 2 : i32
    %xor3A_352 = vector.broadcast %xor3A_351 : i32 to vector<16xi32>
    %xor3A_353 = arith.xori %iota3A_213, %xor3A_352 : vector<16xi32>
    %broadcast_in_dim3A_354 = vector.shape_cast %xor3A_353 : vector<16xi32> to vector<16x1xi32>
    %gather3A_355 = vector.shape_cast %broadcast_in_dim3A_354 : vector<16x1xi32> to vector<16xi32>
    %gather3A_356 = tpu.dynamic_gather %min3A_350[%gather3A_355] in [0] : vector<16xi32>, vector<16xi32> -> vector<16xi32>
    %min3A_357 = arith.minsi %min3A_350, %gather3A_356 : vector<16xi32>
    %xor3A_358 = arith.constant 1 : i32
    %xor3A_359 = vector.broadcast %xor3A_358 : i32 to vector<16xi32>
    %xor3A_360 = arith.xori %iota3A_213, %xor3A_359 : vector<16xi32>
    %broadcast_in_dim3A_361 = vector.shape_cast %xor3A_360 : vector<16xi32> to vector<16x1xi32>
    %gather3A_362 = vector.shape_cast %broadcast_in_dim3A_361 : vector<16x1xi32> to vector<16xi32>
    %gather3A_363 = tpu.dynamic_gather %min3A_357[%gather3A_362] in [0] : vector<16xi32>, vector<16xi32> -> vector<16xi32>
    %min3A_364 = arith.minsi %min3A_357, %gather3A_363 : vector<16xi32>
    %eq3A_365 = arith.constant 0 : i32
    %eq3A_366 = vector.broadcast %eq3A_365 : i32 to vector<16xi32>
    %eq3A_367 = arith.cmpi eq, %iota3A, %eq3A_366 : vector<16xi32>
    %select_n3A_368 = arith.select %eq3A_367, %min3A_364, %broadcast_in_dim3A_94 : vector<16xi1>, vector<16xi32>
    %dma_wait3A_369 = arith.constant 0 : i32
    %dma_wait3A_370 = tpu.memref_slice %arg5[%dma_wait3A_369] : memref<32768xf32, #tpu.memory_space<vmem>> -> memref<8192xf32, #tpu.memory_space<vmem>>
    %dma_wait3A_371 = arith.constant 0 : i32
    %dma_wait3A_372 = tpu.memref_slice %arg2[%add3A_43, %dma_wait3A_371] : memref<128x32768xf32, #tpu.memory_space<hbm>> -> memref<1x8192xf32, #tpu.memory_space<hbm>>
    %dma_wait3A_373 = tpu.memref_squeeze %dma_wait3A_372 : memref<1x8192xf32, #tpu.memory_space<hbm>> -> memref<8192xf32, #tpu.memory_space<hbm>>
    %dma_wait3A_374 = arith.constant 0 : i32
    %dma_wait3A_375 = tpu.memref_slice %arg5[%dma_wait3A_374] : memref<32768xf32, #tpu.memory_space<vmem>> -> memref<8192xf32, #tpu.memory_space<vmem>>
    %dma_wait3A_376 = arith.constant 0 : i32
    %dma_wait3A_377 = tpu.memref_slice %arg2[%add3A_43, %dma_wait3A_376] : memref<128x32768xf32, #tpu.memory_space<hbm>> -> memref<1x8192xf32, #tpu.memory_space<hbm>>
    %dma_wait3A_378 = tpu.memref_squeeze %dma_wait3A_377 : memref<1x8192xf32, #tpu.memory_space<hbm>> -> memref<8192xf32, #tpu.memory_space<hbm>>
    tpu.wait_dma2 semaphore(%arg11 : memref<!tpu.dma_semaphore, #tpu.memory_space<semaphore_mem>>) src(%dma_wait3A_378 : memref<8192xf32, #tpu.memory_space<hbm>>) dst(%dma_wait3A_375 : memref<8192xf32, #tpu.memory_space<vmem>>)
    %scan3A_379 = arith.constant 0 : i32
    %scan3A_380 = arith.constant 64 : i32
    %scan3A_381 = arith.addi %scan3A_379, %scan3A_380 : i32
    %scan3A_382 = arith.constant 1 : i32
    %scan3A_383:17 = scf.for %scan3A_834 = %scan3A_379 to %scan3A_381 step %scan3A_382 iter_args(%scan3A_835 = %broadcast_in_dim3A_90, %scan3A_836 = %broadcast_in_dim3A_90, %scan3A_837 = %broadcast_in_dim3A_90, %scan3A_838 = %broadcast_in_dim3A_90, %scan3A_839 = %broadcast_in_dim3A_90, %scan3A_840 = %broadcast_in_dim3A_90, %scan3A_841 = %broadcast_in_dim3A_90, %scan3A_842 = %broadcast_in_dim3A_90, %scan3A_843 = %broadcast_in_dim3A_92, %scan3A_844 = %broadcast_in_dim3A_92, %scan3A_845 = %broadcast_in_dim3A_92, %scan3A_846 = %broadcast_in_dim3A_92, %scan3A_847 = %broadcast_in_dim3A_92, %scan3A_848 = %broadcast_in_dim3A_92, %scan3A_849 = %broadcast_in_dim3A_92, %scan3A_850 = %broadcast_in_dim3A_92, %scan3A_851 = %broadcast_in_dim3A_92) -> (vector<16xf32>, vector<16xf32>, vector<16xf32>, vector<16xf32>, vector<16xf32>, vector<16xf32>, vector<16xf32>, vector<16xf32>, vector<16xi32>, vector<16xi32>, vector<16xi32>, vector<16xi32>, vector<16xi32>, vector<16xi32>, vector<16xi32>, vector<16xi32>, vector<16xi32>)  : i32 {
      %mul3A_852 = arith.constant 8 : i32
      %mul3A_853 = arith.muli %scan3A_834, %mul3A_852 : i32
      %add3A_854 = arith.constant 0 : i32
      %add3A_855 = arith.addi %mul3A_853, %add3A_854 : i32
      %mul3A_856 = arith.constant 16 : i32
      %mul3A_857 = arith.muli %add3A_855, %mul3A_856 : i32
      %get3A = arith.index_cast %mul3A_857 : i32 to index
      %get3A_858 = tpu.vector_load %arg5[%get3A] {strides = array<i32>} : memref<32768xf32, #tpu.memory_space<vmem>>, vector<16xf32>,
      %get3A_859 = vector.shape_cast %get3A_858 : vector<16xf32> to vector<16xf32>
      %gt3A_860 = arith.cmpf ogt, %get3A_859, %scan3A_835 : vector<16xf32>
      %select_n3A_861 = arith.select %gt3A_860, %get3A_859, %scan3A_835 : vector<16xi1>, vector<16xf32>
      %select_n3A_862 = arith.select %gt3A_860, %scan3A_851, %scan3A_843 : vector<16xi1>, vector<16xi32>
      %add3A_863 = arith.constant 1 : i32
      %add3A_864 = arith.addi %mul3A_853, %add3A_863 : i32
      %mul3A_865 = arith.constant 16 : i32
      %mul3A_866 = arith.muli %add3A_864, %mul3A_865 : i32
      %get3A_867 = arith.index_cast %mul3A_866 : i32 to index
      %get3A_868 = tpu.vector_load %arg5[%get3A_867] {strides = array<i32>} : memref<32768xf32, #tpu.memory_space<vmem>>, vector<16xf32>,
      %get3A_869 = vector.shape_cast %get3A_868 : vector<16xf32> to vector<16xf32>
      %gt3A_870 = arith.cmpf ogt, %get3A_869, %scan3A_836 : vector<16xf32>
      %select_n3A_871 = arith.select %gt3A_870, %get3A_869, %scan3A_836 : vector<16xi1>, vector<16xf32>
      %select_n3A_872 = arith.select %gt3A_870, %scan3A_851, %scan3A_844 : vector<16xi1>, vector<16xi32>
      %add3A_873 = arith.constant 2 : i32
      %add3A_874 = arith.addi %mul3A_853, %add3A_873 : i32
      %mul3A_875 = arith.constant 16 : i32
      %mul3A_876 = arith.muli %add3A_874, %mul3A_875 : i32
      %get3A_877 = arith.index_cast %mul3A_876 : i32 to index
      %get3A_878 = tpu.vector_load %arg5[%get3A_877] {strides = array<i32>} : memref<32768xf32, #tpu.memory_space<vmem>>, vector<16xf32>,
      %get3A_879 = vector.shape_cast %get3A_878 : vector<16xf32> to vector<16xf32>
      %gt3A_880 = arith.cmpf ogt, %get3A_879, %scan3A_837 : vector<16xf32>
      %select_n3A_881 = arith.select %gt3A_880, %get3A_879, %scan3A_837 : vector<16xi1>, vector<16xf32>
      %select_n3A_882 = arith.select %gt3A_880, %scan3A_851, %scan3A_845 : vector<16xi1>, vector<16xi32>
      %add3A_883 = arith.constant 3 : i32
      %add3A_884 = arith.addi %mul3A_853, %add3A_883 : i32
      %mul3A_885 = arith.constant 16 : i32
      %mul3A_886 = arith.muli %add3A_884, %mul3A_885 : i32
      %get3A_887 = arith.index_cast %mul3A_886 : i32 to index
      %get3A_888 = tpu.vector_load %arg5[%get3A_887] {strides = array<i32>} : memref<32768xf32, #tpu.memory_space<vmem>>, vector<16xf32>,
      %get3A_889 = vector.shape_cast %get3A_888 : vector<16xf32> to vector<16xf32>
      %gt3A_890 = arith.cmpf ogt, %get3A_889, %scan3A_838 : vector<16xf32>
      %select_n3A_891 = arith.select %gt3A_890, %get3A_889, %scan3A_838 : vector<16xi1>, vector<16xf32>
      %select_n3A_892 = arith.select %gt3A_890, %scan3A_851, %scan3A_846 : vector<16xi1>, vector<16xi32>
      %add3A_893 = arith.constant 4 : i32
      %add3A_894 = arith.addi %mul3A_853, %add3A_893 : i32
      %mul3A_895 = arith.constant 16 : i32
      %mul3A_896 = arith.muli %add3A_894, %mul3A_895 : i32
      %get3A_897 = arith.index_cast %mul3A_896 : i32 to index
      %get3A_898 = tpu.vector_load %arg5[%get3A_897] {strides = array<i32>} : memref<32768xf32, #tpu.memory_space<vmem>>, vector<16xf32>,
      %get3A_899 = vector.shape_cast %get3A_898 : vector<16xf32> to vector<16xf32>
      %gt3A_900 = arith.cmpf ogt, %get3A_899, %scan3A_839 : vector<16xf32>
      %select_n3A_901 = arith.select %gt3A_900, %get3A_899, %scan3A_839 : vector<16xi1>, vector<16xf32>
      %select_n3A_902 = arith.select %gt3A_900, %scan3A_851, %scan3A_847 : vector<16xi1>, vector<16xi32>
      %add3A_903 = arith.constant 5 : i32
      %add3A_904 = arith.addi %mul3A_853, %add3A_903 : i32
      %mul3A_905 = arith.constant 16 : i32
      %mul3A_906 = arith.muli %add3A_904, %mul3A_905 : i32
      %get3A_907 = arith.index_cast %mul3A_906 : i32 to index
      %get3A_908 = tpu.vector_load %arg5[%get3A_907] {strides = array<i32>} : memref<32768xf32, #tpu.memory_space<vmem>>, vector<16xf32>,
      %get3A_909 = vector.shape_cast %get3A_908 : vector<16xf32> to vector<16xf32>
      %gt3A_910 = arith.cmpf ogt, %get3A_909, %scan3A_840 : vector<16xf32>
      %select_n3A_911 = arith.select %gt3A_910, %get3A_909, %scan3A_840 : vector<16xi1>, vector<16xf32>
      %select_n3A_912 = arith.select %gt3A_910, %scan3A_851, %scan3A_848 : vector<16xi1>, vector<16xi32>
      %add3A_913 = arith.constant 6 : i32
      %add3A_914 = arith.addi %mul3A_853, %add3A_913 : i32
      %mul3A_915 = arith.constant 16 : i32
      %mul3A_916 = arith.muli %add3A_914, %mul3A_915 : i32
      %get3A_917 = arith.index_cast %mul3A_916 : i32 to index
      %get3A_918 = tpu.vector_load %arg5[%get3A_917] {strides = array<i32>} : memref<32768xf32, #tpu.memory_space<vmem>>, vector<16xf32>,
      %get3A_919 = vector.shape_cast %get3A_918 : vector<16xf32> to vector<16xf32>
      %gt3A_920 = arith.cmpf ogt, %get3A_919, %scan3A_841 : vector<16xf32>
      %select_n3A_921 = arith.select %gt3A_920, %get3A_919, %scan3A_841 : vector<16xi1>, vector<16xf32>
      %select_n3A_922 = arith.select %gt3A_920, %scan3A_851, %scan3A_849 : vector<16xi1>, vector<16xi32>
      %add3A_923 = arith.constant 7 : i32
      %add3A_924 = arith.addi %mul3A_853, %add3A_923 : i32
      %mul3A_925 = arith.constant 16 : i32
      %mul3A_926 = arith.muli %add3A_924, %mul3A_925 : i32
      %get3A_927 = arith.index_cast %mul3A_926 : i32 to index
      %get3A_928 = tpu.vector_load %arg5[%get3A_927] {strides = array<i32>} : memref<32768xf32, #tpu.memory_space<vmem>>, vector<16xf32>,
      %get3A_929 = vector.shape_cast %get3A_928 : vector<16xf32> to vector<16xf32>
      %gt3A_930 = arith.cmpf ogt, %get3A_929, %scan3A_842 : vector<16xf32>
      %select_n3A_931 = arith.select %gt3A_930, %get3A_929, %scan3A_842 : vector<16xi1>, vector<16xf32>
      %select_n3A_932 = arith.select %gt3A_930, %scan3A_851, %scan3A_850 : vector<16xi1>, vector<16xi32>
      %add3A_933 = arith.constant 1 : i32
      %add3A_934 = vector.broadcast %add3A_933 : i32 to vector<16xi32>
      %add3A_935 = arith.addi %scan3A_851, %add3A_934 : vector<16xi32>
      scf.yield %select_n3A_861, %select_n3A_871, %select_n3A_881, %select_n3A_891, %select_n3A_901, %select_n3A_911, %select_n3A_921, %select_n3A_931, %select_n3A_862, %select_n3A_872, %select_n3A_882, %select_n3A_892, %select_n3A_902, %select_n3A_912, %select_n3A_922, %select_n3A_932, %add3A_935 : vector<16xf32>, vector<16xf32>, vector<16xf32>, vector<16xf32>, vector<16xf32>, vector<16xf32>, vector<16xf32>, vector<16xf32>, vector<16xi32>, vector<16xi32>, vector<16xi32>, vector<16xi32>, vector<16xi32>, vector<16xi32>, vector<16xi32>, vector<16xi32>, vector<16xi32>
    }
    %scan3A_384 = arith.constant 64 : i32
    %dma_wait3A_385 = arith.constant 8192 : i32
    %dma_wait3A_386 = tpu.memref_slice %arg5[%dma_wait3A_385] : memref<32768xf32, #tpu.memory_space<vmem>> -> memref<8192xf32, #tpu.memory_space<vmem>>
    %dma_wait3A_387 = arith.constant 8192 : i32
    %dma_wait3A_388 = tpu.memref_slice %arg2[%add3A_55, %dma_wait3A_387] : memref<128x32768xf32, #tpu.memory_space<hbm>> -> memref<1x8192xf32, #tpu.memory_space<hbm>>
    %dma_wait3A_389 = tpu.memref_squeeze %dma_wait3A_388 : memref<1x8192xf32, #tpu.memory_space<hbm>> -> memref<8192xf32, #tpu.memory_space<hbm>>
    %dma_wait3A_390 = arith.constant 8192 : i32
    %dma_wait3A_391 = tpu.memref_slice %arg5[%dma_wait3A_390] : memref<32768xf32, #tpu.memory_space<vmem>> -> memref<8192xf32, #tpu.memory_space<vmem>>
    %dma_wait3A_392 = arith.constant 8192 : i32
    %dma_wait3A_393 = tpu.memref_slice %arg2[%add3A_55, %dma_wait3A_392] : memref<128x32768xf32, #tpu.memory_space<hbm>> -> memref<1x8192xf32, #tpu.memory_space<hbm>>
    %dma_wait3A_394 = tpu.memref_squeeze %dma_wait3A_393 : memref<1x8192xf32, #tpu.memory_space<hbm>> -> memref<8192xf32, #tpu.memory_space<hbm>>
    tpu.wait_dma2 semaphore(%arg12 : memref<!tpu.dma_semaphore, #tpu.memory_space<semaphore_mem>>) src(%dma_wait3A_394 : memref<8192xf32, #tpu.memory_space<hbm>>) dst(%dma_wait3A_391 : memref<8192xf32, #tpu.memory_space<vmem>>)
    %scan3A_395 = arith.constant 64 : i32
    %scan3A_396 = arith.constant 64 : i32
    %scan3A_397 = arith.addi %scan3A_395, %scan3A_396 : i32
    %scan3A_398 = arith.constant 1 : i32
    %scan3A_399:17 = scf.for %scan3A_834 = %scan3A_395 to %scan3A_397 step %scan3A_398 iter_args(%scan3A_835 = %scan3A_383#0, %scan3A_836 = %scan3A_383#1, %scan3A_837 = %scan3A_383#2, %scan3A_838 = %scan3A_383#3, %scan3A_839 = %scan3A_383#4, %scan3A_840 = %scan3A_383#5, %scan3A_841 = %scan3A_383#6, %scan3A_842 = %scan3A_383#7, %scan3A_843 = %scan3A_383#8, %scan3A_844 = %scan3A_383#9, %scan3A_845 = %scan3A_383#10, %scan3A_846 = %scan3A_383#11, %scan3A_847 = %scan3A_383#12, %scan3A_848 = %scan3A_383#13, %scan3A_849 = %scan3A_383#14, %scan3A_850 = %scan3A_383#15, %scan3A_851 = %scan3A_383#16) -> (vector<16xf32>, vector<16xf32>, vector<16xf32>, vector<16xf32>, vector<16xf32>, vector<16xf32>, vector<16xf32>, vector<16xf32>, vector<16xi32>, vector<16xi32>, vector<16xi32>, vector<16xi32>, vector<16xi32>, vector<16xi32>, vector<16xi32>, vector<16xi32>, vector<16xi32>)  : i32 {
      %mul3A_852 = arith.constant 8 : i32
      %mul3A_853 = arith.muli %scan3A_834, %mul3A_852 : i32
      %add3A_854 = arith.constant 0 : i32
      %add3A_855 = arith.addi %mul3A_853, %add3A_854 : i32
      %mul3A_856 = arith.constant 16 : i32
      %mul3A_857 = arith.muli %add3A_855, %mul3A_856 : i32
      %get3A = arith.index_cast %mul3A_857 : i32 to index
      %get3A_858 = tpu.vector_load %arg5[%get3A] {strides = array<i32>} : memref<32768xf32, #tpu.memory_space<vmem>>, vector<16xf32>,
      %get3A_859 = vector.shape_cast %get3A_858 : vector<16xf32> to vector<16xf32>
      %gt3A_860 = arith.cmpf ogt, %get3A_859, %scan3A_835 : vector<16xf32>
      %select_n3A_861 = arith.select %gt3A_860, %get3A_859, %scan3A_835 : vector<16xi1>, vector<16xf32>
      %select_n3A_862 = arith.select %gt3A_860, %scan3A_851, %scan3A_843 : vector<16xi1>, vector<16xi32>
      %add3A_863 = arith.constant 1 : i32
      %add3A_864 = arith.addi %mul3A_853, %add3A_863 : i32
      %mul3A_865 = arith.constant 16 : i32
      %mul3A_866 = arith.muli %add3A_864, %mul3A_865 : i32
      %get3A_867 = arith.index_cast %mul3A_866 : i32 to index
      %get3A_868 = tpu.vector_load %arg5[%get3A_867] {strides = array<i32>} : memref<32768xf32, #tpu.memory_space<vmem>>, vector<16xf32>,
      %get3A_869 = vector.shape_cast %get3A_868 : vector<16xf32> to vector<16xf32>
      %gt3A_870 = arith.cmpf ogt, %get3A_869, %scan3A_836 : vector<16xf32>
      %select_n3A_871 = arith.select %gt3A_870, %get3A_869, %scan3A_836 : vector<16xi1>, vector<16xf32>
      %select_n3A_872 = arith.select %gt3A_870, %scan3A_851, %scan3A_844 : vector<16xi1>, vector<16xi32>
      %add3A_873 = arith.constant 2 : i32
      %add3A_874 = arith.addi %mul3A_853, %add3A_873 : i32
      %mul3A_875 = arith.constant 16 : i32
      %mul3A_876 = arith.muli %add3A_874, %mul3A_875 : i32
      %get3A_877 = arith.index_cast %mul3A_876 : i32 to index
      %get3A_878 = tpu.vector_load %arg5[%get3A_877] {strides = array<i32>} : memref<32768xf32, #tpu.memory_space<vmem>>, vector<16xf32>,
      %get3A_879 = vector.shape_cast %get3A_878 : vector<16xf32> to vector<16xf32>
      %gt3A_880 = arith.cmpf ogt, %get3A_879, %scan3A_837 : vector<16xf32>
      %select_n3A_881 = arith.select %gt3A_880, %get3A_879, %scan3A_837 : vector<16xi1>, vector<16xf32>
      %select_n3A_882 = arith.select %gt3A_880, %scan3A_851, %scan3A_845 : vector<16xi1>, vector<16xi32>
      %add3A_883 = arith.constant 3 : i32
      %add3A_884 = arith.addi %mul3A_853, %add3A_883 : i32
      %mul3A_885 = arith.constant 16 : i32
      %mul3A_886 = arith.muli %add3A_884, %mul3A_885 : i32
      %get3A_887 = arith.index_cast %mul3A_886 : i32 to index
      %get3A_888 = tpu.vector_load %arg5[%get3A_887] {strides = array<i32>} : memref<32768xf32, #tpu.memory_space<vmem>>, vector<16xf32>,
      %get3A_889 = vector.shape_cast %get3A_888 : vector<16xf32> to vector<16xf32>
      %gt3A_890 = arith.cmpf ogt, %get3A_889, %scan3A_838 : vector<16xf32>
      %select_n3A_891 = arith.select %gt3A_890, %get3A_889, %scan3A_838 : vector<16xi1>, vector<16xf32>
      %select_n3A_892 = arith.select %gt3A_890, %scan3A_851, %scan3A_846 : vector<16xi1>, vector<16xi32>
      %add3A_893 = arith.constant 4 : i32
      %add3A_894 = arith.addi %mul3A_853, %add3A_893 : i32
      %mul3A_895 = arith.constant 16 : i32
      %mul3A_896 = arith.muli %add3A_894, %mul3A_895 : i32
      %get3A_897 = arith.index_cast %mul3A_896 : i32 to index
      %get3A_898 = tpu.vector_load %arg5[%get3A_897] {strides = array<i32>} : memref<32768xf32, #tpu.memory_space<vmem>>, vector<16xf32>,
      %get3A_899 = vector.shape_cast %get3A_898 : vector<16xf32> to vector<16xf32>
      %gt3A_900 = arith.cmpf ogt, %get3A_899, %scan3A_839 : vector<16xf32>
      %select_n3A_901 = arith.select %gt3A_900, %get3A_899, %scan3A_839 : vector<16xi1>, vector<16xf32>
      %select_n3A_902 = arith.select %gt3A_900, %scan3A_851, %scan3A_847 : vector<16xi1>, vector<16xi32>
      %add3A_903 = arith.constant 5 : i32
      %add3A_904 = arith.addi %mul3A_853, %add3A_903 : i32
      %mul3A_905 = arith.constant 16 : i32
      %mul3A_906 = arith.muli %add3A_904, %mul3A_905 : i32
      %get3A_907 = arith.index_cast %mul3A_906 : i32 to index
      %get3A_908 = tpu.vector_load %arg5[%get3A_907] {strides = array<i32>} : memref<32768xf32, #tpu.memory_space<vmem>>, vector<16xf32>,
      %get3A_909 = vector.shape_cast %get3A_908 : vector<16xf32> to vector<16xf32>
      %gt3A_910 = arith.cmpf ogt, %get3A_909, %scan3A_840 : vector<16xf32>
      %select_n3A_911 = arith.select %gt3A_910, %get3A_909, %scan3A_840 : vector<16xi1>, vector<16xf32>
      %select_n3A_912 = arith.select %gt3A_910, %scan3A_851, %scan3A_848 : vector<16xi1>, vector<16xi32>
      %add3A_913 = arith.constant 6 : i32
      %add3A_914 = arith.addi %mul3A_853, %add3A_913 : i32
      %mul3A_915 = arith.constant 16 : i32
      %mul3A_916 = arith.muli %add3A_914, %mul3A_915 : i32
      %get3A_917 = arith.index_cast %mul3A_916 : i32 to index
      %get3A_918 = tpu.vector_load %arg5[%get3A_917] {strides = array<i32>} : memref<32768xf32, #tpu.memory_space<vmem>>, vector<16xf32>,
      %get3A_919 = vector.shape_cast %get3A_918 : vector<16xf32> to vector<16xf32>
      %gt3A_920 = arith.cmpf ogt, %get3A_919, %scan3A_841 : vector<16xf32>
      %select_n3A_921 = arith.select %gt3A_920, %get3A_919, %scan3A_841 : vector<16xi1>, vector<16xf32>
      %select_n3A_922 = arith.select %gt3A_920, %scan3A_851, %scan3A_849 : vector<16xi1>, vector<16xi32>
      %add3A_923 = arith.constant 7 : i32
      %add3A_924 = arith.addi %mul3A_853, %add3A_923 : i32
      %mul3A_925 = arith.constant 16 : i32
      %mul3A_926 = arith.muli %add3A_924, %mul3A_925 : i32
      %get3A_927 = arith.index_cast %mul3A_926 : i32 to index
      %get3A_928 = tpu.vector_load %arg5[%get3A_927] {strides = array<i32>} : memref<32768xf32, #tpu.memory_space<vmem>>, vector<16xf32>,
      %get3A_929 = vector.shape_cast %get3A_928 : vector<16xf32> to vector<16xf32>
      %gt3A_930 = arith.cmpf ogt, %get3A_929, %scan3A_842 : vector<16xf32>
      %select_n3A_931 = arith.select %gt3A_930, %get3A_929, %scan3A_842 : vector<16xi1>, vector<16xf32>
      %select_n3A_932 = arith.select %gt3A_930, %scan3A_851, %scan3A_850 : vector<16xi1>, vector<16xi32>
      %add3A_933 = arith.constant 1 : i32
      %add3A_934 = vector.broadcast %add3A_933 : i32 to vector<16xi32>
      %add3A_935 = arith.addi %scan3A_851, %add3A_934 : vector<16xi32>
      scf.yield %select_n3A_861, %select_n3A_871, %select_n3A_881, %select_n3A_891, %select_n3A_901, %select_n3A_911, %select_n3A_921, %select_n3A_931, %select_n3A_862, %select_n3A_872, %select_n3A_882, %select_n3A_892, %select_n3A_902, %select_n3A_912, %select_n3A_922, %select_n3A_932, %add3A_935 : vector<16xf32>, vector<16xf32>, vector<16xf32>, vector<16xf32>, vector<16xf32>, vector<16xf32>, vector<16xf32>, vector<16xf32>, vector<16xi32>, vector<16xi32>, vector<16xi32>, vector<16xi32>, vector<16xi32>, vector<16xi32>, vector<16xi32>, vector<16xi32>, vector<16xi32>
    }
    %scan3A_400 = arith.constant 64 : i32
    %dma_wait3A_401 = arith.constant 16384 : i32
    %dma_wait3A_402 = tpu.memref_slice %arg5[%dma_wait3A_401] : memref<32768xf32, #tpu.memory_space<vmem>> -> memref<8192xf32, #tpu.memory_space<vmem>>
    %dma_wait3A_403 = arith.constant 16384 : i32
    %dma_wait3A_404 = tpu.memref_slice %arg2[%add3A_67, %dma_wait3A_403] : memref<128x32768xf32, #tpu.memory_space<hbm>> -> memref<1x8192xf32, #tpu.memory_space<hbm>>
    %dma_wait3A_405 = tpu.memref_squeeze %dma_wait3A_404 : memref<1x8192xf32, #tpu.memory_space<hbm>> -> memref<8192xf32, #tpu.memory_space<hbm>>
    %dma_wait3A_406 = arith.constant 16384 : i32
    %dma_wait3A_407 = tpu.memref_slice %arg5[%dma_wait3A_406] : memref<32768xf32, #tpu.memory_space<vmem>> -> memref<8192xf32, #tpu.memory_space<vmem>>
    %dma_wait3A_408 = arith.constant 16384 : i32
    %dma_wait3A_409 = tpu.memref_slice %arg2[%add3A_67, %dma_wait3A_408] : memref<128x32768xf32, #tpu.memory_space<hbm>> -> memref<1x8192xf32, #tpu.memory_space<hbm>>
    %dma_wait3A_410 = tpu.memref_squeeze %dma_wait3A_409 : memref<1x8192xf32, #tpu.memory_space<hbm>> -> memref<8192xf32, #tpu.memory_space<hbm>>
    tpu.wait_dma2 semaphore(%arg13 : memref<!tpu.dma_semaphore, #tpu.memory_space<semaphore_mem>>) src(%dma_wait3A_410 : memref<8192xf32, #tpu.memory_space<hbm>>) dst(%dma_wait3A_407 : memref<8192xf32, #tpu.memory_space<vmem>>)
    %scan3A_411 = arith.constant 128 : i32
    %scan3A_412 = arith.constant 64 : i32
    %scan3A_413 = arith.addi %scan3A_411, %scan3A_412 : i32
    %scan3A_414 = arith.constant 1 : i32
    %scan3A_415:17 = scf.for %scan3A_834 = %scan3A_411 to %scan3A_413 step %scan3A_414 iter_args(%scan3A_835 = %scan3A_399#0, %scan3A_836 = %scan3A_399#1, %scan3A_837 = %scan3A_399#2, %scan3A_838 = %scan3A_399#3, %scan3A_839 = %scan3A_399#4, %scan3A_840 = %scan3A_399#5, %scan3A_841 = %scan3A_399#6, %scan3A_842 = %scan3A_399#7, %scan3A_843 = %scan3A_399#8, %scan3A_844 = %scan3A_399#9, %scan3A_845 = %scan3A_399#10, %scan3A_846 = %scan3A_399#11, %scan3A_847 = %scan3A_399#12, %scan3A_848 = %scan3A_399#13, %scan3A_849 = %scan3A_399#14, %scan3A_850 = %scan3A_399#15, %scan3A_851 = %scan3A_399#16) -> (vector<16xf32>, vector<16xf32>, vector<16xf32>, vector<16xf32>, vector<16xf32>, vector<16xf32>, vector<16xf32>, vector<16xf32>, vector<16xi32>, vector<16xi32>, vector<16xi32>, vector<16xi32>, vector<16xi32>, vector<16xi32>, vector<16xi32>, vector<16xi32>, vector<16xi32>)  : i32 {
      %mul3A_852 = arith.constant 8 : i32
      %mul3A_853 = arith.muli %scan3A_834, %mul3A_852 : i32
      %add3A_854 = arith.constant 0 : i32
      %add3A_855 = arith.addi %mul3A_853, %add3A_854 : i32
      %mul3A_856 = arith.constant 16 : i32
      %mul3A_857 = arith.muli %add3A_855, %mul3A_856 : i32
      %get3A = arith.index_cast %mul3A_857 : i32 to index
      %get3A_858 = tpu.vector_load %arg5[%get3A] {strides = array<i32>} : memref<32768xf32, #tpu.memory_space<vmem>>, vector<16xf32>,
      %get3A_859 = vector.shape_cast %get3A_858 : vector<16xf32> to vector<16xf32>
      %gt3A_860 = arith.cmpf ogt, %get3A_859, %scan3A_835 : vector<16xf32>
      %select_n3A_861 = arith.select %gt3A_860, %get3A_859, %scan3A_835 : vector<16xi1>, vector<16xf32>
      %select_n3A_862 = arith.select %gt3A_860, %scan3A_851, %scan3A_843 : vector<16xi1>, vector<16xi32>
      %add3A_863 = arith.constant 1 : i32
      %add3A_864 = arith.addi %mul3A_853, %add3A_863 : i32
      %mul3A_865 = arith.constant 16 : i32
      %mul3A_866 = arith.muli %add3A_864, %mul3A_865 : i32
      %get3A_867 = arith.index_cast %mul3A_866 : i32 to index
      %get3A_868 = tpu.vector_load %arg5[%get3A_867] {strides = array<i32>} : memref<32768xf32, #tpu.memory_space<vmem>>, vector<16xf32>,
      %get3A_869 = vector.shape_cast %get3A_868 : vector<16xf32> to vector<16xf32>
      %gt3A_870 = arith.cmpf ogt, %get3A_869, %scan3A_836 : vector<16xf32>
      %select_n3A_871 = arith.select %gt3A_870, %get3A_869, %scan3A_836 : vector<16xi1>, vector<16xf32>
      %select_n3A_872 = arith.select %gt3A_870, %scan3A_851, %scan3A_844 : vector<16xi1>, vector<16xi32>
      %add3A_873 = arith.constant 2 : i32
      %add3A_874 = arith.addi %mul3A_853, %add3A_873 : i32
      %mul3A_875 = arith.constant 16 : i32
      %mul3A_876 = arith.muli %add3A_874, %mul3A_875 : i32
      %get3A_877 = arith.index_cast %mul3A_876 : i32 to index
      %get3A_878 = tpu.vector_load %arg5[%get3A_877] {strides = array<i32>} : memref<32768xf32, #tpu.memory_space<vmem>>, vector<16xf32>,
      %get3A_879 = vector.shape_cast %get3A_878 : vector<16xf32> to vector<16xf32>
      %gt3A_880 = arith.cmpf ogt, %get3A_879, %scan3A_837 : vector<16xf32>
      %select_n3A_881 = arith.select %gt3A_880, %get3A_879, %scan3A_837 : vector<16xi1>, vector<16xf32>
      %select_n3A_882 = arith.select %gt3A_880, %scan3A_851, %scan3A_845 : vector<16xi1>, vector<16xi32>
      %add3A_883 = arith.constant 3 : i32
      %add3A_884 = arith.addi %mul3A_853, %add3A_883 : i32
      %mul3A_885 = arith.constant 16 : i32
      %mul3A_886 = arith.muli %add3A_884, %mul3A_885 : i32
      %get3A_887 = arith.index_cast %mul3A_886 : i32 to index
      %get3A_888 = tpu.vector_load %arg5[%get3A_887] {strides = array<i32>} : memref<32768xf32, #tpu.memory_space<vmem>>, vector<16xf32>,
      %get3A_889 = vector.shape_cast %get3A_888 : vector<16xf32> to vector<16xf32>
      %gt3A_890 = arith.cmpf ogt, %get3A_889, %scan3A_838 : vector<16xf32>
      %select_n3A_891 = arith.select %gt3A_890, %get3A_889, %scan3A_838 : vector<16xi1>, vector<16xf32>
      %select_n3A_892 = arith.select %gt3A_890, %scan3A_851, %scan3A_846 : vector<16xi1>, vector<16xi32>
      %add3A_893 = arith.constant 4 : i32
      %add3A_894 = arith.addi %mul3A_853, %add3A_893 : i32
      %mul3A_895 = arith.constant 16 : i32
      %mul3A_896 = arith.muli %add3A_894, %mul3A_895 : i32
      %get3A_897 = arith.index_cast %mul3A_896 : i32 to index
      %get3A_898 = tpu.vector_load %arg5[%get3A_897] {strides = array<i32>} : memref<32768xf32, #tpu.memory_space<vmem>>, vector<16xf32>,
      %get3A_899 = vector.shape_cast %get3A_898 : vector<16xf32> to vector<16xf32>
      %gt3A_900 = arith.cmpf ogt, %get3A_899, %scan3A_839 : vector<16xf32>
      %select_n3A_901 = arith.select %gt3A_900, %get3A_899, %scan3A_839 : vector<16xi1>, vector<16xf32>
      %select_n3A_902 = arith.select %gt3A_900, %scan3A_851, %scan3A_847 : vector<16xi1>, vector<16xi32>
      %add3A_903 = arith.constant 5 : i32
      %add3A_904 = arith.addi %mul3A_853, %add3A_903 : i32
      %mul3A_905 = arith.constant 16 : i32
      %mul3A_906 = arith.muli %add3A_904, %mul3A_905 : i32
      %get3A_907 = arith.index_cast %mul3A_906 : i32 to index
      %get3A_908 = tpu.vector_load %arg5[%get3A_907] {strides = array<i32>} : memref<32768xf32, #tpu.memory_space<vmem>>, vector<16xf32>,
      %get3A_909 = vector.shape_cast %get3A_908 : vector<16xf32> to vector<16xf32>
      %gt3A_910 = arith.cmpf ogt, %get3A_909, %scan3A_840 : vector<16xf32>
      %select_n3A_911 = arith.select %gt3A_910, %get3A_909, %scan3A_840 : vector<16xi1>, vector<16xf32>
      %select_n3A_912 = arith.select %gt3A_910, %scan3A_851, %scan3A_848 : vector<16xi1>, vector<16xi32>
      %add3A_913 = arith.constant 6 : i32
      %add3A_914 = arith.addi %mul3A_853, %add3A_913 : i32
      %mul3A_915 = arith.constant 16 : i32
      %mul3A_916 = arith.muli %add3A_914, %mul3A_915 : i32
      %get3A_917 = arith.index_cast %mul3A_916 : i32 to index
      %get3A_918 = tpu.vector_load %arg5[%get3A_917] {strides = array<i32>} : memref<32768xf32, #tpu.memory_space<vmem>>, vector<16xf32>,
      %get3A_919 = vector.shape_cast %get3A_918 : vector<16xf32> to vector<16xf32>
      %gt3A_920 = arith.cmpf ogt, %get3A_919, %scan3A_841 : vector<16xf32>
      %select_n3A_921 = arith.select %gt3A_920, %get3A_919, %scan3A_841 : vector<16xi1>, vector<16xf32>
      %select_n3A_922 = arith.select %gt3A_920, %scan3A_851, %scan3A_849 : vector<16xi1>, vector<16xi32>
      %add3A_923 = arith.constant 7 : i32
      %add3A_924 = arith.addi %mul3A_853, %add3A_923 : i32
      %mul3A_925 = arith.constant 16 : i32
      %mul3A_926 = arith.muli %add3A_924, %mul3A_925 : i32
      %get3A_927 = arith.index_cast %mul3A_926 : i32 to index
      %get3A_928 = tpu.vector_load %arg5[%get3A_927] {strides = array<i32>} : memref<32768xf32, #tpu.memory_space<vmem>>, vector<16xf32>,
      %get3A_929 = vector.shape_cast %get3A_928 : vector<16xf32> to vector<16xf32>
      %gt3A_930 = arith.cmpf ogt, %get3A_929, %scan3A_842 : vector<16xf32>
      %select_n3A_931 = arith.select %gt3A_930, %get3A_929, %scan3A_842 : vector<16xi1>, vector<16xf32>
      %select_n3A_932 = arith.select %gt3A_930, %scan3A_851, %scan3A_850 : vector<16xi1>, vector<16xi32>
      %add3A_933 = arith.constant 1 : i32
      %add3A_934 = vector.broadcast %add3A_933 : i32 to vector<16xi32>
      %add3A_935 = arith.addi %scan3A_851, %add3A_934 : vector<16xi32>
      scf.yield %select_n3A_861, %select_n3A_871, %select_n3A_881, %select_n3A_891, %select_n3A_901, %select_n3A_911, %select_n3A_921, %select_n3A_931, %select_n3A_862, %select_n3A_872, %select_n3A_882, %select_n3A_892, %select_n3A_902, %select_n3A_912, %select_n3A_922, %select_n3A_932, %add3A_935 : vector<16xf32>, vector<16xf32>, vector<16xf32>, vector<16xf32>, vector<16xf32>, vector<16xf32>, vector<16xf32>, vector<16xf32>, vector<16xi32>, vector<16xi32>, vector<16xi32>, vector<16xi32>, vector<16xi32>, vector<16xi32>, vector<16xi32>, vector<16xi32>, vector<16xi32>
    }
    %scan3A_416 = arith.constant 64 : i32
    %dma_wait3A_417 = arith.constant 24576 : i32
    %dma_wait3A_418 = tpu.memref_slice %arg5[%dma_wait3A_417] : memref<32768xf32, #tpu.memory_space<vmem>> -> memref<8192xf32, #tpu.memory_space<vmem>>
    %dma_wait3A_419 = arith.constant 24576 : i32
    %dma_wait3A_420 = tpu.memref_slice %arg2[%add3A_79, %dma_wait3A_419] : memref<128x32768xf32, #tpu.memory_space<hbm>> -> memref<1x8192xf32, #tpu.memory_space<hbm>>
    %dma_wait3A_421 = tpu.memref_squeeze %dma_wait3A_420 : memref<1x8192xf32, #tpu.memory_space<hbm>> -> memref<8192xf32, #tpu.memory_space<hbm>>
    %dma_wait3A_422 = arith.constant 24576 : i32
    %dma_wait3A_423 = tpu.memref_slice %arg5[%dma_wait3A_422] : memref<32768xf32, #tpu.memory_space<vmem>> -> memref<8192xf32, #tpu.memory_space<vmem>>
    %dma_wait3A_424 = arith.constant 24576 : i32
    %dma_wait3A_425 = tpu.memref_slice %arg2[%add3A_79, %dma_wait3A_424] : memref<128x32768xf32, #tpu.memory_space<hbm>> -> memref<1x8192xf32, #tpu.memory_space<hbm>>
    %dma_wait3A_426 = tpu.memref_squeeze %dma_wait3A_425 : memref<1x8192xf32, #tpu.memory_space<hbm>> -> memref<8192xf32, #tpu.memory_space<hbm>>
    tpu.wait_dma2 semaphore(%arg14 : memref<!tpu.dma_semaphore, #tpu.memory_space<semaphore_mem>>) src(%dma_wait3A_426 : memref<8192xf32, #tpu.memory_space<hbm>>) dst(%dma_wait3A_423 : memref<8192xf32, #tpu.memory_space<vmem>>)
    %scan3A_427 = arith.constant 192 : i32
    %scan3A_428 = arith.constant 64 : i32
    %scan3A_429 = arith.addi %scan3A_427, %scan3A_428 : i32
    %scan3A_430 = arith.constant 1 : i32
    %scan3A_431:17 = scf.for %scan3A_834 = %scan3A_427 to %scan3A_429 step %scan3A_430 iter_args(%scan3A_835 = %scan3A_415#0, %scan3A_836 = %scan3A_415#1, %scan3A_837 = %scan3A_415#2, %scan3A_838 = %scan3A_415#3, %scan3A_839 = %scan3A_415#4, %scan3A_840 = %scan3A_415#5, %scan3A_841 = %scan3A_415#6, %scan3A_842 = %scan3A_415#7, %scan3A_843 = %scan3A_415#8, %scan3A_844 = %scan3A_415#9, %scan3A_845 = %scan3A_415#10, %scan3A_846 = %scan3A_415#11, %scan3A_847 = %scan3A_415#12, %scan3A_848 = %scan3A_415#13, %scan3A_849 = %scan3A_415#14, %scan3A_850 = %scan3A_415#15, %scan3A_851 = %scan3A_415#16) -> (vector<16xf32>, vector<16xf32>, vector<16xf32>, vector<16xf32>, vector<16xf32>, vector<16xf32>, vector<16xf32>, vector<16xf32>, vector<16xi32>, vector<16xi32>, vector<16xi32>, vector<16xi32>, vector<16xi32>, vector<16xi32>, vector<16xi32>, vector<16xi32>, vector<16xi32>)  : i32 {
      %mul3A_852 = arith.constant 8 : i32
      %mul3A_853 = arith.muli %scan3A_834, %mul3A_852 : i32
      %add3A_854 = arith.constant 0 : i32
      %add3A_855 = arith.addi %mul3A_853, %add3A_854 : i32
      %mul3A_856 = arith.constant 16 : i32
      %mul3A_857 = arith.muli %add3A_855, %mul3A_856 : i32
      %get3A = arith.index_cast %mul3A_857 : i32 to index
      %get3A_858 = tpu.vector_load %arg5[%get3A] {strides = array<i32>} : memref<32768xf32, #tpu.memory_space<vmem>>, vector<16xf32>,
      %get3A_859 = vector.shape_cast %get3A_858 : vector<16xf32> to vector<16xf32>
      %gt3A_860 = arith.cmpf ogt, %get3A_859, %scan3A_835 : vector<16xf32>
      %select_n3A_861 = arith.select %gt3A_860, %get3A_859, %scan3A_835 : vector<16xi1>, vector<16xf32>
      %select_n3A_862 = arith.select %gt3A_860, %scan3A_851, %scan3A_843 : vector<16xi1>, vector<16xi32>
      %add3A_863 = arith.constant 1 : i32
      %add3A_864 = arith.addi %mul3A_853, %add3A_863 : i32
      %mul3A_865 = arith.constant 16 : i32
      %mul3A_866 = arith.muli %add3A_864, %mul3A_865 : i32
      %get3A_867 = arith.index_cast %mul3A_866 : i32 to index
      %get3A_868 = tpu.vector_load %arg5[%get3A_867] {strides = array<i32>} : memref<32768xf32, #tpu.memory_space<vmem>>, vector<16xf32>,
      %get3A_869 = vector.shape_cast %get3A_868 : vector<16xf32> to vector<16xf32>
      %gt3A_870 = arith.cmpf ogt, %get3A_869, %scan3A_836 : vector<16xf32>
      %select_n3A_871 = arith.select %gt3A_870, %get3A_869, %scan3A_836 : vector<16xi1>, vector<16xf32>
      %select_n3A_872 = arith.select %gt3A_870, %scan3A_851, %scan3A_844 : vector<16xi1>, vector<16xi32>
      %add3A_873 = arith.constant 2 : i32
      %add3A_874 = arith.addi %mul3A_853, %add3A_873 : i32
      %mul3A_875 = arith.constant 16 : i32
      %mul3A_876 = arith.muli %add3A_874, %mul3A_875 : i32
      %get3A_877 = arith.index_cast %mul3A_876 : i32 to index
      %get3A_878 = tpu.vector_load %arg5[%get3A_877] {strides = array<i32>} : memref<32768xf32, #tpu.memory_space<vmem>>, vector<16xf32>,
      %get3A_879 = vector.shape_cast %get3A_878 : vector<16xf32> to vector<16xf32>
      %gt3A_880 = arith.cmpf ogt, %get3A_879, %scan3A_837 : vector<16xf32>
      %select_n3A_881 = arith.select %gt3A_880, %get3A_879, %scan3A_837 : vector<16xi1>, vector<16xf32>
      %select_n3A_882 = arith.select %gt3A_880, %scan3A_851, %scan3A_845 : vector<16xi1>, vector<16xi32>
      %add3A_883 = arith.constant 3 : i32
      %add3A_884 = arith.addi %mul3A_853, %add3A_883 : i32
      %mul3A_885 = arith.constant 16 : i32
      %mul3A_886 = arith.muli %add3A_884, %mul3A_885 : i32
      %get3A_887 = arith.index_cast %mul3A_886 : i32 to index
      %get3A_888 = tpu.vector_load %arg5[%get3A_887] {strides = array<i32>} : memref<32768xf32, #tpu.memory_space<vmem>>, vector<16xf32>,
      %get3A_889 = vector.shape_cast %get3A_888 : vector<16xf32> to vector<16xf32>
      %gt3A_890 = arith.cmpf ogt, %get3A_889, %scan3A_838 : vector<16xf32>
      %select_n3A_891 = arith.select %gt3A_890, %get3A_889, %scan3A_838 : vector<16xi1>, vector<16xf32>
      %select_n3A_892 = arith.select %gt3A_890, %scan3A_851, %scan3A_846 : vector<16xi1>, vector<16xi32>
      %add3A_893 = arith.constant 4 : i32
      %add3A_894 = arith.addi %mul3A_853, %add3A_893 : i32
      %mul3A_895 = arith.constant 16 : i32
      %mul3A_896 = arith.muli %add3A_894, %mul3A_895 : i32
      %get3A_897 = arith.index_cast %mul3A_896 : i32 to index
      %get3A_898 = tpu.vector_load %arg5[%get3A_897] {strides = array<i32>} : memref<32768xf32, #tpu.memory_space<vmem>>, vector<16xf32>,
      %get3A_899 = vector.shape_cast %get3A_898 : vector<16xf32> to vector<16xf32>
      %gt3A_900 = arith.cmpf ogt, %get3A_899, %scan3A_839 : vector<16xf32>
      %select_n3A_901 = arith.select %gt3A_900, %get3A_899, %scan3A_839 : vector<16xi1>, vector<16xf32>
      %select_n3A_902 = arith.select %gt3A_900, %scan3A_851, %scan3A_847 : vector<16xi1>, vector<16xi32>
      %add3A_903 = arith.constant 5 : i32
      %add3A_904 = arith.addi %mul3A_853, %add3A_903 : i32
      %mul3A_905 = arith.constant 16 : i32
      %mul3A_906 = arith.muli %add3A_904, %mul3A_905 : i32
      %get3A_907 = arith.index_cast %mul3A_906 : i32 to index
      %get3A_908 = tpu.vector_load %arg5[%get3A_907] {strides = array<i32>} : memref<32768xf32, #tpu.memory_space<vmem>>, vector<16xf32>,
      %get3A_909 = vector.shape_cast %get3A_908 : vector<16xf32> to vector<16xf32>
      %gt3A_910 = arith.cmpf ogt, %get3A_909, %scan3A_840 : vector<16xf32>
      %select_n3A_911 = arith.select %gt3A_910, %get3A_909, %scan3A_840 : vector<16xi1>, vector<16xf32>
      %select_n3A_912 = arith.select %gt3A_910, %scan3A_851, %scan3A_848 : vector<16xi1>, vector<16xi32>
      %add3A_913 = arith.constant 6 : i32
      %add3A_914 = arith.addi %mul3A_853, %add3A_913 : i32
      %mul3A_915 = arith.constant 16 : i32
      %mul3A_916 = arith.muli %add3A_914, %mul3A_915 : i32
      %get3A_917 = arith.index_cast %mul3A_916 : i32 to index
      %get3A_918 = tpu.vector_load %arg5[%get3A_917] {strides = array<i32>} : memref<32768xf32, #tpu.memory_space<vmem>>, vector<16xf32>,
      %get3A_919 = vector.shape_cast %get3A_918 : vector<16xf32> to vector<16xf32>
      %gt3A_920 = arith.cmpf ogt, %get3A_919, %scan3A_841 : vector<16xf32>
      %select_n3A_921 = arith.select %gt3A_920, %get3A_919, %scan3A_841 : vector<16xi1>, vector<16xf32>
      %select_n3A_922 = arith.select %gt3A_920, %scan3A_851, %scan3A_849 : vector<16xi1>, vector<16xi32>
      %add3A_923 = arith.constant 7 : i32
      %add3A_924 = arith.addi %mul3A_853, %add3A_923 : i32
      %mul3A_925 = arith.constant 16 : i32
      %mul3A_926 = arith.muli %add3A_924, %mul3A_925 : i32
      %get3A_927 = arith.index_cast %mul3A_926 : i32 to index
      %get3A_928 = tpu.vector_load %arg5[%get3A_927] {strides = array<i32>} : memref<32768xf32, #tpu.memory_space<vmem>>, vector<16xf32>,
      %get3A_929 = vector.shape_cast %get3A_928 : vector<16xf32> to vector<16xf32>
      %gt3A_930 = arith.cmpf ogt, %get3A_929, %scan3A_842 : vector<16xf32>
      %select_n3A_931 = arith.select %gt3A_930, %get3A_929, %scan3A_842 : vector<16xi1>, vector<16xf32>
      %select_n3A_932 = arith.select %gt3A_930, %scan3A_851, %scan3A_850 : vector<16xi1>, vector<16xi32>
      %add3A_933 = arith.constant 1 : i32
      %add3A_934 = vector.broadcast %add3A_933 : i32 to vector<16xi32>
      %add3A_935 = arith.addi %scan3A_851, %add3A_934 : vector<16xi32>
      scf.yield %select_n3A_861, %select_n3A_871, %select_n3A_881, %select_n3A_891, %select_n3A_901, %select_n3A_911, %select_n3A_921, %select_n3A_931, %select_n3A_862, %select_n3A_872, %select_n3A_882, %select_n3A_892, %select_n3A_902, %select_n3A_912, %select_n3A_922, %select_n3A_932, %add3A_935 : vector<16xf32>, vector<16xf32>, vector<16xf32>, vector<16xf32>, vector<16xf32>, vector<16xf32>, vector<16xf32>, vector<16xf32>, vector<16xi32>, vector<16xi32>, vector<16xi32>, vector<16xi32>, vector<16xi32>, vector<16xi32>, vector<16xi32>, vector<16xi32>, vector<16xi32>
    }
    %scan3A_432 = arith.constant 64 : i32
    %iota3A_433 = tpu.iota {dimensions = array<i32: 0>} : vector<16xi32>
    %mul3A_434 = arith.constant 128 : i32
    %mul3A_435 = vector.broadcast %mul3A_434 : i32 to vector<16xi32>
    %mul3A_436 = arith.muli %scan3A_431#8, %mul3A_435 : vector<16xi32>
    %add3A_437 = arith.addi %mul3A_436, %iota3A_433 : vector<16xi32>
    %mul3A_438 = arith.constant 128 : i32
    %mul3A_439 = vector.broadcast %mul3A_438 : i32 to vector<16xi32>
    %mul3A_440 = arith.muli %scan3A_431#9, %mul3A_439 : vector<16xi32>
    %add3A_441 = arith.constant 16 : i32
    %add3A_442 = vector.broadcast %add3A_441 : i32 to vector<16xi32>
    %add3A_443 = arith.addi %iota3A_433, %add3A_442 : vector<16xi32>
    %add3A_444 = arith.addi %mul3A_440, %add3A_443 : vector<16xi32>
    %gt3A_445 = arith.cmpf ogt, %scan3A_431#1, %scan3A_431#0 : vector<16xf32>
    %eq3A_446 = arith.cmpf oeq, %scan3A_431#1, %scan3A_431#0 : vector<16xf32>
    %lt3A_447 = arith.cmpi slt, %add3A_444, %add3A_437 : vector<16xi32>
    %and3A_448 = arith.andi %eq3A_446, %lt3A_447 : vector<16xi1>
    %or3A_449 = arith.ori %gt3A_445, %and3A_448 : vector<16xi1>
    %select_n3A_450 = arith.select %or3A_449, %scan3A_431#1, %scan3A_431#0 : vector<16xi1>, vector<16xf32>
    %select_n3A_451 = arith.select %or3A_449, %add3A_444, %add3A_437 : vector<16xi1>, vector<16xi32>
    %mul3A_452 = arith.constant 128 : i32
    %mul3A_453 = vector.broadcast %mul3A_452 : i32 to vector<16xi32>
    %mul3A_454 = arith.muli %scan3A_431#10, %mul3A_453 : vector<16xi32>
    %add3A_455 = arith.constant 32 : i32
    %add3A_456 = vector.broadcast %add3A_455 : i32 to vector<16xi32>
    %add3A_457 = arith.addi %iota3A_433, %add3A_456 : vector<16xi32>
    %add3A_458 = arith.addi %mul3A_454, %add3A_457 : vector<16xi32>
    %gt3A_459 = arith.cmpf ogt, %scan3A_431#2, %select_n3A_450 : vector<16xf32>
    %eq3A_460 = arith.cmpf oeq, %scan3A_431#2, %select_n3A_450 : vector<16xf32>
    %lt3A_461 = arith.cmpi slt, %add3A_458, %select_n3A_451 : vector<16xi32>
    %and3A_462 = arith.andi %eq3A_460, %lt3A_461 : vector<16xi1>
    %or3A_463 = arith.ori %gt3A_459, %and3A_462 : vector<16xi1>
    %select_n3A_464 = arith.select %or3A_463, %scan3A_431#2, %select_n3A_450 : vector<16xi1>, vector<16xf32>
    %select_n3A_465 = arith.select %or3A_463, %add3A_458, %select_n3A_451 : vector<16xi1>, vector<16xi32>
    %mul3A_466 = arith.constant 128 : i32
    %mul3A_467 = vector.broadcast %mul3A_466 : i32 to vector<16xi32>
    %mul3A_468 = arith.muli %scan3A_431#11, %mul3A_467 : vector<16xi32>
    %add3A_469 = arith.constant 48 : i32
    %add3A_470 = vector.broadcast %add3A_469 : i32 to vector<16xi32>
    %add3A_471 = arith.addi %iota3A_433, %add3A_470 : vector<16xi32>
    %add3A_472 = arith.addi %mul3A_468, %add3A_471 : vector<16xi32>
    %gt3A_473 = arith.cmpf ogt, %scan3A_431#3, %select_n3A_464 : vector<16xf32>
    %eq3A_474 = arith.cmpf oeq, %scan3A_431#3, %select_n3A_464 : vector<16xf32>
    %lt3A_475 = arith.cmpi slt, %add3A_472, %select_n3A_465 : vector<16xi32>
    %and3A_476 = arith.andi %eq3A_474, %lt3A_475 : vector<16xi1>
    %or3A_477 = arith.ori %gt3A_473, %and3A_476 : vector<16xi1>
    %select_n3A_478 = arith.select %or3A_477, %scan3A_431#3, %select_n3A_464 : vector<16xi1>, vector<16xf32>
    %select_n3A_479 = arith.select %or3A_477, %add3A_472, %select_n3A_465 : vector<16xi1>, vector<16xi32>
    %mul3A_480 = arith.constant 128 : i32
    %mul3A_481 = vector.broadcast %mul3A_480 : i32 to vector<16xi32>
    %mul3A_482 = arith.muli %scan3A_431#12, %mul3A_481 : vector<16xi32>
    %add3A_483 = arith.constant 64 : i32
    %add3A_484 = vector.broadcast %add3A_483 : i32 to vector<16xi32>
    %add3A_485 = arith.addi %iota3A_433, %add3A_484 : vector<16xi32>
    %add3A_486 = arith.addi %mul3A_482, %add3A_485 : vector<16xi32>
    %gt3A_487 = arith.cmpf ogt, %scan3A_431#4, %select_n3A_478 : vector<16xf32>
    %eq3A_488 = arith.cmpf oeq, %scan3A_431#4, %select_n3A_478 : vector<16xf32>
    %lt3A_489 = arith.cmpi slt, %add3A_486, %select_n3A_479 : vector<16xi32>
    %and3A_490 = arith.andi %eq3A_488, %lt3A_489 : vector<16xi1>
    %or3A_491 = arith.ori %gt3A_487, %and3A_490 : vector<16xi1>
    %select_n3A_492 = arith.select %or3A_491, %scan3A_431#4, %select_n3A_478 : vector<16xi1>, vector<16xf32>
    %select_n3A_493 = arith.select %or3A_491, %add3A_486, %select_n3A_479 : vector<16xi1>, vector<16xi32>
    %mul3A_494 = arith.constant 128 : i32
    %mul3A_495 = vector.broadcast %mul3A_494 : i32 to vector<16xi32>
    %mul3A_496 = arith.muli %scan3A_431#13, %mul3A_495 : vector<16xi32>
    %add3A_497 = arith.constant 80 : i32
    %add3A_498 = vector.broadcast %add3A_497 : i32 to vector<16xi32>
    %add3A_499 = arith.addi %iota3A_433, %add3A_498 : vector<16xi32>
    %add3A_500 = arith.addi %mul3A_496, %add3A_499 : vector<16xi32>
    %gt3A_501 = arith.cmpf ogt, %scan3A_431#5, %select_n3A_492 : vector<16xf32>
    %eq3A_502 = arith.cmpf oeq, %scan3A_431#5, %select_n3A_492 : vector<16xf32>
    %lt3A_503 = arith.cmpi slt, %add3A_500, %select_n3A_493 : vector<16xi32>
    %and3A_504 = arith.andi %eq3A_502, %lt3A_503 : vector<16xi1>
    %or3A_505 = arith.ori %gt3A_501, %and3A_504 : vector<16xi1>
    %select_n3A_506 = arith.select %or3A_505, %scan3A_431#5, %select_n3A_492 : vector<16xi1>, vector<16xf32>
    %select_n3A_507 = arith.select %or3A_505, %add3A_500, %select_n3A_493 : vector<16xi1>, vector<16xi32>
    %mul3A_508 = arith.constant 128 : i32
    %mul3A_509 = vector.broadcast %mul3A_508 : i32 to vector<16xi32>
    %mul3A_510 = arith.muli %scan3A_431#14, %mul3A_509 : vector<16xi32>
    %add3A_511 = arith.constant 96 : i32
    %add3A_512 = vector.broadcast %add3A_511 : i32 to vector<16xi32>
    %add3A_513 = arith.addi %iota3A_433, %add3A_512 : vector<16xi32>
    %add3A_514 = arith.addi %mul3A_510, %add3A_513 : vector<16xi32>
    %gt3A_515 = arith.cmpf ogt, %scan3A_431#6, %select_n3A_506 : vector<16xf32>
    %eq3A_516 = arith.cmpf oeq, %scan3A_431#6, %select_n3A_506 : vector<16xf32>
    %lt3A_517 = arith.cmpi slt, %add3A_514, %select_n3A_507 : vector<16xi32>
    %and3A_518 = arith.andi %eq3A_516, %lt3A_517 : vector<16xi1>
    %or3A_519 = arith.ori %gt3A_515, %and3A_518 : vector<16xi1>
    %select_n3A_520 = arith.select %or3A_519, %scan3A_431#6, %select_n3A_506 : vector<16xi1>, vector<16xf32>
    %select_n3A_521 = arith.select %or3A_519, %add3A_514, %select_n3A_507 : vector<16xi1>, vector<16xi32>
    %mul3A_522 = arith.constant 128 : i32
    %mul3A_523 = vector.broadcast %mul3A_522 : i32 to vector<16xi32>
    %mul3A_524 = arith.muli %scan3A_431#15, %mul3A_523 : vector<16xi32>
    %add3A_525 = arith.constant 112 : i32
    %add3A_526 = vector.broadcast %add3A_525 : i32 to vector<16xi32>
    %add3A_527 = arith.addi %iota3A_433, %add3A_526 : vector<16xi32>
    %add3A_528 = arith.addi %mul3A_524, %add3A_527 : vector<16xi32>
    %gt3A_529 = arith.cmpf ogt, %scan3A_431#7, %select_n3A_520 : vector<16xf32>
    %eq3A_530 = arith.cmpf oeq, %scan3A_431#7, %select_n3A_520 : vector<16xf32>
    %lt3A_531 = arith.cmpi slt, %add3A_528, %select_n3A_521 : vector<16xi32>
    %and3A_532 = arith.andi %eq3A_530, %lt3A_531 : vector<16xi1>
    %or3A_533 = arith.ori %gt3A_529, %and3A_532 : vector<16xi1>
    %select_n3A_534 = arith.select %or3A_533, %scan3A_431#7, %select_n3A_520 : vector<16xi1>, vector<16xf32>
    %select_n3A_535 = arith.select %or3A_533, %add3A_528, %select_n3A_521 : vector<16xi1>, vector<16xi32>
    %xor3A_536 = arith.constant 8 : i32
    %xor3A_537 = vector.broadcast %xor3A_536 : i32 to vector<16xi32>
    %xor3A_538 = arith.xori %iota3A_433, %xor3A_537 : vector<16xi32>
    %broadcast_in_dim3A_539 = vector.shape_cast %xor3A_538 : vector<16xi32> to vector<16x1xi32>
    %gather3A_540 = vector.shape_cast %broadcast_in_dim3A_539 : vector<16x1xi32> to vector<16xi32>
    %gather3A_541 = tpu.dynamic_gather %select_n3A_534[%gather3A_540] in [0] : vector<16xf32>, vector<16xi32> -> vector<16xf32>
    %max3A_542 = arith.maximumf %select_n3A_534, %gather3A_541 : vector<16xf32>
    %xor3A_543 = arith.constant 4 : i32
    %xor3A_544 = vector.broadcast %xor3A_543 : i32 to vector<16xi32>
    %xor3A_545 = arith.xori %iota3A_433, %xor3A_544 : vector<16xi32>
    %broadcast_in_dim3A_546 = vector.shape_cast %xor3A_545 : vector<16xi32> to vector<16x1xi32>
    %gather3A_547 = vector.shape_cast %broadcast_in_dim3A_546 : vector<16x1xi32> to vector<16xi32>
    %gather3A_548 = tpu.dynamic_gather %max3A_542[%gather3A_547] in [0] : vector<16xf32>, vector<16xi32> -> vector<16xf32>
    %max3A_549 = arith.maximumf %max3A_542, %gather3A_548 : vector<16xf32>
    %xor3A_550 = arith.constant 2 : i32
    %xor3A_551 = vector.broadcast %xor3A_550 : i32 to vector<16xi32>
    %xor3A_552 = arith.xori %iota3A_433, %xor3A_551 : vector<16xi32>
    %broadcast_in_dim3A_553 = vector.shape_cast %xor3A_552 : vector<16xi32> to vector<16x1xi32>
    %gather3A_554 = vector.shape_cast %broadcast_in_dim3A_553 : vector<16x1xi32> to vector<16xi32>
    %gather3A_555 = tpu.dynamic_gather %max3A_549[%gather3A_554] in [0] : vector<16xf32>, vector<16xi32> -> vector<16xf32>
    %max3A_556 = arith.maximumf %max3A_549, %gather3A_555 : vector<16xf32>
    %xor3A_557 = arith.constant 1 : i32
    %xor3A_558 = vector.broadcast %xor3A_557 : i32 to vector<16xi32>
    %xor3A_559 = arith.xori %iota3A_433, %xor3A_558 : vector<16xi32>
    %broadcast_in_dim3A_560 = vector.shape_cast %xor3A_559 : vector<16xi32> to vector<16x1xi32>
    %gather3A_561 = vector.shape_cast %broadcast_in_dim3A_560 : vector<16x1xi32> to vector<16xi32>
    %gather3A_562 = tpu.dynamic_gather %max3A_556[%gather3A_561] in [0] : vector<16xf32>, vector<16xi32> -> vector<16xf32>
    %max3A_563 = arith.maximumf %max3A_556, %gather3A_562 : vector<16xf32>
    %eq3A_564 = arith.cmpf oeq, %select_n3A_534, %max3A_563 : vector<16xf32>
    %jit3A_565 = arith.constant 32768 : i32
    %broadcast_in_dim3A_566 = vector.broadcast %jit3A_565 : i32 to vector<16xi32>
    %select_n3A_567 = arith.select %eq3A_564, %select_n3A_535, %broadcast_in_dim3A_566 : vector<16xi1>, vector<16xi32>
    %xor3A_568 = arith.constant 8 : i32
    %xor3A_569 = vector.broadcast %xor3A_568 : i32 to vector<16xi32>
    %xor3A_570 = arith.xori %iota3A_433, %xor3A_569 : vector<16xi32>
    %broadcast_in_dim3A_571 = vector.shape_cast %xor3A_570 : vector<16xi32> to vector<16x1xi32>
    %gather3A_572 = vector.shape_cast %broadcast_in_dim3A_571 : vector<16x1xi32> to vector<16xi32>
    %gather3A_573 = tpu.dynamic_gather %select_n3A_567[%gather3A_572] in [0] : vector<16xi32>, vector<16xi32> -> vector<16xi32>
    %min3A_574 = arith.minsi %select_n3A_567, %gather3A_573 : vector<16xi32>
    %xor3A_575 = arith.constant 4 : i32
    %xor3A_576 = vector.broadcast %xor3A_575 : i32 to vector<16xi32>
    %xor3A_577 = arith.xori %iota3A_433, %xor3A_576 : vector<16xi32>
    %broadcast_in_dim3A_578 = vector.shape_cast %xor3A_577 : vector<16xi32> to vector<16x1xi32>
    %gather3A_579 = vector.shape_cast %broadcast_in_dim3A_578 : vector<16x1xi32> to vector<16xi32>
    %gather3A_580 = tpu.dynamic_gather %min3A_574[%gather3A_579] in [0] : vector<16xi32>, vector<16xi32> -> vector<16xi32>
    %min3A_581 = arith.minsi %min3A_574, %gather3A_580 : vector<16xi32>
    %xor3A_582 = arith.constant 2 : i32
    %xor3A_583 = vector.broadcast %xor3A_582 : i32 to vector<16xi32>
    %xor3A_584 = arith.xori %iota3A_433, %xor3A_583 : vector<16xi32>
    %broadcast_in_dim3A_585 = vector.shape_cast %xor3A_584 : vector<16xi32> to vector<16x1xi32>
    %gather3A_586 = vector.shape_cast %broadcast_in_dim3A_585 : vector<16x1xi32> to vector<16xi32>
    %gather3A_587 = tpu.dynamic_gather %min3A_581[%gather3A_586] in [0] : vector<16xi32>, vector<16xi32> -> vector<16xi32>
    %min3A_588 = arith.minsi %min3A_581, %gather3A_587 : vector<16xi32>
    %xor3A_589 = arith.constant 1 : i32
    %xor3A_590 = vector.broadcast %xor3A_589 : i32 to vector<16xi32>
    %xor3A_591 = arith.xori %iota3A_433, %xor3A_590 : vector<16xi32>
    %broadcast_in_dim3A_592 = vector.shape_cast %xor3A_591 : vector<16xi32> to vector<16x1xi32>
    %gather3A_593 = vector.shape_cast %broadcast_in_dim3A_592 : vector<16x1xi32> to vector<16xi32>
    %gather3A_594 = tpu.dynamic_gather %min3A_588[%gather3A_593] in [0] : vector<16xi32>, vector<16xi32> -> vector<16xi32>
    %min3A_595 = arith.minsi %min3A_588, %gather3A_594 : vector<16xi32>
    %eq3A_596 = arith.constant 1 : i32
    %eq3A_597 = vector.broadcast %eq3A_596 : i32 to vector<16xi32>
    %eq3A_598 = arith.cmpi eq, %iota3A, %eq3A_597 : vector<16xi32>
    %select_n3A_599 = arith.select %eq3A_598, %min3A_595, %select_n3A_368 : vector<16xi1>, vector<16xi32>
    %dma_wait3A_600 = arith.constant 0 : i32
    %dma_wait3A_601 = tpu.memref_slice %arg4[%dma_wait3A_600] : memref<32768xf32, #tpu.memory_space<vmem>> -> memref<8192xf32, #tpu.memory_space<vmem>>
    %dma_wait3A_602 = arith.constant 0 : i32
    %dma_wait3A_603 = tpu.memref_slice %arg2[%add3A_112, %dma_wait3A_602] : memref<128x32768xf32, #tpu.memory_space<hbm>> -> memref<1x8192xf32, #tpu.memory_space<hbm>>
    %dma_wait3A_604 = tpu.memref_squeeze %dma_wait3A_603 : memref<1x8192xf32, #tpu.memory_space<hbm>> -> memref<8192xf32, #tpu.memory_space<hbm>>
    %dma_wait3A_605 = arith.constant 0 : i32
    %dma_wait3A_606 = tpu.memref_slice %arg4[%dma_wait3A_605] : memref<32768xf32, #tpu.memory_space<vmem>> -> memref<8192xf32, #tpu.memory_space<vmem>>
    %dma_wait3A_607 = arith.constant 0 : i32
    %dma_wait3A_608 = tpu.memref_slice %arg2[%add3A_112, %dma_wait3A_607] : memref<128x32768xf32, #tpu.memory_space<hbm>> -> memref<1x8192xf32, #tpu.memory_space<hbm>>
    %dma_wait3A_609 = tpu.memref_squeeze %dma_wait3A_608 : memref<1x8192xf32, #tpu.memory_space<hbm>> -> memref<8192xf32, #tpu.memory_space<hbm>>
    tpu.wait_dma2 semaphore(%arg7 : memref<!tpu.dma_semaphore, #tpu.memory_space<semaphore_mem>>) src(%dma_wait3A_609 : memref<8192xf32, #tpu.memory_space<hbm>>) dst(%dma_wait3A_606 : memref<8192xf32, #tpu.memory_space<vmem>>)
    %scan3A_610 = arith.constant 0 : i32
    %scan3A_611 = arith.constant 64 : i32
    %scan3A_612 = arith.addi %scan3A_610, %scan3A_611 : i32
    %scan3A_613 = arith.constant 1 : i32
    %scan3A_614:17 = scf.for %scan3A_834 = %scan3A_610 to %scan3A_612 step %scan3A_613 iter_args(%scan3A_835 = %broadcast_in_dim3A_90, %scan3A_836 = %broadcast_in_dim3A_90, %scan3A_837 = %broadcast_in_dim3A_90, %scan3A_838 = %broadcast_in_dim3A_90, %scan3A_839 = %broadcast_in_dim3A_90, %scan3A_840 = %broadcast_in_dim3A_90, %scan3A_841 = %broadcast_in_dim3A_90, %scan3A_842 = %broadcast_in_dim3A_90, %scan3A_843 = %broadcast_in_dim3A_92, %scan3A_844 = %broadcast_in_dim3A_92, %scan3A_845 = %broadcast_in_dim3A_92, %scan3A_846 = %broadcast_in_dim3A_92, %scan3A_847 = %broadcast_in_dim3A_92, %scan3A_848 = %broadcast_in_dim3A_92, %scan3A_849 = %broadcast_in_dim3A_92, %scan3A_850 = %broadcast_in_dim3A_92, %scan3A_851 = %broadcast_in_dim3A_92) -> (vector<16xf32>, vector<16xf32>, vector<16xf32>, vector<16xf32>, vector<16xf32>, vector<16xf32>, vector<16xf32>, vector<16xf32>, vector<16xi32>, vector<16xi32>, vector<16xi32>, vector<16xi32>, vector<16xi32>, vector<16xi32>, vector<16xi32>, vector<16xi32>, vector<16xi32>)  : i32 {
      %mul3A_852 = arith.constant 8 : i32
      %mul3A_853 = arith.muli %scan3A_834, %mul3A_852 : i32
      %add3A_854 = arith.constant 0 : i32
      %add3A_855 = arith.addi %mul3A_853, %add3A_854 : i32
      %mul3A_856 = arith.constant 16 : i32
      %mul3A_857 = arith.muli %add3A_855, %mul3A_856 : i32
      %get3A = arith.index_cast %mul3A_857 : i32 to index
      %get3A_858 = tpu.vector_load %arg4[%get3A] {strides = array<i32>} : memref<32768xf32, #tpu.memory_space<vmem>>, vector<16xf32>,
      %get3A_859 = vector.shape_cast %get3A_858 : vector<16xf32> to vector<16xf32>
      %gt3A_860 = arith.cmpf ogt, %get3A_859, %scan3A_835 : vector<16xf32>
      %select_n3A_861 = arith.select %gt3A_860, %get3A_859, %scan3A_835 : vector<16xi1>, vector<16xf32>
      %select_n3A_862 = arith.select %gt3A_860, %scan3A_851, %scan3A_843 : vector<16xi1>, vector<16xi32>
      %add3A_863 = arith.constant 1 : i32
      %add3A_864 = arith.addi %mul3A_853, %add3A_863 : i32
      %mul3A_865 = arith.constant 16 : i32
      %mul3A_866 = arith.muli %add3A_864, %mul3A_865 : i32
      %get3A_867 = arith.index_cast %mul3A_866 : i32 to index
      %get3A_868 = tpu.vector_load %arg4[%get3A_867] {strides = array<i32>} : memref<32768xf32, #tpu.memory_space<vmem>>, vector<16xf32>,
      %get3A_869 = vector.shape_cast %get3A_868 : vector<16xf32> to vector<16xf32>
      %gt3A_870 = arith.cmpf ogt, %get3A_869, %scan3A_836 : vector<16xf32>
      %select_n3A_871 = arith.select %gt3A_870, %get3A_869, %scan3A_836 : vector<16xi1>, vector<16xf32>
      %select_n3A_872 = arith.select %gt3A_870, %scan3A_851, %scan3A_844 : vector<16xi1>, vector<16xi32>
      %add3A_873 = arith.constant 2 : i32
      %add3A_874 = arith.addi %mul3A_853, %add3A_873 : i32
      %mul3A_875 = arith.constant 16 : i32
      %mul3A_876 = arith.muli %add3A_874, %mul3A_875 : i32
      %get3A_877 = arith.index_cast %mul3A_876 : i32 to index
      %get3A_878 = tpu.vector_load %arg4[%get3A_877] {strides = array<i32>} : memref<32768xf32, #tpu.memory_space<vmem>>, vector<16xf32>,
      %get3A_879 = vector.shape_cast %get3A_878 : vector<16xf32> to vector<16xf32>
      %gt3A_880 = arith.cmpf ogt, %get3A_879, %scan3A_837 : vector<16xf32>
      %select_n3A_881 = arith.select %gt3A_880, %get3A_879, %scan3A_837 : vector<16xi1>, vector<16xf32>
      %select_n3A_882 = arith.select %gt3A_880, %scan3A_851, %scan3A_845 : vector<16xi1>, vector<16xi32>
      %add3A_883 = arith.constant 3 : i32
      %add3A_884 = arith.addi %mul3A_853, %add3A_883 : i32
      %mul3A_885 = arith.constant 16 : i32
      %mul3A_886 = arith.muli %add3A_884, %mul3A_885 : i32
      %get3A_887 = arith.index_cast %mul3A_886 : i32 to index
      %get3A_888 = tpu.vector_load %arg4[%get3A_887] {strides = array<i32>} : memref<32768xf32, #tpu.memory_space<vmem>>, vector<16xf32>,
      %get3A_889 = vector.shape_cast %get3A_888 : vector<16xf32> to vector<16xf32>
      %gt3A_890 = arith.cmpf ogt, %get3A_889, %scan3A_838 : vector<16xf32>
      %select_n3A_891 = arith.select %gt3A_890, %get3A_889, %scan3A_838 : vector<16xi1>, vector<16xf32>
      %select_n3A_892 = arith.select %gt3A_890, %scan3A_851, %scan3A_846 : vector<16xi1>, vector<16xi32>
      %add3A_893 = arith.constant 4 : i32
      %add3A_894 = arith.addi %mul3A_853, %add3A_893 : i32
      %mul3A_895 = arith.constant 16 : i32
      %mul3A_896 = arith.muli %add3A_894, %mul3A_895 : i32
      %get3A_897 = arith.index_cast %mul3A_896 : i32 to index
      %get3A_898 = tpu.vector_load %arg4[%get3A_897] {strides = array<i32>} : memref<32768xf32, #tpu.memory_space<vmem>>, vector<16xf32>,
      %get3A_899 = vector.shape_cast %get3A_898 : vector<16xf32> to vector<16xf32>
      %gt3A_900 = arith.cmpf ogt, %get3A_899, %scan3A_839 : vector<16xf32>
      %select_n3A_901 = arith.select %gt3A_900, %get3A_899, %scan3A_839 : vector<16xi1>, vector<16xf32>
      %select_n3A_902 = arith.select %gt3A_900, %scan3A_851, %scan3A_847 : vector<16xi1>, vector<16xi32>
      %add3A_903 = arith.constant 5 : i32
      %add3A_904 = arith.addi %mul3A_853, %add3A_903 : i32
      %mul3A_905 = arith.constant 16 : i32
      %mul3A_906 = arith.muli %add3A_904, %mul3A_905 : i32
      %get3A_907 = arith.index_cast %mul3A_906 : i32 to index
      %get3A_908 = tpu.vector_load %arg4[%get3A_907] {strides = array<i32>} : memref<32768xf32, #tpu.memory_space<vmem>>, vector<16xf32>,
      %get3A_909 = vector.shape_cast %get3A_908 : vector<16xf32> to vector<16xf32>
      %gt3A_910 = arith.cmpf ogt, %get3A_909, %scan3A_840 : vector<16xf32>
      %select_n3A_911 = arith.select %gt3A_910, %get3A_909, %scan3A_840 : vector<16xi1>, vector<16xf32>
      %select_n3A_912 = arith.select %gt3A_910, %scan3A_851, %scan3A_848 : vector<16xi1>, vector<16xi32>
      %add3A_913 = arith.constant 6 : i32
      %add3A_914 = arith.addi %mul3A_853, %add3A_913 : i32
      %mul3A_915 = arith.constant 16 : i32
      %mul3A_916 = arith.muli %add3A_914, %mul3A_915 : i32
      %get3A_917 = arith.index_cast %mul3A_916 : i32 to index
      %get3A_918 = tpu.vector_load %arg4[%get3A_917] {strides = array<i32>} : memref<32768xf32, #tpu.memory_space<vmem>>, vector<16xf32>,
      %get3A_919 = vector.shape_cast %get3A_918 : vector<16xf32> to vector<16xf32>
      %gt3A_920 = arith.cmpf ogt, %get3A_919, %scan3A_841 : vector<16xf32>
      %select_n3A_921 = arith.select %gt3A_920, %get3A_919, %scan3A_841 : vector<16xi1>, vector<16xf32>
      %select_n3A_922 = arith.select %gt3A_920, %scan3A_851, %scan3A_849 : vector<16xi1>, vector<16xi32>
      %add3A_923 = arith.constant 7 : i32
      %add3A_924 = arith.addi %mul3A_853, %add3A_923 : i32
      %mul3A_925 = arith.constant 16 : i32
      %mul3A_926 = arith.muli %add3A_924, %mul3A_925 : i32
      %get3A_927 = arith.index_cast %mul3A_926 : i32 to index
      %get3A_928 = tpu.vector_load %arg4[%get3A_927] {strides = array<i32>} : memref<32768xf32, #tpu.memory_space<vmem>>, vector<16xf32>,
      %get3A_929 = vector.shape_cast %get3A_928 : vector<16xf32> to vector<16xf32>
      %gt3A_930 = arith.cmpf ogt, %get3A_929, %scan3A_842 : vector<16xf32>
      %select_n3A_931 = arith.select %gt3A_930, %get3A_929, %scan3A_842 : vector<16xi1>, vector<16xf32>
      %select_n3A_932 = arith.select %gt3A_930, %scan3A_851, %scan3A_850 : vector<16xi1>, vector<16xi32>
      %add3A_933 = arith.constant 1 : i32
      %add3A_934 = vector.broadcast %add3A_933 : i32 to vector<16xi32>
      %add3A_935 = arith.addi %scan3A_851, %add3A_934 : vector<16xi32>
      scf.yield %select_n3A_861, %select_n3A_871, %select_n3A_881, %select_n3A_891, %select_n3A_901, %select_n3A_911, %select_n3A_921, %select_n3A_931, %select_n3A_862, %select_n3A_872, %select_n3A_882, %select_n3A_892, %select_n3A_902, %select_n3A_912, %select_n3A_922, %select_n3A_932, %add3A_935 : vector<16xf32>, vector<16xf32>, vector<16xf32>, vector<16xf32>, vector<16xf32>, vector<16xf32>, vector<16xf32>, vector<16xf32>, vector<16xi32>, vector<16xi32>, vector<16xi32>, vector<16xi32>, vector<16xi32>, vector<16xi32>, vector<16xi32>, vector<16xi32>, vector<16xi32>
    }
    %scan3A_615 = arith.constant 64 : i32
    %dma_wait3A_616 = arith.constant 8192 : i32
    %dma_wait3A_617 = tpu.memref_slice %arg4[%dma_wait3A_616] : memref<32768xf32, #tpu.memory_space<vmem>> -> memref<8192xf32, #tpu.memory_space<vmem>>
    %dma_wait3A_618 = arith.constant 8192 : i32
    %dma_wait3A_619 = tpu.memref_slice %arg2[%add3A_142, %dma_wait3A_618] : memref<128x32768xf32, #tpu.memory_space<hbm>> -> memref<1x8192xf32, #tpu.memory_space<hbm>>
    %dma_wait3A_620 = tpu.memref_squeeze %dma_wait3A_619 : memref<1x8192xf32, #tpu.memory_space<hbm>> -> memref<8192xf32, #tpu.memory_space<hbm>>
    %dma_wait3A_621 = arith.constant 8192 : i32
    %dma_wait3A_622 = tpu.memref_slice %arg4[%dma_wait3A_621] : memref<32768xf32, #tpu.memory_space<vmem>> -> memref<8192xf32, #tpu.memory_space<vmem>>
    %dma_wait3A_623 = arith.constant 8192 : i32
    %dma_wait3A_624 = tpu.memref_slice %arg2[%add3A_142, %dma_wait3A_623] : memref<128x32768xf32, #tpu.memory_space<hbm>> -> memref<1x8192xf32, #tpu.memory_space<hbm>>
    %dma_wait3A_625 = tpu.memref_squeeze %dma_wait3A_624 : memref<1x8192xf32, #tpu.memory_space<hbm>> -> memref<8192xf32, #tpu.memory_space<hbm>>
    tpu.wait_dma2 semaphore(%arg8 : memref<!tpu.dma_semaphore, #tpu.memory_space<semaphore_mem>>) src(%dma_wait3A_625 : memref<8192xf32, #tpu.memory_space<hbm>>) dst(%dma_wait3A_622 : memref<8192xf32, #tpu.memory_space<vmem>>)
    %scan3A_626 = arith.constant 64 : i32
    %scan3A_627 = arith.constant 64 : i32
    %scan3A_628 = arith.addi %scan3A_626, %scan3A_627 : i32
    %scan3A_629 = arith.constant 1 : i32
    %scan3A_630:17 = scf.for %scan3A_834 = %scan3A_626 to %scan3A_628 step %scan3A_629 iter_args(%scan3A_835 = %scan3A_614#0, %scan3A_836 = %scan3A_614#1, %scan3A_837 = %scan3A_614#2, %scan3A_838 = %scan3A_614#3, %scan3A_839 = %scan3A_614#4, %scan3A_840 = %scan3A_614#5, %scan3A_841 = %scan3A_614#6, %scan3A_842 = %scan3A_614#7, %scan3A_843 = %scan3A_614#8, %scan3A_844 = %scan3A_614#9, %scan3A_845 = %scan3A_614#10, %scan3A_846 = %scan3A_614#11, %scan3A_847 = %scan3A_614#12, %scan3A_848 = %scan3A_614#13, %scan3A_849 = %scan3A_614#14, %scan3A_850 = %scan3A_614#15, %scan3A_851 = %scan3A_614#16) -> (vector<16xf32>, vector<16xf32>, vector<16xf32>, vector<16xf32>, vector<16xf32>, vector<16xf32>, vector<16xf32>, vector<16xf32>, vector<16xi32>, vector<16xi32>, vector<16xi32>, vector<16xi32>, vector<16xi32>, vector<16xi32>, vector<16xi32>, vector<16xi32>, vector<16xi32>)  : i32 {
      %mul3A_852 = arith.constant 8 : i32
      %mul3A_853 = arith.muli %scan3A_834, %mul3A_852 : i32
      %add3A_854 = arith.constant 0 : i32
      %add3A_855 = arith.addi %mul3A_853, %add3A_854 : i32
      %mul3A_856 = arith.constant 16 : i32
      %mul3A_857 = arith.muli %add3A_855, %mul3A_856 : i32
      %get3A = arith.index_cast %mul3A_857 : i32 to index
      %get3A_858 = tpu.vector_load %arg4[%get3A] {strides = array<i32>} : memref<32768xf32, #tpu.memory_space<vmem>>, vector<16xf32>,
      %get3A_859 = vector.shape_cast %get3A_858 : vector<16xf32> to vector<16xf32>
      %gt3A_860 = arith.cmpf ogt, %get3A_859, %scan3A_835 : vector<16xf32>
      %select_n3A_861 = arith.select %gt3A_860, %get3A_859, %scan3A_835 : vector<16xi1>, vector<16xf32>
      %select_n3A_862 = arith.select %gt3A_860, %scan3A_851, %scan3A_843 : vector<16xi1>, vector<16xi32>
      %add3A_863 = arith.constant 1 : i32
      %add3A_864 = arith.addi %mul3A_853, %add3A_863 : i32
      %mul3A_865 = arith.constant 16 : i32
      %mul3A_866 = arith.muli %add3A_864, %mul3A_865 : i32
      %get3A_867 = arith.index_cast %mul3A_866 : i32 to index
      %get3A_868 = tpu.vector_load %arg4[%get3A_867] {strides = array<i32>} : memref<32768xf32, #tpu.memory_space<vmem>>, vector<16xf32>,
      %get3A_869 = vector.shape_cast %get3A_868 : vector<16xf32> to vector<16xf32>
      %gt3A_870 = arith.cmpf ogt, %get3A_869, %scan3A_836 : vector<16xf32>
      %select_n3A_871 = arith.select %gt3A_870, %get3A_869, %scan3A_836 : vector<16xi1>, vector<16xf32>
      %select_n3A_872 = arith.select %gt3A_870, %scan3A_851, %scan3A_844 : vector<16xi1>, vector<16xi32>
      %add3A_873 = arith.constant 2 : i32
      %add3A_874 = arith.addi %mul3A_853, %add3A_873 : i32
      %mul3A_875 = arith.constant 16 : i32
      %mul3A_876 = arith.muli %add3A_874, %mul3A_875 : i32
      %get3A_877 = arith.index_cast %mul3A_876 : i32 to index
      %get3A_878 = tpu.vector_load %arg4[%get3A_877] {strides = array<i32>} : memref<32768xf32, #tpu.memory_space<vmem>>, vector<16xf32>,
      %get3A_879 = vector.shape_cast %get3A_878 : vector<16xf32> to vector<16xf32>
      %gt3A_880 = arith.cmpf ogt, %get3A_879, %scan3A_837 : vector<16xf32>
      %select_n3A_881 = arith.select %gt3A_880, %get3A_879, %scan3A_837 : vector<16xi1>, vector<16xf32>
      %select_n3A_882 = arith.select %gt3A_880, %scan3A_851, %scan3A_845 : vector<16xi1>, vector<16xi32>
      %add3A_883 = arith.constant 3 : i32
      %add3A_884 = arith.addi %mul3A_853, %add3A_883 : i32
      %mul3A_885 = arith.constant 16 : i32
      %mul3A_886 = arith.muli %add3A_884, %mul3A_885 : i32
      %get3A_887 = arith.index_cast %mul3A_886 : i32 to index
      %get3A_888 = tpu.vector_load %arg4[%get3A_887] {strides = array<i32>} : memref<32768xf32, #tpu.memory_space<vmem>>, vector<16xf32>,
      %get3A_889 = vector.shape_cast %get3A_888 : vector<16xf32> to vector<16xf32>
      %gt3A_890 = arith.cmpf ogt, %get3A_889, %scan3A_838 : vector<16xf32>
      %select_n3A_891 = arith.select %gt3A_890, %get3A_889, %scan3A_838 : vector<16xi1>, vector<16xf32>
      %select_n3A_892 = arith.select %gt3A_890, %scan3A_851, %scan3A_846 : vector<16xi1>, vector<16xi32>
      %add3A_893 = arith.constant 4 : i32
      %add3A_894 = arith.addi %mul3A_853, %add3A_893 : i32
      %mul3A_895 = arith.constant 16 : i32
      %mul3A_896 = arith.muli %add3A_894, %mul3A_895 : i32
      %get3A_897 = arith.index_cast %mul3A_896 : i32 to index
      %get3A_898 = tpu.vector_load %arg4[%get3A_897] {strides = array<i32>} : memref<32768xf32, #tpu.memory_space<vmem>>, vector<16xf32>,
      %get3A_899 = vector.shape_cast %get3A_898 : vector<16xf32> to vector<16xf32>
      %gt3A_900 = arith.cmpf ogt, %get3A_899, %scan3A_839 : vector<16xf32>
      %select_n3A_901 = arith.select %gt3A_900, %get3A_899, %scan3A_839 : vector<16xi1>, vector<16xf32>
      %select_n3A_902 = arith.select %gt3A_900, %scan3A_851, %scan3A_847 : vector<16xi1>, vector<16xi32>
      %add3A_903 = arith.constant 5 : i32
      %add3A_904 = arith.addi %mul3A_853, %add3A_903 : i32
      %mul3A_905 = arith.constant 16 : i32
      %mul3A_906 = arith.muli %add3A_904, %mul3A_905 : i32
      %get3A_907 = arith.index_cast %mul3A_906 : i32 to index
      %get3A_908 = tpu.vector_load %arg4[%get3A_907] {strides = array<i32>} : memref<32768xf32, #tpu.memory_space<vmem>>, vector<16xf32>,
      %get3A_909 = vector.shape_cast %get3A_908 : vector<16xf32> to vector<16xf32>
      %gt3A_910 = arith.cmpf ogt, %get3A_909, %scan3A_840 : vector<16xf32>
      %select_n3A_911 = arith.select %gt3A_910, %get3A_909, %scan3A_840 : vector<16xi1>, vector<16xf32>
      %select_n3A_912 = arith.select %gt3A_910, %scan3A_851, %scan3A_848 : vector<16xi1>, vector<16xi32>
      %add3A_913 = arith.constant 6 : i32
      %add3A_914 = arith.addi %mul3A_853, %add3A_913 : i32
      %mul3A_915 = arith.constant 16 : i32
      %mul3A_916 = arith.muli %add3A_914, %mul3A_915 : i32
      %get3A_917 = arith.index_cast %mul3A_916 : i32 to index
      %get3A_918 = tpu.vector_load %arg4[%get3A_917] {strides = array<i32>} : memref<32768xf32, #tpu.memory_space<vmem>>, vector<16xf32>,
      %get3A_919 = vector.shape_cast %get3A_918 : vector<16xf32> to vector<16xf32>
      %gt3A_920 = arith.cmpf ogt, %get3A_919, %scan3A_841 : vector<16xf32>
      %select_n3A_921 = arith.select %gt3A_920, %get3A_919, %scan3A_841 : vector<16xi1>, vector<16xf32>
      %select_n3A_922 = arith.select %gt3A_920, %scan3A_851, %scan3A_849 : vector<16xi1>, vector<16xi32>
      %add3A_923 = arith.constant 7 : i32
      %add3A_924 = arith.addi %mul3A_853, %add3A_923 : i32
      %mul3A_925 = arith.constant 16 : i32
      %mul3A_926 = arith.muli %add3A_924, %mul3A_925 : i32
      %get3A_927 = arith.index_cast %mul3A_926 : i32 to index
      %get3A_928 = tpu.vector_load %arg4[%get3A_927] {strides = array<i32>} : memref<32768xf32, #tpu.memory_space<vmem>>, vector<16xf32>,
      %get3A_929 = vector.shape_cast %get3A_928 : vector<16xf32> to vector<16xf32>
      %gt3A_930 = arith.cmpf ogt, %get3A_929, %scan3A_842 : vector<16xf32>
      %select_n3A_931 = arith.select %gt3A_930, %get3A_929, %scan3A_842 : vector<16xi1>, vector<16xf32>
      %select_n3A_932 = arith.select %gt3A_930, %scan3A_851, %scan3A_850 : vector<16xi1>, vector<16xi32>
      %add3A_933 = arith.constant 1 : i32
      %add3A_934 = vector.broadcast %add3A_933 : i32 to vector<16xi32>
      %add3A_935 = arith.addi %scan3A_851, %add3A_934 : vector<16xi32>
      scf.yield %select_n3A_861, %select_n3A_871, %select_n3A_881, %select_n3A_891, %select_n3A_901, %select_n3A_911, %select_n3A_921, %select_n3A_931, %select_n3A_862, %select_n3A_872, %select_n3A_882, %select_n3A_892, %select_n3A_902, %select_n3A_912, %select_n3A_922, %select_n3A_932, %add3A_935 : vector<16xf32>, vector<16xf32>, vector<16xf32>, vector<16xf32>, vector<16xf32>, vector<16xf32>, vector<16xf32>, vector<16xf32>, vector<16xi32>, vector<16xi32>, vector<16xi32>, vector<16xi32>, vector<16xi32>, vector<16xi32>, vector<16xi32>, vector<16xi32>, vector<16xi32>
    }
    %scan3A_631 = arith.constant 64 : i32
    %dma_wait3A_632 = arith.constant 16384 : i32
    %dma_wait3A_633 = tpu.memref_slice %arg4[%dma_wait3A_632] : memref<32768xf32, #tpu.memory_space<vmem>> -> memref<8192xf32, #tpu.memory_space<vmem>>
    %dma_wait3A_634 = arith.constant 16384 : i32
    %dma_wait3A_635 = tpu.memref_slice %arg2[%add3A_172, %dma_wait3A_634] : memref<128x32768xf32, #tpu.memory_space<hbm>> -> memref<1x8192xf32, #tpu.memory_space<hbm>>
    %dma_wait3A_636 = tpu.memref_squeeze %dma_wait3A_635 : memref<1x8192xf32, #tpu.memory_space<hbm>> -> memref<8192xf32, #tpu.memory_space<hbm>>
    %dma_wait3A_637 = arith.constant 16384 : i32
    %dma_wait3A_638 = tpu.memref_slice %arg4[%dma_wait3A_637] : memref<32768xf32, #tpu.memory_space<vmem>> -> memref<8192xf32, #tpu.memory_space<vmem>>
    %dma_wait3A_639 = arith.constant 16384 : i32
    %dma_wait3A_640 = tpu.memref_slice %arg2[%add3A_172, %dma_wait3A_639] : memref<128x32768xf32, #tpu.memory_space<hbm>> -> memref<1x8192xf32, #tpu.memory_space<hbm>>
    %dma_wait3A_641 = tpu.memref_squeeze %dma_wait3A_640 : memref<1x8192xf32, #tpu.memory_space<hbm>> -> memref<8192xf32, #tpu.memory_space<hbm>>
    tpu.wait_dma2 semaphore(%arg9 : memref<!tpu.dma_semaphore, #tpu.memory_space<semaphore_mem>>) src(%dma_wait3A_641 : memref<8192xf32, #tpu.memory_space<hbm>>) dst(%dma_wait3A_638 : memref<8192xf32, #tpu.memory_space<vmem>>)
    %scan3A_642 = arith.constant 128 : i32
    %scan3A_643 = arith.constant 64 : i32
    %scan3A_644 = arith.addi %scan3A_642, %scan3A_643 : i32
    %scan3A_645 = arith.constant 1 : i32
    %scan3A_646:17 = scf.for %scan3A_834 = %scan3A_642 to %scan3A_644 step %scan3A_645 iter_args(%scan3A_835 = %scan3A_630#0, %scan3A_836 = %scan3A_630#1, %scan3A_837 = %scan3A_630#2, %scan3A_838 = %scan3A_630#3, %scan3A_839 = %scan3A_630#4, %scan3A_840 = %scan3A_630#5, %scan3A_841 = %scan3A_630#6, %scan3A_842 = %scan3A_630#7, %scan3A_843 = %scan3A_630#8, %scan3A_844 = %scan3A_630#9, %scan3A_845 = %scan3A_630#10, %scan3A_846 = %scan3A_630#11, %scan3A_847 = %scan3A_630#12, %scan3A_848 = %scan3A_630#13, %scan3A_849 = %scan3A_630#14, %scan3A_850 = %scan3A_630#15, %scan3A_851 = %scan3A_630#16) -> (vector<16xf32>, vector<16xf32>, vector<16xf32>, vector<16xf32>, vector<16xf32>, vector<16xf32>, vector<16xf32>, vector<16xf32>, vector<16xi32>, vector<16xi32>, vector<16xi32>, vector<16xi32>, vector<16xi32>, vector<16xi32>, vector<16xi32>, vector<16xi32>, vector<16xi32>)  : i32 {
      %mul3A_852 = arith.constant 8 : i32
      %mul3A_853 = arith.muli %scan3A_834, %mul3A_852 : i32
      %add3A_854 = arith.constant 0 : i32
      %add3A_855 = arith.addi %mul3A_853, %add3A_854 : i32
      %mul3A_856 = arith.constant 16 : i32
      %mul3A_857 = arith.muli %add3A_855, %mul3A_856 : i32
      %get3A = arith.index_cast %mul3A_857 : i32 to index
      %get3A_858 = tpu.vector_load %arg4[%get3A] {strides = array<i32>} : memref<32768xf32, #tpu.memory_space<vmem>>, vector<16xf32>,
      %get3A_859 = vector.shape_cast %get3A_858 : vector<16xf32> to vector<16xf32>
      %gt3A_860 = arith.cmpf ogt, %get3A_859, %scan3A_835 : vector<16xf32>
      %select_n3A_861 = arith.select %gt3A_860, %get3A_859, %scan3A_835 : vector<16xi1>, vector<16xf32>
      %select_n3A_862 = arith.select %gt3A_860, %scan3A_851, %scan3A_843 : vector<16xi1>, vector<16xi32>
      %add3A_863 = arith.constant 1 : i32
      %add3A_864 = arith.addi %mul3A_853, %add3A_863 : i32
      %mul3A_865 = arith.constant 16 : i32
      %mul3A_866 = arith.muli %add3A_864, %mul3A_865 : i32
      %get3A_867 = arith.index_cast %mul3A_866 : i32 to index
      %get3A_868 = tpu.vector_load %arg4[%get3A_867] {strides = array<i32>} : memref<32768xf32, #tpu.memory_space<vmem>>, vector<16xf32>,
      %get3A_869 = vector.shape_cast %get3A_868 : vector<16xf32> to vector<16xf32>
      %gt3A_870 = arith.cmpf ogt, %get3A_869, %scan3A_836 : vector<16xf32>
      %select_n3A_871 = arith.select %gt3A_870, %get3A_869, %scan3A_836 : vector<16xi1>, vector<16xf32>
      %select_n3A_872 = arith.select %gt3A_870, %scan3A_851, %scan3A_844 : vector<16xi1>, vector<16xi32>
      %add3A_873 = arith.constant 2 : i32
      %add3A_874 = arith.addi %mul3A_853, %add3A_873 : i32
      %mul3A_875 = arith.constant 16 : i32
      %mul3A_876 = arith.muli %add3A_874, %mul3A_875 : i32
      %get3A_877 = arith.index_cast %mul3A_876 : i32 to index
      %get3A_878 = tpu.vector_load %arg4[%get3A_877] {strides = array<i32>} : memref<32768xf32, #tpu.memory_space<vmem>>, vector<16xf32>,
      %get3A_879 = vector.shape_cast %get3A_878 : vector<16xf32> to vector<16xf32>
      %gt3A_880 = arith.cmpf ogt, %get3A_879, %scan3A_837 : vector<16xf32>
      %select_n3A_881 = arith.select %gt3A_880, %get3A_879, %scan3A_837 : vector<16xi1>, vector<16xf32>
      %select_n3A_882 = arith.select %gt3A_880, %scan3A_851, %scan3A_845 : vector<16xi1>, vector<16xi32>
      %add3A_883 = arith.constant 3 : i32
      %add3A_884 = arith.addi %mul3A_853, %add3A_883 : i32
      %mul3A_885 = arith.constant 16 : i32
      %mul3A_886 = arith.muli %add3A_884, %mul3A_885 : i32
      %get3A_887 = arith.index_cast %mul3A_886 : i32 to index
      %get3A_888 = tpu.vector_load %arg4[%get3A_887] {strides = array<i32>} : memref<32768xf32, #tpu.memory_space<vmem>>, vector<16xf32>,
      %get3A_889 = vector.shape_cast %get3A_888 : vector<16xf32> to vector<16xf32>
      %gt3A_890 = arith.cmpf ogt, %get3A_889, %scan3A_838 : vector<16xf32>
      %select_n3A_891 = arith.select %gt3A_890, %get3A_889, %scan3A_838 : vector<16xi1>, vector<16xf32>
      %select_n3A_892 = arith.select %gt3A_890, %scan3A_851, %scan3A_846 : vector<16xi1>, vector<16xi32>
      %add3A_893 = arith.constant 4 : i32
      %add3A_894 = arith.addi %mul3A_853, %add3A_893 : i32
      %mul3A_895 = arith.constant 16 : i32
      %mul3A_896 = arith.muli %add3A_894, %mul3A_895 : i32
      %get3A_897 = arith.index_cast %mul3A_896 : i32 to index
      %get3A_898 = tpu.vector_load %arg4[%get3A_897] {strides = array<i32>} : memref<32768xf32, #tpu.memory_space<vmem>>, vector<16xf32>,
      %get3A_899 = vector.shape_cast %get3A_898 : vector<16xf32> to vector<16xf32>
      %gt3A_900 = arith.cmpf ogt, %get3A_899, %scan3A_839 : vector<16xf32>
      %select_n3A_901 = arith.select %gt3A_900, %get3A_899, %scan3A_839 : vector<16xi1>, vector<16xf32>
      %select_n3A_902 = arith.select %gt3A_900, %scan3A_851, %scan3A_847 : vector<16xi1>, vector<16xi32>
      %add3A_903 = arith.constant 5 : i32
      %add3A_904 = arith.addi %mul3A_853, %add3A_903 : i32
      %mul3A_905 = arith.constant 16 : i32
      %mul3A_906 = arith.muli %add3A_904, %mul3A_905 : i32
      %get3A_907 = arith.index_cast %mul3A_906 : i32 to index
      %get3A_908 = tpu.vector_load %arg4[%get3A_907] {strides = array<i32>} : memref<32768xf32, #tpu.memory_space<vmem>>, vector<16xf32>,
      %get3A_909 = vector.shape_cast %get3A_908 : vector<16xf32> to vector<16xf32>
      %gt3A_910 = arith.cmpf ogt, %get3A_909, %scan3A_840 : vector<16xf32>
      %select_n3A_911 = arith.select %gt3A_910, %get3A_909, %scan3A_840 : vector<16xi1>, vector<16xf32>
      %select_n3A_912 = arith.select %gt3A_910, %scan3A_851, %scan3A_848 : vector<16xi1>, vector<16xi32>
      %add3A_913 = arith.constant 6 : i32
      %add3A_914 = arith.addi %mul3A_853, %add3A_913 : i32
      %mul3A_915 = arith.constant 16 : i32
      %mul3A_916 = arith.muli %add3A_914, %mul3A_915 : i32
      %get3A_917 = arith.index_cast %mul3A_916 : i32 to index
      %get3A_918 = tpu.vector_load %arg4[%get3A_917] {strides = array<i32>} : memref<32768xf32, #tpu.memory_space<vmem>>, vector<16xf32>,
      %get3A_919 = vector.shape_cast %get3A_918 : vector<16xf32> to vector<16xf32>
      %gt3A_920 = arith.cmpf ogt, %get3A_919, %scan3A_841 : vector<16xf32>
      %select_n3A_921 = arith.select %gt3A_920, %get3A_919, %scan3A_841 : vector<16xi1>, vector<16xf32>
      %select_n3A_922 = arith.select %gt3A_920, %scan3A_851, %scan3A_849 : vector<16xi1>, vector<16xi32>
      %add3A_923 = arith.constant 7 : i32
      %add3A_924 = arith.addi %mul3A_853, %add3A_923 : i32
      %mul3A_925 = arith.constant 16 : i32
      %mul3A_926 = arith.muli %add3A_924, %mul3A_925 : i32
      %get3A_927 = arith.index_cast %mul3A_926 : i32 to index
      %get3A_928 = tpu.vector_load %arg4[%get3A_927] {strides = array<i32>} : memref<32768xf32, #tpu.memory_space<vmem>>, vector<16xf32>,
      %get3A_929 = vector.shape_cast %get3A_928 : vector<16xf32> to vector<16xf32>
      %gt3A_930 = arith.cmpf ogt, %get3A_929, %scan3A_842 : vector<16xf32>
      %select_n3A_931 = arith.select %gt3A_930, %get3A_929, %scan3A_842 : vector<16xi1>, vector<16xf32>
      %select_n3A_932 = arith.select %gt3A_930, %scan3A_851, %scan3A_850 : vector<16xi1>, vector<16xi32>
      %add3A_933 = arith.constant 1 : i32
      %add3A_934 = vector.broadcast %add3A_933 : i32 to vector<16xi32>
      %add3A_935 = arith.addi %scan3A_851, %add3A_934 : vector<16xi32>
      scf.yield %select_n3A_861, %select_n3A_871, %select_n3A_881, %select_n3A_891, %select_n3A_901, %select_n3A_911, %select_n3A_921, %select_n3A_931, %select_n3A_862, %select_n3A_872, %select_n3A_882, %select_n3A_892, %select_n3A_902, %select_n3A_912, %select_n3A_922, %select_n3A_932, %add3A_935 : vector<16xf32>, vector<16xf32>, vector<16xf32>, vector<16xf32>, vector<16xf32>, vector<16xf32>, vector<16xf32>, vector<16xf32>, vector<16xi32>, vector<16xi32>, vector<16xi32>, vector<16xi32>, vector<16xi32>, vector<16xi32>, vector<16xi32>, vector<16xi32>, vector<16xi32>
    }
    %scan3A_647 = arith.constant 64 : i32
    %dma_wait3A_648 = arith.constant 24576 : i32
    %dma_wait3A_649 = tpu.memref_slice %arg4[%dma_wait3A_648] : memref<32768xf32, #tpu.memory_space<vmem>> -> memref<8192xf32, #tpu.memory_space<vmem>>
    %dma_wait3A_650 = arith.constant 24576 : i32
    %dma_wait3A_651 = tpu.memref_slice %arg2[%add3A_202, %dma_wait3A_650] : memref<128x32768xf32, #tpu.memory_space<hbm>> -> memref<1x8192xf32, #tpu.memory_space<hbm>>
    %dma_wait3A_652 = tpu.memref_squeeze %dma_wait3A_651 : memref<1x8192xf32, #tpu.memory_space<hbm>> -> memref<8192xf32, #tpu.memory_space<hbm>>
    %dma_wait3A_653 = arith.constant 24576 : i32
    %dma_wait3A_654 = tpu.memref_slice %arg4[%dma_wait3A_653] : memref<32768xf32, #tpu.memory_space<vmem>> -> memref<8192xf32, #tpu.memory_space<vmem>>
    %dma_wait3A_655 = arith.constant 24576 : i32
    %dma_wait3A_656 = tpu.memref_slice %arg2[%add3A_202, %dma_wait3A_655] : memref<128x32768xf32, #tpu.memory_space<hbm>> -> memref<1x8192xf32, #tpu.memory_space<hbm>>
    %dma_wait3A_657 = tpu.memref_squeeze %dma_wait3A_656 : memref<1x8192xf32, #tpu.memory_space<hbm>> -> memref<8192xf32, #tpu.memory_space<hbm>>
    tpu.wait_dma2 semaphore(%arg10 : memref<!tpu.dma_semaphore, #tpu.memory_space<semaphore_mem>>) src(%dma_wait3A_657 : memref<8192xf32, #tpu.memory_space<hbm>>) dst(%dma_wait3A_654 : memref<8192xf32, #tpu.memory_space<vmem>>)
    %scan3A_658 = arith.constant 192 : i32
    %scan3A_659 = arith.constant 64 : i32
    %scan3A_660 = arith.addi %scan3A_658, %scan3A_659 : i32
    %scan3A_661 = arith.constant 1 : i32
    %scan3A_662:17 = scf.for %scan3A_834 = %scan3A_658 to %scan3A_660 step %scan3A_661 iter_args(%scan3A_835 = %scan3A_646#0, %scan3A_836 = %scan3A_646#1, %scan3A_837 = %scan3A_646#2, %scan3A_838 = %scan3A_646#3, %scan3A_839 = %scan3A_646#4, %scan3A_840 = %scan3A_646#5, %scan3A_841 = %scan3A_646#6, %scan3A_842 = %scan3A_646#7, %scan3A_843 = %scan3A_646#8, %scan3A_844 = %scan3A_646#9, %scan3A_845 = %scan3A_646#10, %scan3A_846 = %scan3A_646#11, %scan3A_847 = %scan3A_646#12, %scan3A_848 = %scan3A_646#13, %scan3A_849 = %scan3A_646#14, %scan3A_850 = %scan3A_646#15, %scan3A_851 = %scan3A_646#16) -> (vector<16xf32>, vector<16xf32>, vector<16xf32>, vector<16xf32>, vector<16xf32>, vector<16xf32>, vector<16xf32>, vector<16xf32>, vector<16xi32>, vector<16xi32>, vector<16xi32>, vector<16xi32>, vector<16xi32>, vector<16xi32>, vector<16xi32>, vector<16xi32>, vector<16xi32>)  : i32 {
      %mul3A_852 = arith.constant 8 : i32
      %mul3A_853 = arith.muli %scan3A_834, %mul3A_852 : i32
      %add3A_854 = arith.constant 0 : i32
      %add3A_855 = arith.addi %mul3A_853, %add3A_854 : i32
      %mul3A_856 = arith.constant 16 : i32
      %mul3A_857 = arith.muli %add3A_855, %mul3A_856 : i32
      %get3A = arith.index_cast %mul3A_857 : i32 to index
      %get3A_858 = tpu.vector_load %arg4[%get3A] {strides = array<i32>} : memref<32768xf32, #tpu.memory_space<vmem>>, vector<16xf32>,
      %get3A_859 = vector.shape_cast %get3A_858 : vector<16xf32> to vector<16xf32>
      %gt3A_860 = arith.cmpf ogt, %get3A_859, %scan3A_835 : vector<16xf32>
      %select_n3A_861 = arith.select %gt3A_860, %get3A_859, %scan3A_835 : vector<16xi1>, vector<16xf32>
      %select_n3A_862 = arith.select %gt3A_860, %scan3A_851, %scan3A_843 : vector<16xi1>, vector<16xi32>
      %add3A_863 = arith.constant 1 : i32
      %add3A_864 = arith.addi %mul3A_853, %add3A_863 : i32
      %mul3A_865 = arith.constant 16 : i32
      %mul3A_866 = arith.muli %add3A_864, %mul3A_865 : i32
      %get3A_867 = arith.index_cast %mul3A_866 : i32 to index
      %get3A_868 = tpu.vector_load %arg4[%get3A_867] {strides = array<i32>} : memref<32768xf32, #tpu.memory_space<vmem>>, vector<16xf32>,
      %get3A_869 = vector.shape_cast %get3A_868 : vector<16xf32> to vector<16xf32>
      %gt3A_870 = arith.cmpf ogt, %get3A_869, %scan3A_836 : vector<16xf32>
      %select_n3A_871 = arith.select %gt3A_870, %get3A_869, %scan3A_836 : vector<16xi1>, vector<16xf32>
      %select_n3A_872 = arith.select %gt3A_870, %scan3A_851, %scan3A_844 : vector<16xi1>, vector<16xi32>
      %add3A_873 = arith.constant 2 : i32
      %add3A_874 = arith.addi %mul3A_853, %add3A_873 : i32
      %mul3A_875 = arith.constant 16 : i32
      %mul3A_876 = arith.muli %add3A_874, %mul3A_875 : i32
      %get3A_877 = arith.index_cast %mul3A_876 : i32 to index
      %get3A_878 = tpu.vector_load %arg4[%get3A_877] {strides = array<i32>} : memref<32768xf32, #tpu.memory_space<vmem>>, vector<16xf32>,
      %get3A_879 = vector.shape_cast %get3A_878 : vector<16xf32> to vector<16xf32>
      %gt3A_880 = arith.cmpf ogt, %get3A_879, %scan3A_837 : vector<16xf32>
      %select_n3A_881 = arith.select %gt3A_880, %get3A_879, %scan3A_837 : vector<16xi1>, vector<16xf32>
      %select_n3A_882 = arith.select %gt3A_880, %scan3A_851, %scan3A_845 : vector<16xi1>, vector<16xi32>
      %add3A_883 = arith.constant 3 : i32
      %add3A_884 = arith.addi %mul3A_853, %add3A_883 : i32
      %mul3A_885 = arith.constant 16 : i32
      %mul3A_886 = arith.muli %add3A_884, %mul3A_885 : i32
      %get3A_887 = arith.index_cast %mul3A_886 : i32 to index
      %get3A_888 = tpu.vector_load %arg4[%get3A_887] {strides = array<i32>} : memref<32768xf32, #tpu.memory_space<vmem>>, vector<16xf32>,
      %get3A_889 = vector.shape_cast %get3A_888 : vector<16xf32> to vector<16xf32>
      %gt3A_890 = arith.cmpf ogt, %get3A_889, %scan3A_838 : vector<16xf32>
      %select_n3A_891 = arith.select %gt3A_890, %get3A_889, %scan3A_838 : vector<16xi1>, vector<16xf32>
      %select_n3A_892 = arith.select %gt3A_890, %scan3A_851, %scan3A_846 : vector<16xi1>, vector<16xi32>
      %add3A_893 = arith.constant 4 : i32
      %add3A_894 = arith.addi %mul3A_853, %add3A_893 : i32
      %mul3A_895 = arith.constant 16 : i32
      %mul3A_896 = arith.muli %add3A_894, %mul3A_895 : i32
      %get3A_897 = arith.index_cast %mul3A_896 : i32 to index
      %get3A_898 = tpu.vector_load %arg4[%get3A_897] {strides = array<i32>} : memref<32768xf32, #tpu.memory_space<vmem>>, vector<16xf32>,
      %get3A_899 = vector.shape_cast %get3A_898 : vector<16xf32> to vector<16xf32>
      %gt3A_900 = arith.cmpf ogt, %get3A_899, %scan3A_839 : vector<16xf32>
      %select_n3A_901 = arith.select %gt3A_900, %get3A_899, %scan3A_839 : vector<16xi1>, vector<16xf32>
      %select_n3A_902 = arith.select %gt3A_900, %scan3A_851, %scan3A_847 : vector<16xi1>, vector<16xi32>
      %add3A_903 = arith.constant 5 : i32
      %add3A_904 = arith.addi %mul3A_853, %add3A_903 : i32
      %mul3A_905 = arith.constant 16 : i32
      %mul3A_906 = arith.muli %add3A_904, %mul3A_905 : i32
      %get3A_907 = arith.index_cast %mul3A_906 : i32 to index
      %get3A_908 = tpu.vector_load %arg4[%get3A_907] {strides = array<i32>} : memref<32768xf32, #tpu.memory_space<vmem>>, vector<16xf32>,
      %get3A_909 = vector.shape_cast %get3A_908 : vector<16xf32> to vector<16xf32>
      %gt3A_910 = arith.cmpf ogt, %get3A_909, %scan3A_840 : vector<16xf32>
      %select_n3A_911 = arith.select %gt3A_910, %get3A_909, %scan3A_840 : vector<16xi1>, vector<16xf32>
      %select_n3A_912 = arith.select %gt3A_910, %scan3A_851, %scan3A_848 : vector<16xi1>, vector<16xi32>
      %add3A_913 = arith.constant 6 : i32
      %add3A_914 = arith.addi %mul3A_853, %add3A_913 : i32
      %mul3A_915 = arith.constant 16 : i32
      %mul3A_916 = arith.muli %add3A_914, %mul3A_915 : i32
      %get3A_917 = arith.index_cast %mul3A_916 : i32 to index
      %get3A_918 = tpu.vector_load %arg4[%get3A_917] {strides = array<i32>} : memref<32768xf32, #tpu.memory_space<vmem>>, vector<16xf32>,
      %get3A_919 = vector.shape_cast %get3A_918 : vector<16xf32> to vector<16xf32>
      %gt3A_920 = arith.cmpf ogt, %get3A_919, %scan3A_841 : vector<16xf32>
      %select_n3A_921 = arith.select %gt3A_920, %get3A_919, %scan3A_841 : vector<16xi1>, vector<16xf32>
      %select_n3A_922 = arith.select %gt3A_920, %scan3A_851, %scan3A_849 : vector<16xi1>, vector<16xi32>
      %add3A_923 = arith.constant 7 : i32
      %add3A_924 = arith.addi %mul3A_853, %add3A_923 : i32
      %mul3A_925 = arith.constant 16 : i32
      %mul3A_926 = arith.muli %add3A_924, %mul3A_925 : i32
      %get3A_927 = arith.index_cast %mul3A_926 : i32 to index
      %get3A_928 = tpu.vector_load %arg4[%get3A_927] {strides = array<i32>} : memref<32768xf32, #tpu.memory_space<vmem>>, vector<16xf32>,
      %get3A_929 = vector.shape_cast %get3A_928 : vector<16xf32> to vector<16xf32>
      %gt3A_930 = arith.cmpf ogt, %get3A_929, %scan3A_842 : vector<16xf32>
      %select_n3A_931 = arith.select %gt3A_930, %get3A_929, %scan3A_842 : vector<16xi1>, vector<16xf32>
      %select_n3A_932 = arith.select %gt3A_930, %scan3A_851, %scan3A_850 : vector<16xi1>, vector<16xi32>
      %add3A_933 = arith.constant 1 : i32
      %add3A_934 = vector.broadcast %add3A_933 : i32 to vector<16xi32>
      %add3A_935 = arith.addi %scan3A_851, %add3A_934 : vector<16xi32>
      scf.yield %select_n3A_861, %select_n3A_871, %select_n3A_881, %select_n3A_891, %select_n3A_901, %select_n3A_911, %select_n3A_921, %select_n3A_931, %select_n3A_862, %select_n3A_872, %select_n3A_882, %select_n3A_892, %select_n3A_902, %select_n3A_912, %select_n3A_922, %select_n3A_932, %add3A_935 : vector<16xf32>, vector<16xf32>, vector<16xf32>, vector<16xf32>, vector<16xf32>, vector<16xf32>, vector<16xf32>, vector<16xf32>, vector<16xi32>, vector<16xi32>, vector<16xi32>, vector<16xi32>, vector<16xi32>, vector<16xi32>, vector<16xi32>, vector<16xi32>, vector<16xi32>
    }
    %scan3A_663 = arith.constant 64 : i32
    %iota3A_664 = tpu.iota {dimensions = array<i32: 0>} : vector<16xi32>
    %mul3A_665 = arith.constant 128 : i32
    %mul3A_666 = vector.broadcast %mul3A_665 : i32 to vector<16xi32>
    %mul3A_667 = arith.muli %scan3A_662#8, %mul3A_666 : vector<16xi32>
    %add3A_668 = arith.addi %mul3A_667, %iota3A_664 : vector<16xi32>
    %mul3A_669 = arith.constant 128 : i32
    %mul3A_670 = vector.broadcast %mul3A_669 : i32 to vector<16xi32>
    %mul3A_671 = arith.muli %scan3A_662#9, %mul3A_670 : vector<16xi32>
    %add3A_672 = arith.constant 16 : i32
    %add3A_673 = vector.broadcast %add3A_672 : i32 to vector<16xi32>
    %add3A_674 = arith.addi %iota3A_664, %add3A_673 : vector<16xi32>
    %add3A_675 = arith.addi %mul3A_671, %add3A_674 : vector<16xi32>
    %gt3A_676 = arith.cmpf ogt, %scan3A_662#1, %scan3A_662#0 : vector<16xf32>
    %eq3A_677 = arith.cmpf oeq, %scan3A_662#1, %scan3A_662#0 : vector<16xf32>
    %lt3A_678 = arith.cmpi slt, %add3A_675, %add3A_668 : vector<16xi32>
    %and3A_679 = arith.andi %eq3A_677, %lt3A_678 : vector<16xi1>
    %or3A_680 = arith.ori %gt3A_676, %and3A_679 : vector<16xi1>
    %select_n3A_681 = arith.select %or3A_680, %scan3A_662#1, %scan3A_662#0 : vector<16xi1>, vector<16xf32>
    %select_n3A_682 = arith.select %or3A_680, %add3A_675, %add3A_668 : vector<16xi1>, vector<16xi32>
    %mul3A_683 = arith.constant 128 : i32
    %mul3A_684 = vector.broadcast %mul3A_683 : i32 to vector<16xi32>
    %mul3A_685 = arith.muli %scan3A_662#10, %mul3A_684 : vector<16xi32>
    %add3A_686 = arith.constant 32 : i32
    %add3A_687 = vector.broadcast %add3A_686 : i32 to vector<16xi32>
    %add3A_688 = arith.addi %iota3A_664, %add3A_687 : vector<16xi32>
    %add3A_689 = arith.addi %mul3A_685, %add3A_688 : vector<16xi32>
    %gt3A_690 = arith.cmpf ogt, %scan3A_662#2, %select_n3A_681 : vector<16xf32>
    %eq3A_691 = arith.cmpf oeq, %scan3A_662#2, %select_n3A_681 : vector<16xf32>
    %lt3A_692 = arith.cmpi slt, %add3A_689, %select_n3A_682 : vector<16xi32>
    %and3A_693 = arith.andi %eq3A_691, %lt3A_692 : vector<16xi1>
    %or3A_694 = arith.ori %gt3A_690, %and3A_693 : vector<16xi1>
    %select_n3A_695 = arith.select %or3A_694, %scan3A_662#2, %select_n3A_681 : vector<16xi1>, vector<16xf32>
    %select_n3A_696 = arith.select %or3A_694, %add3A_689, %select_n3A_682 : vector<16xi1>, vector<16xi32>
    %mul3A_697 = arith.constant 128 : i32
    %mul3A_698 = vector.broadcast %mul3A_697 : i32 to vector<16xi32>
    %mul3A_699 = arith.muli %scan3A_662#11, %mul3A_698 : vector<16xi32>
    %add3A_700 = arith.constant 48 : i32
    %add3A_701 = vector.broadcast %add3A_700 : i32 to vector<16xi32>
    %add3A_702 = arith.addi %iota3A_664, %add3A_701 : vector<16xi32>
    %add3A_703 = arith.addi %mul3A_699, %add3A_702 : vector<16xi32>
    %gt3A_704 = arith.cmpf ogt, %scan3A_662#3, %select_n3A_695 : vector<16xf32>
    %eq3A_705 = arith.cmpf oeq, %scan3A_662#3, %select_n3A_695 : vector<16xf32>
    %lt3A_706 = arith.cmpi slt, %add3A_703, %select_n3A_696 : vector<16xi32>
    %and3A_707 = arith.andi %eq3A_705, %lt3A_706 : vector<16xi1>
    %or3A_708 = arith.ori %gt3A_704, %and3A_707 : vector<16xi1>
    %select_n3A_709 = arith.select %or3A_708, %scan3A_662#3, %select_n3A_695 : vector<16xi1>, vector<16xf32>
    %select_n3A_710 = arith.select %or3A_708, %add3A_703, %select_n3A_696 : vector<16xi1>, vector<16xi32>
    %mul3A_711 = arith.constant 128 : i32
    %mul3A_712 = vector.broadcast %mul3A_711 : i32 to vector<16xi32>
    %mul3A_713 = arith.muli %scan3A_662#12, %mul3A_712 : vector<16xi32>
    %add3A_714 = arith.constant 64 : i32
    %add3A_715 = vector.broadcast %add3A_714 : i32 to vector<16xi32>
    %add3A_716 = arith.addi %iota3A_664, %add3A_715 : vector<16xi32>
    %add3A_717 = arith.addi %mul3A_713, %add3A_716 : vector<16xi32>
    %gt3A_718 = arith.cmpf ogt, %scan3A_662#4, %select_n3A_709 : vector<16xf32>
    %eq3A_719 = arith.cmpf oeq, %scan3A_662#4, %select_n3A_709 : vector<16xf32>
    %lt3A_720 = arith.cmpi slt, %add3A_717, %select_n3A_710 : vector<16xi32>
    %and3A_721 = arith.andi %eq3A_719, %lt3A_720 : vector<16xi1>
    %or3A_722 = arith.ori %gt3A_718, %and3A_721 : vector<16xi1>
    %select_n3A_723 = arith.select %or3A_722, %scan3A_662#4, %select_n3A_709 : vector<16xi1>, vector<16xf32>
    %select_n3A_724 = arith.select %or3A_722, %add3A_717, %select_n3A_710 : vector<16xi1>, vector<16xi32>
    %mul3A_725 = arith.constant 128 : i32
    %mul3A_726 = vector.broadcast %mul3A_725 : i32 to vector<16xi32>
    %mul3A_727 = arith.muli %scan3A_662#13, %mul3A_726 : vector<16xi32>
    %add3A_728 = arith.constant 80 : i32
    %add3A_729 = vector.broadcast %add3A_728 : i32 to vector<16xi32>
    %add3A_730 = arith.addi %iota3A_664, %add3A_729 : vector<16xi32>
    %add3A_731 = arith.addi %mul3A_727, %add3A_730 : vector<16xi32>
    %gt3A_732 = arith.cmpf ogt, %scan3A_662#5, %select_n3A_723 : vector<16xf32>
    %eq3A_733 = arith.cmpf oeq, %scan3A_662#5, %select_n3A_723 : vector<16xf32>
    %lt3A_734 = arith.cmpi slt, %add3A_731, %select_n3A_724 : vector<16xi32>
    %and3A_735 = arith.andi %eq3A_733, %lt3A_734 : vector<16xi1>
    %or3A_736 = arith.ori %gt3A_732, %and3A_735 : vector<16xi1>
    %select_n3A_737 = arith.select %or3A_736, %scan3A_662#5, %select_n3A_723 : vector<16xi1>, vector<16xf32>
    %select_n3A_738 = arith.select %or3A_736, %add3A_731, %select_n3A_724 : vector<16xi1>, vector<16xi32>
    %mul3A_739 = arith.constant 128 : i32
    %mul3A_740 = vector.broadcast %mul3A_739 : i32 to vector<16xi32>
    %mul3A_741 = arith.muli %scan3A_662#14, %mul3A_740 : vector<16xi32>
    %add3A_742 = arith.constant 96 : i32
    %add3A_743 = vector.broadcast %add3A_742 : i32 to vector<16xi32>
    %add3A_744 = arith.addi %iota3A_664, %add3A_743 : vector<16xi32>
    %add3A_745 = arith.addi %mul3A_741, %add3A_744 : vector<16xi32>
    %gt3A_746 = arith.cmpf ogt, %scan3A_662#6, %select_n3A_737 : vector<16xf32>
    %eq3A_747 = arith.cmpf oeq, %scan3A_662#6, %select_n3A_737 : vector<16xf32>
    %lt3A_748 = arith.cmpi slt, %add3A_745, %select_n3A_738 : vector<16xi32>
    %and3A_749 = arith.andi %eq3A_747, %lt3A_748 : vector<16xi1>
    %or3A_750 = arith.ori %gt3A_746, %and3A_749 : vector<16xi1>
    %select_n3A_751 = arith.select %or3A_750, %scan3A_662#6, %select_n3A_737 : vector<16xi1>, vector<16xf32>
    %select_n3A_752 = arith.select %or3A_750, %add3A_745, %select_n3A_738 : vector<16xi1>, vector<16xi32>
    %mul3A_753 = arith.constant 128 : i32
    %mul3A_754 = vector.broadcast %mul3A_753 : i32 to vector<16xi32>
    %mul3A_755 = arith.muli %scan3A_662#15, %mul3A_754 : vector<16xi32>
    %add3A_756 = arith.constant 112 : i32
    %add3A_757 = vector.broadcast %add3A_756 : i32 to vector<16xi32>
    %add3A_758 = arith.addi %iota3A_664, %add3A_757 : vector<16xi32>
    %add3A_759 = arith.addi %mul3A_755, %add3A_758 : vector<16xi32>
    %gt3A_760 = arith.cmpf ogt, %scan3A_662#7, %select_n3A_751 : vector<16xf32>
    %eq3A_761 = arith.cmpf oeq, %scan3A_662#7, %select_n3A_751 : vector<16xf32>
    %lt3A_762 = arith.cmpi slt, %add3A_759, %select_n3A_752 : vector<16xi32>
    %and3A_763 = arith.andi %eq3A_761, %lt3A_762 : vector<16xi1>
    %or3A_764 = arith.ori %gt3A_760, %and3A_763 : vector<16xi1>
    %select_n3A_765 = arith.select %or3A_764, %scan3A_662#7, %select_n3A_751 : vector<16xi1>, vector<16xf32>
    %select_n3A_766 = arith.select %or3A_764, %add3A_759, %select_n3A_752 : vector<16xi1>, vector<16xi32>
    %xor3A_767 = arith.constant 8 : i32
    %xor3A_768 = vector.broadcast %xor3A_767 : i32 to vector<16xi32>
    %xor3A_769 = arith.xori %iota3A_664, %xor3A_768 : vector<16xi32>
    %broadcast_in_dim3A_770 = vector.shape_cast %xor3A_769 : vector<16xi32> to vector<16x1xi32>
    %gather3A_771 = vector.shape_cast %broadcast_in_dim3A_770 : vector<16x1xi32> to vector<16xi32>
    %gather3A_772 = tpu.dynamic_gather %select_n3A_765[%gather3A_771] in [0] : vector<16xf32>, vector<16xi32> -> vector<16xf32>
    %max3A_773 = arith.maximumf %select_n3A_765, %gather3A_772 : vector<16xf32>
    %xor3A_774 = arith.constant 4 : i32
    %xor3A_775 = vector.broadcast %xor3A_774 : i32 to vector<16xi32>
    %xor3A_776 = arith.xori %iota3A_664, %xor3A_775 : vector<16xi32>
    %broadcast_in_dim3A_777 = vector.shape_cast %xor3A_776 : vector<16xi32> to vector<16x1xi32>
    %gather3A_778 = vector.shape_cast %broadcast_in_dim3A_777 : vector<16x1xi32> to vector<16xi32>
    %gather3A_779 = tpu.dynamic_gather %max3A_773[%gather3A_778] in [0] : vector<16xf32>, vector<16xi32> -> vector<16xf32>
    %max3A_780 = arith.maximumf %max3A_773, %gather3A_779 : vector<16xf32>
    %xor3A_781 = arith.constant 2 : i32
    %xor3A_782 = vector.broadcast %xor3A_781 : i32 to vector<16xi32>
    %xor3A_783 = arith.xori %iota3A_664, %xor3A_782 : vector<16xi32>
    %broadcast_in_dim3A_784 = vector.shape_cast %xor3A_783 : vector<16xi32> to vector<16x1xi32>
    %gather3A_785 = vector.shape_cast %broadcast_in_dim3A_784 : vector<16x1xi32> to vector<16xi32>
    %gather3A_786 = tpu.dynamic_gather %max3A_780[%gather3A_785] in [0] : vector<16xf32>, vector<16xi32> -> vector<16xf32>
    %max3A_787 = arith.maximumf %max3A_780, %gather3A_786 : vector<16xf32>
    %xor3A_788 = arith.constant 1 : i32
    %xor3A_789 = vector.broadcast %xor3A_788 : i32 to vector<16xi32>
    %xor3A_790 = arith.xori %iota3A_664, %xor3A_789 : vector<16xi32>
    %broadcast_in_dim3A_791 = vector.shape_cast %xor3A_790 : vector<16xi32> to vector<16x1xi32>
    %gather3A_792 = vector.shape_cast %broadcast_in_dim3A_791 : vector<16x1xi32> to vector<16xi32>
    %gather3A_793 = tpu.dynamic_gather %max3A_787[%gather3A_792] in [0] : vector<16xf32>, vector<16xi32> -> vector<16xf32>
    %max3A_794 = arith.maximumf %max3A_787, %gather3A_793 : vector<16xf32>
    %eq3A_795 = arith.cmpf oeq, %select_n3A_765, %max3A_794 : vector<16xf32>
    %jit3A_796 = arith.constant 32768 : i32
    %broadcast_in_dim3A_797 = vector.broadcast %jit3A_796 : i32 to vector<16xi32>
    %select_n3A_798 = arith.select %eq3A_795, %select_n3A_766, %broadcast_in_dim3A_797 : vector<16xi1>, vector<16xi32>
    %xor3A_799 = arith.constant 8 : i32
    %xor3A_800 = vector.broadcast %xor3A_799 : i32 to vector<16xi32>
    %xor3A_801 = arith.xori %iota3A_664, %xor3A_800 : vector<16xi32>
    %broadcast_in_dim3A_802 = vector.shape_cast %xor3A_801 : vector<16xi32> to vector<16x1xi32>
    %gather3A_803 = vector.shape_cast %broadcast_in_dim3A_802 : vector<16x1xi32> to vector<16xi32>
    %gather3A_804 = tpu.dynamic_gather %select_n3A_798[%gather3A_803] in [0] : vector<16xi32>, vector<16xi32> -> vector<16xi32>
    %min3A_805 = arith.minsi %select_n3A_798, %gather3A_804 : vector<16xi32>
    %xor3A_806 = arith.constant 4 : i32
    %xor3A_807 = vector.broadcast %xor3A_806 : i32 to vector<16xi32>
    %xor3A_808 = arith.xori %iota3A_664, %xor3A_807 : vector<16xi32>
    %broadcast_in_dim3A_809 = vector.shape_cast %xor3A_808 : vector<16xi32> to vector<16x1xi32>
    %gather3A_810 = vector.shape_cast %broadcast_in_dim3A_809 : vector<16x1xi32> to vector<16xi32>
    %gather3A_811 = tpu.dynamic_gather %min3A_805[%gather3A_810] in [0] : vector<16xi32>, vector<16xi32> -> vector<16xi32>
    %min3A_812 = arith.minsi %min3A_805, %gather3A_811 : vector<16xi32>
    %xor3A_813 = arith.constant 2 : i32
    %xor3A_814 = vector.broadcast %xor3A_813 : i32 to vector<16xi32>
    %xor3A_815 = arith.xori %iota3A_664, %xor3A_814 : vector<16xi32>
    %broadcast_in_dim3A_816 = vector.shape_cast %xor3A_815 : vector<16xi32> to vector<16x1xi32>
    %gather3A_817 = vector.shape_cast %broadcast_in_dim3A_816 : vector<16x1xi32> to vector<16xi32>
    %gather3A_818 = tpu.dynamic_gather %min3A_812[%gather3A_817] in [0] : vector<16xi32>, vector<16xi32> -> vector<16xi32>
    %min3A_819 = arith.minsi %min3A_812, %gather3A_818 : vector<16xi32>
    %xor3A_820 = arith.constant 1 : i32
    %xor3A_821 = vector.broadcast %xor3A_820 : i32 to vector<16xi32>
    %xor3A_822 = arith.xori %iota3A_664, %xor3A_821 : vector<16xi32>
    %broadcast_in_dim3A_823 = vector.shape_cast %xor3A_822 : vector<16xi32> to vector<16x1xi32>
    %gather3A_824 = vector.shape_cast %broadcast_in_dim3A_823 : vector<16x1xi32> to vector<16xi32>
    %gather3A_825 = tpu.dynamic_gather %min3A_819[%gather3A_824] in [0] : vector<16xi32>, vector<16xi32> -> vector<16xi32>
    %min3A_826 = arith.minsi %min3A_819, %gather3A_825 : vector<16xi32>
    %eq3A_827 = arith.constant 2 : i32
    %eq3A_828 = vector.broadcast %eq3A_827 : i32 to vector<16xi32>
    %eq3A_829 = arith.cmpi eq, %iota3A, %eq3A_828 : vector<16xi32>
    %select_n3A_830 = arith.select %eq3A_829, %min3A_826, %select_n3A_599 : vector<16xi1>, vector<16xi32>
    %swap3A = arith.constant 0 : index
    %swap3A_831 = tpu.vector_load %arg6[%swap3A] {strides = array<i32>} : memref<16xi32, #tpu.memory_space<vmem>>, vector<16xi32>,
    %swap3A_832 = vector.shape_cast %swap3A_831 : vector<16xi32> to vector<16xi32>
    %swap3A_833 = vector.shape_cast %select_n3A_830 : vector<16xi32> to vector<16xi32>
    tpu.vector_store %arg6[%swap3A], %swap3A_833 {strides = array<i32>} : memref<16xi32, #tpu.memory_space<vmem>>, vector<16xi32>,
    "tpu.region"() ({
      %run_scoped3A = tpu.sem_alloc : memref<!tpu.dma_semaphore, #tpu.memory_space<semaphore_mem>>
      %dma_start3A_834 = arith.constant 0 : i32
      %dma_start3A_835 = tpu.memref_slice %arg3[%add3A, %dma_start3A_834] : memref<32x16xi32, #tpu.memory_space<hbm>> -> memref<1x16xi32, #tpu.memory_space<hbm>>
      %dma_start3A_836 = tpu.memref_squeeze %dma_start3A_835 : memref<1x16xi32, #tpu.memory_space<hbm>> -> memref<16xi32, #tpu.memory_space<hbm>>
      %dma_start3A_837 = arith.constant 0 : i32
      %dma_start3A_838 = tpu.memref_slice %arg3[%add3A, %dma_start3A_837] : memref<32x16xi32, #tpu.memory_space<hbm>> -> memref<1x16xi32, #tpu.memory_space<hbm>>
      %dma_start3A_839 = tpu.memref_squeeze %dma_start3A_838 : memref<1x16xi32, #tpu.memory_space<hbm>> -> memref<16xi32, #tpu.memory_space<hbm>>
      tpu.enqueue_dma source(%arg6 : memref<16xi32, #tpu.memory_space<vmem>>) target(%dma_start3A_839 : memref<16xi32, #tpu.memory_space<hbm>>) target_semaphore(%run_scoped3A : memref<!tpu.dma_semaphore, #tpu.memory_space<semaphore_mem>>)
      %dma_wait3A_840 = arith.constant 0 : i32
      %dma_wait3A_841 = tpu.memref_slice %arg3[%add3A, %dma_wait3A_840] : memref<32x16xi32, #tpu.memory_space<hbm>> -> memref<1x16xi32, #tpu.memory_space<hbm>>
      %dma_wait3A_842 = tpu.memref_squeeze %dma_wait3A_841 : memref<1x16xi32, #tpu.memory_space<hbm>> -> memref<16xi32, #tpu.memory_space<hbm>>
      %dma_wait3A_843 = arith.constant 0 : i32
      %dma_wait3A_844 = tpu.memref_slice %arg3[%add3A, %dma_wait3A_843] : memref<32x16xi32, #tpu.memory_space<hbm>> -> memref<1x16xi32, #tpu.memory_space<hbm>>
      %dma_wait3A_845 = tpu.memref_squeeze %dma_wait3A_844 : memref<1x16xi32, #tpu.memory_space<hbm>> -> memref<16xi32, #tpu.memory_space<hbm>>
      tpu.wait_dma2 semaphore(%run_scoped3A : memref<!tpu.dma_semaphore, #tpu.memory_space<semaphore_mem>>) src(%arg6 : memref<16xi32, #tpu.memory_space<vmem>>) dst(%dma_wait3A_845 : memref<16xi32, #tpu.memory_space<hbm>>)
      tpu.yield
    }) : () -> ()
    return
  }
}

module attributes {stable_mosaic.version = 14 : i64} {
  func.func @_tc_body(%arg0: i32, %arg1: memref<8x32768xf32, #tpu.memory_space<vmem>>, %arg2: memref<1x1x8xi32, #tpu.memory_space<vmem>>) attributes {dimension_semantics = [#tpu.dimension_semantics<arbitrary>], iteration_bounds = array<i64: 4>, scalar_prefetch = 0 : i64, scratch_operands = 0 : i64, tpu.core_type = #tpu.core_type<tc>, window_params = [{transform_indices = @transform_0, window_bounds = array<i64: 8, 32768>}, {transform_indices = @transform_1, window_bounds = array<i64: 1, 1, 8>}]} {
    %iota3A = tpu.iota {dimensions = array<i32: 1>} : vector<8x512xi32>
    %broadcast_in_dim3A = arith.constant 0xFF800000 : f32
    %broadcast_in_dim3A_0 = vector.broadcast %broadcast_in_dim3A : f32 to vector<8x512xf32>
    %broadcast_in_dim3A_1 = arith.constant 0 : i32
    %broadcast_in_dim3A_2 = vector.broadcast %broadcast_in_dim3A_1 : i32 to vector<8x512xi32>
    %scan3A = arith.constant 0 : i32
    %scan3A_3 = arith.constant 64 : i32
    %scan3A_4 = arith.addi %scan3A, %scan3A_3 : i32
    %scan3A_5 = arith.constant 1 : i32
    %scan3A_6:2 = scf.for %scan3A_20 = %scan3A to %scan3A_4 step %scan3A_5 iter_args(%scan3A_21 = %broadcast_in_dim3A_0, %scan3A_22 = %broadcast_in_dim3A_2) -> (vector<8x512xf32>, vector<8x512xi32>)  : i32 {
      %mul3A_23 = arith.constant 512 : i32
      %mul3A_24 = arith.muli %scan3A_20, %mul3A_23 : i32
      %get3A = arith.constant 0 : index
      %get3A_25 = arith.index_cast %mul3A_24 : i32 to index
      %get3A_26 = vector.load %arg1[%get3A, %get3A_25] : memref<8x32768xf32, #tpu.memory_space<vmem>>, vector<8x512xf32>
      %gt3A = arith.cmpf ogt, %get3A_26, %scan3A_21 : vector<8x512xf32>
      %select_n3A_27 = arith.select %gt3A, %get3A_26, %scan3A_21 : vector<8x512xi1>, vector<8x512xf32>
      %broadcast_in_dim3A_28 = vector.broadcast %scan3A_20 : i32 to vector<8x512xi32>
      %select_n3A_29 = arith.select %gt3A, %broadcast_in_dim3A_28, %scan3A_22 : vector<8x512xi1>, vector<8x512xi32>
      scf.yield %select_n3A_27, %select_n3A_29 : vector<8x512xf32>, vector<8x512xi32>
    }
    %scan3A_7 = arith.constant 64 : i32
    %mul3A = arith.constant 512 : i32
    %mul3A_8 = vector.broadcast %mul3A : i32 to vector<8x512xi32>
    %mul3A_9 = arith.muli %scan3A_6#1, %mul3A_8 : vector<8x512xi32>
    %add3A = arith.addi %mul3A_9, %iota3A : vector<8x512xi32>
    %reduce_max3A = arith.constant dense<0xFF800000> : vector<8xf32>
    %reduce_max3A_10 = vector.multi_reduction <maximumf>, %scan3A_6#0, %reduce_max3A [1] : vector<8x512xf32> to vector<8xf32>
    %broadcast_in_dim3A_11 = vector.shape_cast %reduce_max3A_10 : vector<8xf32> to vector<8x1xf32>
    %eq3A = vector.broadcast %broadcast_in_dim3A_11 : vector<8x1xf32> to vector<8x512xf32>
    %eq3A_12 = arith.cmpf oeq, %scan3A_6#0, %eq3A : vector<8x512xf32>
    %jit3A = arith.constant 32768 : i32
    %broadcast_in_dim3A_13 = vector.broadcast %jit3A : i32 to vector<8x512xi32>
    %select_n3A = arith.select %eq3A_12, %add3A, %broadcast_in_dim3A_13 : vector<8x512xi1>, vector<8x512xi32>
    %reduce_min3A = arith.constant dense<2147483647> : vector<8xi32>
    %reduce_min3A_14 = vector.multi_reduction <minsi>, %select_n3A, %reduce_min3A [1] : vector<8x512xi32> to vector<8xi32>
    %swap3A = arith.constant 0 : index
    %swap3A_15 = arith.constant 0 : index
    %swap3A_16 = arith.constant 0 : index
    %swap3A_17 = vector.load %arg2[%swap3A, %swap3A_15, %swap3A_16] : memref<1x1x8xi32, #tpu.memory_space<vmem>>, vector<1x1x8xi32>
    %swap3A_18 = vector.shape_cast %swap3A_17 : vector<1x1x8xi32> to vector<8xi32>
    %swap3A_19 = vector.shape_cast %reduce_min3A_14 : vector<8xi32> to vector<1x1x8xi32>
    tpu.vector_store %arg2[%swap3A, %swap3A_15, %swap3A_16], %swap3A_19 {strides = array<i32>} : memref<1x1x8xi32, #tpu.memory_space<vmem>>, vector<1x1x8xi32>,
    return
  }
  func.func @transform_0(%arg0: i32) -> (i32, i32) {
    %add3A = arith.constant 12 : i32
    %add3A_0 = arith.addi %arg0, %add3A : i32
    %c0_i32 = arith.constant 0 : i32
    %c0_i32_1 = arith.constant 0 : i32
    return %add3A_0, %c0_i32 : i32, i32
  }
  func.func @transform_1(%arg0: i32) -> (i32, i32, i32) {
    %c0_i32 = arith.constant 0 : i32
    %c0_i32_0 = arith.constant 0 : i32
    %c0_i32_1 = arith.constant 0 : i32
    return %arg0, %c0_i32, %c0_i32_0 : i32, i32, i32
  }
}

</mosaic_0001>

<sc_bundles>
// kernel: kernel.4.cloned.1.call-start
scs
__scs_entry_jumppad:
0x0: {  	(pc) =	sbr.rel $0x88, $3  }
0x1: {  	(tag) =	ssettag $0x0;
	lr =	simm.s32 $0x1  }
0x2: {  	[smem:$0x3FA0] =	sst lr;
	_ =	strace $0xD0000000  }
0x3: {  	_ = 	snop  }
0x4: {  	_ = 	snop  }
0x5: {  	_ = 	snop  }
0x6: {  	_ = 	snop  }
0x7: {  	_ = 	snop  }
__scs_overlays_trampoline_lowered:
0x8: {  	[smem:$0x3FAF] =	sst s0  }
0x9: {  	[smem:$0x3FB0] =	sst s1  }
0xa: {  	[smem:$0x3FB1] =	sst s2  }
0xb: {  	[smem:$0x3FB2] =	sst s3  }
0xc: {  	[smem:$0x3FB3] =	sst s4  }
0xd: {  	[smem:$0x3FB4] =	sst s5  }
0xe: {  	[smem:$0x3FB5] =	sst s6  }
0xf: {  	[smem:$0x3FB6] =	sst s7  }
0x10: {  	[smem:$0x3FB7] =	sst s8  }
0x11: {  	[smem:$0x3FB8] =	sst s9;
	s0 =	simm.s32 @!p0 $0x0  }
0x12: {  	s1 =	sld [smem:$0x3F9E];
	s0 =	simm.s32 @p0 $0x1  }
0x13: {  	[smem:$0x3FB9] =	sst s0;
	s0 =	simm.s32 @!p1 $0x0  }
0x14: {  	s2 =	sld [smem:$0x3F9D];
	s0 =	simm.s32 @p1 $0x1  }
0x15: {  	[smem:$0x3FBA] =	sst s0;
	s0 =	simm.s32 @!p2 $0x0  }
0x16: {  	s3 =	sld [smem:$0x3FDB];
	s0 =	simm.s32 @p2 $0x1  }
0x17: {  	s4 =	simm.s32 $0x1BF5;
	[smem:$0x3FBC] =	sst s0  }
0x18: {  	s0 =	sld [smem:$0x3F9F];
	_ =	swait.ge [sflag:s4], $0x0  }
0x19: {  	s7 =	sld [smem:$0x3FA0]  }
0x1a: {  	s8 =	sadd.s32 $0xFFFFE003, lr  }
0x1b: {  	s9 =	sadd.s32 $0xFFFFFEF7, lr;
	s5 =	simm.s32 $0xFFFFFFFF;
	p2 =	slt.u32 s8, $0xFFFFF086  }
0x1c: {  	p1 =	slt.u32 s9, $0xF7A;
	s5 =	simm.s32 @!p2 $0x0  }
0x1d: {  	s5 =	simm.s32 @p1 $0x1;
	p0 =	seq.s32 s7, s2  }
0x1e: {  	s7 =	smul.u32 @!p0 $0xF7A, s2;
	p2 =	seq.s32 @!p0 s5, $0x0  }
0x1f: {  	s9 =	smul.u32 $0xF7A, s1;
	s8 =	simm.s32 @!p0 $0x1BF5;
	p2 =	por !p2, p0  }
0x20: {  	[sflag:s8] =	ssyncset.s32 @!p0 $0xFFFFF086;
	s6 =	sadd.s32 @!p0 s3, s7;
	s7 =	simm.s32 @!p0 $0x108  }
0x21: {  	s3 =	sadd.s32 s3, s9;
	s6 =	sadd.s32 @!p0 $0x88, s6;
	s7 =	simm.s32 @p2 $0x1082  }
0x22: {  	[simem:s7], [sflag:s8] =	dma.local @!p0 [hbm:s6], $0xF7A  }
0x23: {  	s9 =	sor.u32 $0xD0000000, s2;
	s6 =	simm.s32 $0x108;
	_ =	swait.ge @!p0 [sflag:s8], $0x0  }
0x24: {  	s3 =	sadd.s32 $0x88, s3;
	s6 =	simm.s32 @!p1 $0x1082;
	[sflag:s4] =	ssyncset.s32 $0xFFFFF086  }
0x25: {  	[simem:s6], [sflag:s4] =	dma.local [hbm:s3], $0xF7A  }
0x26: {  	[smem:$0x3FA0] =	sst s1;
	(tag) =	ssettag s2;
	_ =	strace s9  }
0x27: {  	s1 =	sld [smem:$0x3FB0]  }
0x28: {  	s2 =	sld [smem:$0x3FB1]  }
0x29: {  	s4 =	sld [smem:$0x3FB3]  }
0x2a: {  	p0 =	seq.s32 s5, $0x0;
	s5 =	sld [smem:$0x3FB4]  }
0x2b: {  	s6 =	sld [smem:$0x3FB5]  }
0x2c: {  	s7 =	sld [smem:$0x3FB6]  }
0x2d: {  	s3 =	simm.s32 $0x108;
	s8 =	sld [smem:$0x3FB7]  }
0x2e: {  	s3 =	simm.s32 @!p0 $0x1082;
	s9 =	sld [smem:$0x3FB8]  }
0x2f: {  	lr =	sadd.s32 s0, s3;
	s0 =	sld [smem:$0x3FAF]  }
0x30: {  	s3 =	sld [smem:$0x3FB2]  }
0x31: {  	[smem:$0x3FBB] =	sst s10  }
0x32: {  	s10 =	sld [smem:$0x3FB9];
	_ =	sdelay $0x3  }
0x33: {  	p0 =	seq.s32 s10, $0x1;
	s10 =	sld [smem:$0x3FBB];
	_ =	sdelay $0x3  }
0x34: {  	[smem:$0x3FBB] =	sst s10  }
0x35: {  	s10 =	sld [smem:$0x3FBA];
	_ =	sdelay $0x3  }
0x36: {  	p1 =	seq.s32 s10, $0x1;
	s10 =	sld [smem:$0x3FBB];
	_ =	sdelay $0x3  }
0x37: {  	[smem:$0x3FBB] =	sst s10  }
0x38: {  	s10 =	sld [smem:$0x3FBC]  }
0x39: {  	_ = 	snop;
	(pc) =	sbr.ind lr, $3  }
0x3a: {  	_ = 	snop  }
0x3b: {  	_ = 	snop  }
0x3c: {  	p2 =	seq.s32 s10, $0x1;
	s10 =	sld [smem:$0x3FBB]  }
0x3d: {  	_ =	shalt  }
0x3e: {  	_ =	shalt  }
0x3f: {  	_ =	shalt  }
0x40: {  	_ =	shalt  }
0x41: {  	_ =	shalt  }
0x42: {  	_ =	shalt  }
0x43: {  	_ =	shalt  }
0x44: {  	_ =	shalt  }
0x45: {  	_ =	shalt  }
0x46: {  	_ =	shalt  }
0x47: {  	_ =	shalt  }
0x48: {  	_ =	shalt  }
0x49: {  	_ =	shalt  }
0x4a: {  	_ =	shalt  }
0x4b: {  	_ =	shalt  }
0x4c: {  	_ =	shalt  }
0x4d: {  	_ =	shalt  }
0x4e: {  	_ =	shalt  }
0x4f: {  	_ =	shalt  }
0x50: {  	_ =	shalt  }
0x51: {  	_ =	shalt  }
0x52: {  	_ =	shalt  }
0x53: {  	_ =	shalt  }
0x54: {  	_ =	shalt  }
0x55: {  	_ =	shalt  }
0x56: {  	_ =	shalt  }
0x57: {  	_ =	shalt  }
0x58: {  	_ =	shalt  }
0x59: {  	_ =	shalt  }
0x5a: {  	_ =	shalt  }
0x5b: {  	_ =	shalt  }
0x5c: {  	_ =	shalt  }
0x5d: {  	_ =	shalt  }
0x5e: {  	_ =	shalt  }
0x5f: {  	_ =	shalt  }
0x60: {  	_ =	shalt  }
0x61: {  	_ =	shalt  }
0x62: {  	_ =	shalt  }
0x63: {  	_ =	shalt  }
0x64: {  	_ =	shalt  }
0x65: {  	_ =	shalt  }
0x66: {  	_ =	shalt  }
0x67: {  	_ =	shalt  }
0x68: {  	_ =	shalt  }
0x69: {  	_ =	shalt  }
0x6a: {  	_ =	shalt  }
0x6b: {  	_ =	shalt  }
0x6c: {  	_ =	shalt  }
0x6d: {  	_ =	shalt  }
0x6e: {  	_ =	shalt  }
0x6f: {  	_ =	shalt  }
0x70: {  	_ =	shalt  }
0x71: {  	_ =	shalt  }
0x72: {  	_ =	shalt  }
0x73: {  	_ =	shalt  }
0x74: {  	_ =	shalt  }
0x75: {  	_ =	shalt  }
0x76: {  	_ =	shalt  }
0x77: {  	_ =	shalt  }
0x78: {  	_ =	shalt  }
0x79: {  	_ =	shalt  }
0x7a: {  	_ =	shalt  }
0x7b: {  	_ =	shalt  }
0x7c: {  	_ =	shalt  }
0x7d: {  	_ =	shalt  }
0x7e: {  	_ =	shalt  }
0x7f: {  	_ =	shalt  }
0x80: {  	_ =	shalt  }
0x81: {  	_ =	shalt  }
0x82: {  	_ =	shalt  }
0x83: {  	_ =	shalt  }
0x84: {  	_ =	shalt  }
0x85: {  	_ =	shalt  }
0x86: {  	_ =	shalt  }
0x87: {  	_ =	shalt  }
.Lfunc_end0:
.L_simem_size_0:
called_computation_lowered:
.L_overlay_start_0:
0x88: {  	s2 =	sld [smem:$0x3FD9]  }
0x89: {  	s3 =	sld [smem:$0x3FFE];
	_ =	sdelay $0x1  }
0x8a: {  	s1 =	srdreg.scid  }
0x8b: {  	s0 =	sand.u32 $0x1, s1  }
0x8c: {  	s17 =	sshll.u32 s0, $0xA;
	s2 =	sadd.s32 s3, s2  }
0x8d: {  	s2 =	sadd.s32 s2, s17  }
0x8e: {  	[smem:$0x3FC7] =	sst s2  }
0x8f: {  	_ = 	snop  }
0x90: {  	s2 =	sld [smem:$0x3FC9];
	(tm) =	ssettm $0x1  }
0x91: {  	s18 =	sld [smem:$0x3FFB];
	_ =	sdelay $0x3  }
0x92: {  	_ =	strace s18  }
0x93: {  	s3 =	sld [smem:$0x3FFC];
	_ =	sdelay $0x3  }
0x94: {  	_ =	strace s3  }
0x95: {  	s3 =	sld [smem:$0x3FFD];
	_ =	sdelay $0x3  }
0x96: {  	_ =	strace s3  }
0x97: {  	_ =	strace $0x8FFFFFFF  }
0x98: {  	s19 =	sld [smem:$0x3FDB];
	_ =	sdelay $0x1  }
0x99: {  	s4 =	simm.s32 $_scs_section_size  }
0x9a: {  	s5 =	simm.s32 $_size__tile_overlayer_lowered;
	s6 =	simm.s32 $_tile_overlayer_lowered  }
0x9b: {  	s22 =	simm.s32 $0x1BFF;
	s21 =	sshll.u32 s6, $0x1;
	s3 =	sadd.s32 s4, s19  }
0x9c: {  	s7 =	simm.s32 $0x0;
	s20 =	sshll.u32 s5, $0x1;
	s5 =	sadd.s32 s21, s3  }
0x9d: {  	[timem:s7], [sflag:s22] =	dma.local [hbm:s5], s20  }
0x9e: {  	_ =	swait.ge [sflag:s22], s20  }
0x9f: {  	s4 =	ssub.s32 $0x0, s20;
	[sflag:s22] =	ssyncset.done $0x0  }
0xa0: {  	[sflag:s22] =	ssyncadd.s32 s4;
	_ =	sdelay $0x1  }
0xa1: {  	s23 =	simm.s32 $0x1B8B  }
0xa2: {  	_ =	swait.ge [sflag:s23], $0x1  }
0xa3: {  	[sflag:s23] =	ssyncset.done $0x0  }
0xa4: {  	s25 =	simm.s32 $0x1B8E;
	s24 =	sld [smem:$0x3FFE];
	[sflag:s23] =	ssyncadd.s32 $0xFFFFFFFF  }
0xa5: {  	s26 =	simm.s32 $execute0_lowered;
	[smem:$0x3FD2] =	sst s25  }
0xa6: {  	s5 =	sshll.u32 s26, $0x1;
	_ =	strace $0x80000046;
	[dreg:$0x1] =	wrdreg $0xFFFFFFFF  }
0xa7: {  	s28 =	simm.s32 $_size_execute0_lowered;
	s3 =	sadd.s32 s3, s5;
	[dreg:$0x0] =	wrdreg $0x0  }
0xa8: {  	s5 =	sshll.u32 s28, $0x1;
	[dreg:$0x2] =	wrdreg s3  }
0xa9: {  	[dreg:$0x3] =	wrdreg s5  }
0xaa: {  	[dreg:$0x4] =	wrdreg $0xC0  }
0xab: {  	_ =	task [dreg:s7], $0x5FFFF  }
0xac: {  	[dreg:$0x1] =	wrdreg $0xFFFFFFFF  }
0xad: {  	[dreg:$0x0] =	wrdreg $0x60  }
0xae: {  	[dreg:$0x2] =	wrdreg s2  }
0xaf: {  	[dreg:$0x3] =	wrdreg s24  }
0xb0: {  	[dreg:$0x4] =	wrdreg $0x9  }
0xb1: {  	_ =	task.clear_ibuf [dreg:s7], $0x5FFFF;
	_ =	strace $0x90000046  }
0xb2: {  	s29 =	simm.s32 $0x9;
	_ =	strace $0x80000048  }
0xb3: {  	_ =	swait.ge [sflag:s29], $0x1  }
0xb4: {  	[sflag:s29] =	ssyncadd.s32 $0xFFFFFFFF  }
0xb5: {  	_ =	strace $0x90000048  }
0xb6: {  	_ =	sfence  }
0xb7: {  	s30 =	sld [smem:$0x0];
	_ =	sdelay $0x2  }
0xb8: {  	s31 =	sshll.u32 s1, $0xD;
	s1 =	sshrl.u32 s1, $0x2  }
0xb9: {  	s3 =	sand.u32 $0x4000, s31;
	s1 =	sadd.s32 s1, s30  }
0xba: {  	s0 =	sor.u32 s3, s0;
	s1 =	sshll.u32 s1, $0x11  }
0xbb: {  	s0 =	sor.u32 s1, s0  }
0xbc: {  	s0 =	sadd.s32 $0x8F2B, s0  }
0xbd: {  	[sflag:s0] =	ssyncadd.remote.s32 $0x1  }
0xbe: {  	_ =	sfence.sel $0xFFFF  }
0xbf: {  	[dreg:$0x0] =	wrdreg $0xFFFFFFFF;
	(pc) =	sbr.abs _section_cstart, $3  }
0xc0: {  	[dreg:$0x1] =	wrdreg $0xFFFFFFFF  }
0xc1: {  	_ =	task.clear_ibuf [dreg:s7], $0x2FFFF;
	_ =	strace $0x9FFFFFFF  }
0xc2: {  	(tm) =	ssettm $0x7FFFFFFF  }
0xc3: {  	_ =	shalt  }
tec
execute0_lowered:
.L_overlay_start_1:
0x0: {  	(tag) =	ssettag $0x1  }
0x1: {  	s0 =	srdreg.scid;
	s2 =	rddreg [dreg:$0x0]  }
0x2: {  	s6 =	stileid.u32;
	s3 =	rddreg [dreg:$0x1]  }
0x3: {  	s23 =	simm.s32 $0x0;
	s17 =	simm.s32 $0x80;
	s18 =	simm.s32 $0x400  }
0x4: {  	s19 =	simm.s32 $0x2000;
	s20 =	simm.s32 $0x4000;
	s28 =	simm.s32 $0x2  }
0x5: {  	s29 =	simm.s32 $0x3;
	s30 =	simm.s32 $0x4;
	s0 =	sand.u32 $0x1, s0  }
0x6: {  	s31 =	simm.s32 $0x5;
	[smem:$0x7FF] =	sst s23;
	s1 =	sshll.u32 s0, $0x4  }
0x7: {  	s12 =	sadd.s32 $0x2000, s2;
	s14 =	sadd.s32 $0x4000, s2;
	s1 =	sor.u32 s6, s1  }
0x8: {  	s15 =	sadd.s32 $0x6000, s2;
	_ =	strace $0x80000047;
	s4 =	smul.u32 $0x18000, s1  }
0x9: {  	s0 =	ssub.s32 $0x2, s0;
	s6 =	sshll.u32 s6, $0x4;
	s5 =	smul.u32 $0x180, s1  }
0xa: {  	s22 =	sshrl.u32 s0, $0x1;
	s6 =	sand.u32 $0x70, s6;
	s24 =	smul.u32 $0x3, s1  }
0xb: {  	v0 =	vimm.s32 $0x76543210;
	v1 =	vimm.s32 $0xFEDCBA98;
	s0 =	ssub.s32 s0, s22;
	s1 =	sshll.u32 s1, $0x4;
	s22 =	simm.s32 $0x8  }
0xc: {  	v2 =	vimm.s32 $0xBA98FEDC;
	v3 =	vimm.s32 $0x32107654;
	s13 =	sadd.s32 s6, s3;
	s1 =	sand.u32 $0x180, s1;
	s4 =	sor.u32 s5, s4  }
0xd: {  	v4 =	vimm.s32 $0xDCFE98BA;
	v5 =	vimm.s32 $0x54761032;
	v6 =	vimm.s32 $0xEFCDAB89;
	s8 =	sadd.s32 $0x1, s24;
	s6 =	sadd.s32 $0x2, s24;
	s1 =	sadd.s32 s1, s13  }
0xe: {  	v7 =	vimm.s32 $0x67452301;
	s24 =	simm.s32 $0x9;
	s21 =	sand.u32 $0x3C0380, s4;
	s9 =	sshll.u32 s8, $0xC  }
0xf: {  	v0 =	vunpack.c.l.s4.s8 v0;
	v1 =	vunpack.c.l.s4.s8 v1;
	v2 =	vunpack.c.l.s4.s8 v2;
	s8 =	sshll.u32 s8, $0x4;
	s25 =	sshll.u32 s6, $0xC;
	s26 =	sshll.u32 s6, $0x4  }
0x10: {  	v3 =	vunpack.c.l.s4.s8 v3;
	v4 =	vunpack.c.l.s4.s8 v4;
	v5 =	vunpack.c.l.s4.s8 v5;
	s7 =	sshrl.u32 s21, $0x3;
	s8 =	sor.u32 s8, s9;
	s9 =	sor.u32 s26, s25  }
0x11: {  	v6 =	vunpack.c.l.s4.s8 v6;
	v7 =	vunpack.c.l.s4.s8 v7;
	v2 =	vunpack.c.0.s8.s32 v2;
	s21 =	simm.s32 $0x6000;
	s26 =	simm.s32 $0x1;
	s25 =	simm.s32 $0x0  }
0x12: {  	v3 =	vunpack.c.0.s8.s32 v3;
	v4 =	vunpack.c.0.s8.s32 v4;
	v5 =	vunpack.c.0.s8.s32 v5;
	s3 =	sadd.s32 s2, s7;
	s4 =	sadd.s32 s7, s12;
	s5 =	sadd.s32 s7, s14  }
0x13: {  	v1 =	vunpack.c.0.s8.s32 v1;
	v6 =	vunpack.c.0.s8.s32 v6;
	v7 =	vunpack.c.0.s8.s32 v7;
	s10 =	sand.u32 $0xFFF8070, s8;
	s6 =	sadd.s32 s7, s15;
	s16 =	sand.u32 $0xFFF8070, s9  }
0x14: {  	v2 =	vcombine.low v3, v2;
	v3 =	vcombine.low v5, v4;
	v4 =	vunpack.c.0.s8.s32 v0;
	s7 =	sadd.s32 s2, s10;
	s8 =	sadd.s32 s10, s12;
	s9 =	sadd.s32 s10, s14  }
0x15: {  	vm0 =	vcmask $0x30C;
	v5 =	vcombine.low v7, v6;
	v1 =	vand.u32 $0xF, v1;
	s10 =	sadd.s32 s10, s15;
	s11 =	sadd.s32 s2, s16;
	s12 =	sadd.s32 s16, s12  }
0x16: {  	vm1 =	vcmask $0x70C;
	v0 =	vlaneseq.u32;
	v1 =	vcombine.low v1, v4;
	s13 =	sadd.s32 s16, s14;
	s14 =	sadd.s32 s16, s15;
	s15 =	sadd.s32 $0x200, s1  }
0x17: {  	v2 =	vand.u32 $0xF, v2;
	v3 =	vand.u32 $0xF, v3;
	v4 =	vand.u32 $0xF, v5;
	s16 =	smax.u32 s0, $0x1;
	s1 =	simm.s32 $0x6;
	s0 =	simm.s32 $0x7  }
.LBB2_1:
0x18: {  	[tilespmem:s23], [sflag:$0x1] =	stream.strided.gather [hbm4b:s3+s17], $0x2000, s18, s17, $0x38;
	[tilespmem:$0x10080] =	vst v63  }
0x19: {  	_ = 	snop  }
0x1a: {  	[tilespmem:s19], [sflag:$0x2] =	stream.strided.gather [hbm4b:s4+s17], $0x2000, s18, s17, $0x38;
	[tilespmem:$0x10080] =	vst v63  }
0x1b: {  	_ = 	snop  }
0x1c: {  	[tilespmem:s20], [sflag:$0x3] =	stream.strided.gather [hbm4b:s5+s17], $0x2000, s18, s17, $0x38;
	[tilespmem:$0x10080] =	vst v63  }
0x1d: {  	_ = 	snop  }
0x1e: {  	[tilespmem:s21], [sflag:$0x4] =	stream.strided.gather [hbm4b:s6+s17], $0x2000, s18, s17, $0x38;
	[tilespmem:$0x10080] =	vst v63  }
0x1f: {  	s2 =	simm.s32 $0x8000  }
0x20: {  	[tilespmem:s2], [sflag:$0x5] =	stream.strided.gather [hbm4b:s7+s17], $0x2000, s18, s17, $0x38;
	[tilespmem:$0x10080] =	vst v63  }
0x21: {  	s23 =	simm.s32 $0xA000  }
0x22: {  	[tilespmem:s23], [sflag:$0x6] =	stream.strided.gather [hbm4b:s8+s17], $0x2000, s18, s17, $0x38;
	[tilespmem:$0x10080] =	vst v63  }
0x23: {  	s23 =	simm.s32 $0xC000  }
0x24: {  	[tilespmem:s23], [sflag:$0x7] =	stream.strided.gather [hbm4b:s9+s17], $0x2000, s18, s17, $0x38;
	[tilespmem:$0x10080] =	vst v63  }
0x25: {  	s23 =	simm.s32 $0xE000  }
0x26: {  	[tilespmem:s23], [sflag:$0x8] =	stream.strided.gather [hbm4b:s10+s17], $0x2000, s18, s17, $0x38;
	[tilespmem:$0x10080] =	vst v63  }
0x27: {  	_ =	swait.ge [sflag:s26], $0x2000  }
0x28: {  	[sflag:s26] =	ssyncset.done $0x0  }
0x29: {  	s23 =	simm.s32 $0x0;
	[sflag:s26] =	ssyncadd.s32 $0xFFFFE000  }
0x2a: {  	v6 =	vld [tilespmem:s23+$0x0]  }
0x2b: {  	v7 =	vld [tilespmem:s23+$0x10]  }
0x2c: {  	v9 =	vld [tilespmem:s23+$0x20]  }
0x2d: {  	v10 =	vld [tilespmem:s23+$0x30]  }
0x2e: {  	v11 =	vld [tilespmem:s23+$0x40]  }
0x2f: {  	v12 =	vld [tilespmem:s23+$0x50]  }
0x30: {  	v13 =	vld [tilespmem:s23+$0x60];
	_ =	sdelay $0x1  }
0x31: {  	v14 =	vimm.f32 $-Inf;
	v5 =	vimm.s32 $0x0;
	v15 =	vld [tilespmem:s23+$0x70]  }
0x32: {  	v28 =	vimm.s32 $0x0;
	s23 =	simm.s32 $0x80;
	vm2 =	vgt.f32 v6, v14;
	vm3 =	vgt.f32 v7, v14  }
0x33: {  	v21 =	vld [tilespmem:s23+$0x0];
	vm4 =	vgt.f32 v9, v14;
	vm5 =	vgt.f32 v10, v14;
	vm6 =	vgt.f32 v11, v14  }
0x34: {  	v23 =	vld [tilespmem:s23+$0x10];
	vm7 =	vgt.f32 v12, v14;
	vm8 =	vgt.f32 v13, v14;
	v6 =	vsel vm2, v6, v14  }
0x35: {  	v22 =	vld [tilespmem:s23+$0x20];
	v8 =	vsel vm2, v5, v5;
	v7 =	vsel vm3, v7, v14;
	v9 =	vsel vm4, v9, v14  }
0x36: {  	v24 =	vld [tilespmem:s23+$0x30];
	v10 =	vsel vm5, v10, v14;
	v11 =	vsel vm6, v11, v14;
	vm2 =	vgt.f32 v15, v14  }
0x37: {  	v26 =	vld [tilespmem:s23+$0x40];
	v12 =	vsel vm7, v12, v14;
	v13 =	vsel vm8, v13, v14;
	v16 =	vsel vm4, v5, v5  }
0x38: {  	v25 =	vld [tilespmem:s23+$0x50];
	v17 =	vsel vm5, v5, v5;
	v18 =	vsel vm6, v5, v5;
	v19 =	vsel vm7, v5, v5  }
0x39: {  	s2 =	simm.s32 $0x400;
	v27 =	vld [tilespmem:s23+$0x60];
	v20 =	vsel vm8, v5, v5;
	v14 =	vsel vm2, v15, v14;
	v15 =	vsel vm3, v5, v5  }
.LBB2_2:
0x3a: {  	p0 =	sne.s32 s2, $0x7E00;
	v29 =	vld [tilespmem:s23+$0x70];
	v28 =	vsel vm2, v5, v28  }
0x3b: {  	s23 =	sshra.s32 s2, $0x2;
	vm2 =	vgt.f32 v21, v6;
	vm3 =	vgt.f32 v23, v7;
	v5 =	vadd.s32 $0x1, v5  }
0x3c: {  	v6 =	vsel vm2, v21, v6;
	v8 =	vsel vm2, v5, v8;
	v7 =	vsel vm3, v23, v7;
	v21 =	vld [tilespmem:s23+$0x0]  }
0x3d: {  	vm4 =	vgt.f32 v22, v9;
	vm5 =	vgt.f32 v24, v10;
	vm6 =	vgt.f32 v26, v11;
	v23 =	vld [tilespmem:s23+$0x10]  }
.Ltmp0:
0x3e: {  	v9 =	vsel vm4, v22, v9;
	v10 =	vsel vm5, v24, v10;
	v11 =	vsel vm6, v26, v11;
	v22 =	vld [tilespmem:s23+$0x20];
	(pc) =	sbr.rel @p0 .LBB2_2-.Ltmp0, $4  }
0x3f: {  	vm7 =	vgt.f32 v25, v12;
	vm8 =	vgt.f32 v27, v13;
	v24 =	vld [tilespmem:s23+$0x30];
	vm2 =	vgt.f32 v29, v14  }
0x40: {  	v12 =	vsel vm7, v25, v12;
	v13 =	vsel vm8, v27, v13;
	v26 =	vld [tilespmem:s23+$0x40];
	v14 =	vsel vm2, v29, v14  }
0x41: {  	v15 =	vsel vm3, v5, v15;
	v16 =	vsel vm4, v5, v16;
	v17 =	vsel vm5, v5, v17;
	v25 =	vld [tilespmem:s23+$0x50]  }
0x42: {  	s2 =	sadd.s32 $0x200, s2;
	v18 =	vsel vm6, v5, v18;
	v19 =	vsel vm7, v5, v19;
	v20 =	vsel vm8, v5, v20;
	v27 =	vld [tilespmem:s23+$0x60]  }
0x43: {  	s2 =	simm.s32 $0x0  }
0x44: {  	v29 =	vld [tilespmem:s23+$0x70];
	[tilespmem:s2], [sflag:$0x1] =	stream.strided.gather [hbm4b:s11+s17], $0x2000, s18, s17, $0x38  }
0x45: {  	_ =	swait.ge [sflag:s28], $0x2000  }
0x46: {  	[sflag:s28] =	ssyncset.done $0x0  }
0x47: {  	v28 =	vsel vm2, v5, v28;
	vm2 =	vgt.f32 v21, v6;
	s23 =	simm.s32 $0x0;
	[sflag:s28] =	ssyncadd.s32 $0xFFFFE000  }
0x48: {  	vm3 =	vgt.f32 v23, v7;
	v5 =	vadd.s32 $0x1, v5;
	v21 =	vsel vm2, v21, v6;
	v30 =	vld [tilespmem:s23+$0x2000]  }
0x49: {  	v8 =	vsel vm2, v5, v8;
	v7 =	vsel vm3, v23, v7;
	vm2 =	vgt.f32 v22, v9;
	v23 =	vld [tilespmem:s23+$0x2010]  }
0x4a: {  	vm5 =	vgt.f32 v26, v11;
	v9 =	vsel vm2, v22, v9;
	v22 =	vld [tilespmem:s23+$0x2020]  }
0x4b: {  	v11 =	vsel vm5, v26, v11;
	vm6 =	vgt.f32 v25, v12;
	v26 =	vld [tilespmem:s23+$0x2030]  }
0x4c: {  	vm4 =	vgt.f32 v24, v10;
	v12 =	vsel vm6, v25, v12;
	v25 =	vld [tilespmem:s23+$0x2040]  }
0x4d: {  	v10 =	vsel vm4, v24, v10;
	v32 =	vsel vm2, v5, v16;
	v33 =	vsel vm4, v5, v17;
	v31 =	vld [tilespmem:s23+$0x2050]  }
0x4e: {  	v34 =	vsel vm5, v5, v18;
	vm7 =	vgt.f32 v27, v13;
	v36 =	vsel vm6, v5, v19;
	v35 =	vld [tilespmem:s23+$0x2060]  }
0x4f: {  	vm8 =	vgt.f32 v29, v14;
	v13 =	vsel vm7, v27, v13;
	v37 =	vsel vm7, v5, v20  }
0x50: {  	v20 =	vld [tilespmem:s23+$0x2070];
	v14 =	vsel vm8, v29, v14;
	v29 =	vsel vm3, v5, v15;
	v6 =	vsel vm8, v5, v28  }
0x51: {  	s23 =	simm.s32 $0x80;
	v5 =	vadd.s32 $0x1, v5;
	vm2 =	vgt.f32 v30, v21;
	vm3 =	vgt.f32 v23, v7  }
0x52: {  	v15 =	vld [tilespmem:s23+$0x2000];
	vm4 =	vgt.f32 v22, v9;
	vm12 =	vgt.f32 v26, v10;
	vm13 =	vgt.f32 v25, v11  }
0x53: {  	v24 =	vld [tilespmem:s23+$0x2010];
	vm14 =	vgt.f32 v31, v12;
	vm15 =	vgt.f32 v35, v13;
	v16 =	vsel vm2, v30, v21  }
0x54: {  	v17 =	vld [tilespmem:s23+$0x2020];
	v8 =	vsel vm2, v5, v8;
	v7 =	vsel vm3, v23, v7;
	v18 =	vsel vm4, v22, v9  }
0x55: {  	v27 =	vld [tilespmem:s23+$0x2040];
	v9 =	vsel vm12, v26, v10;
	v10 =	vsel vm13, v25, v11;
	vm2 =	vgt.f32 v20, v14  }
0x56: {  	v28 =	vld [tilespmem:s23+$0x2060];
	v19 =	vsel vm14, v31, v12;
	v11 =	vsel vm15, v35, v13;
	v13 =	vsel vm4, v5, v32  }
0x57: {  	v25 =	vld [tilespmem:s23+$0x2030];
	v23 =	vsel vm13, v5, v34;
	v21 =	vsel vm14, v5, v36;
	v22 =	vsel vm15, v5, v37  }
0x58: {  	s2 =	simm.s32 $0x400;
	v26 =	vld [tilespmem:s23+$0x2050];
	v12 =	vsel vm2, v20, v14;
	v20 =	vsel vm3, v5, v29;
	v14 =	vsel vm12, v5, v33  }
.LBB2_4:
0x59: {  	p0 =	sne.s32 s2, $0x7E00;
	v29 =	vld [tilespmem:s23+$0x2070];
	v6 =	vsel vm2, v5, v6  }
0x5a: {  	s23 =	sshra.s32 s2, $0x2;
	vm2 =	vgt.f32 v15, v16;
	vm3 =	vgt.f32 v24, v7;
	v5 =	vadd.s32 $0x1, v5  }
0x5b: {  	v16 =	vsel vm2, v15, v16;
	v8 =	vsel vm2, v5, v8;
	v7 =	vsel vm3, v24, v7;
	v15 =	vld [tilespmem:s23+$0x2000]  }
0x5c: {  	vm4 =	vgt.f32 v17, v18;
	vm5 =	vgt.f32 v25, v9;
	vm6 =	vgt.f32 v27, v10;
	v24 =	vld [tilespmem:s23+$0x2010]  }
.Ltmp1:
0x5d: {  	v18 =	vsel vm4, v17, v18;
	v9 =	vsel vm5, v25, v9;
	v10 =	vsel vm6, v27, v10;
	v17 =	vld [tilespmem:s23+$0x2020];
	(pc) =	sbr.rel @p0 .LBB2_4-.Ltmp1, $4  }
0x5e: {  	vm7 =	vgt.f32 v26, v19;
	vm8 =	vgt.f32 v28, v11;
	v25 =	vld [tilespmem:s23+$0x2030];
	vm2 =	vgt.f32 v29, v12  }
0x5f: {  	v19 =	vsel vm7, v26, v19;
	v11 =	vsel vm8, v28, v11;
	v27 =	vld [tilespmem:s23+$0x2040];
	v12 =	vsel vm2, v29, v12  }
0x60: {  	v20 =	vsel vm3, v5, v20;
	v13 =	vsel vm4, v5, v13;
	v14 =	vsel vm5, v5, v14;
	v26 =	vld [tilespmem:s23+$0x2050]  }
0x61: {  	s2 =	sadd.s32 $0x200, s2;
	v23 =	vsel vm6, v5, v23;
	v21 =	vsel vm7, v5, v21;
	v22 =	vsel vm8, v5, v22;
	v28 =	vld [tilespmem:s23+$0x2060]  }
0x62: {  	v29 =	vld [tilespmem:s23+$0x2070];
	[tilespmem:s19], [sflag:$0x2] =	stream.strided.gather [hbm4b:s12+s17], $0x2000, s18, s17, $0x38  }
0x63: {  	_ =	swait.ge [sflag:s29], $0x2000  }
0x64: {  	[sflag:s29] =	ssyncset.done $0x0  }
0x65: {  	v6 =	vsel vm2, v5, v6;
	vm2 =	vgt.f32 v15, v16;
	s2 =	simm.s32 $0x0;
	[sflag:s29] =	ssyncadd.s32 $0xFFFFE000  }
0x66: {  	vm3 =	vgt.f32 v24, v7;
	v5 =	vadd.s32 $0x1, v5;
	v16 =	vsel vm2, v15, v16;
	v30 =	vld [tilespmem:s2+$0x4000]  }
0x67: {  	v8 =	vsel vm2, v5, v8;
	v7 =	vsel vm3, v24, v7;
	vm2 =	vgt.f32 v17, v18;
	v24 =	vld [tilespmem:s2+$0x4010]  }
0x68: {  	vm4 =	vgt.f32 v25, v9;
	v20 =	vsel vm3, v5, v20;
	vm5 =	vgt.f32 v27, v10;
	v31 =	vld [tilespmem:s2+$0x4020]  }
0x69: {  	v18 =	vsel vm2, v17, v18;
	v9 =	vsel vm4, v25, v9;
	vm6 =	vgt.f32 v26, v19;
	v25 =	vld [tilespmem:s2+$0x4030]  }
0x6a: {  	v13 =	vsel vm2, v5, v13;
	v14 =	vsel vm4, v5, v14;
	v19 =	vsel vm6, v26, v19;
	v26 =	vld [tilespmem:s2+$0x4040]  }
0x6b: {  	v10 =	vsel vm5, v27, v10;
	v23 =	vsel vm5, v5, v23;
	vm7 =	vgt.f32 v28, v11  }
0x6c: {  	v21 =	vsel vm6, v5, v21;
	v32 =	vld [tilespmem:s2+$0x4070];
	vm8 =	vgt.f32 v29, v12;
	v11 =	vsel vm7, v28, v11  }
0x6d: {  	s23 =	simm.s32 $0x80;
	v28 =	vld [tilespmem:s2+$0x4050];
	v22 =	vsel vm7, v5, v22;
	v12 =	vsel vm8, v29, v12;
	v6 =	vsel vm8, v5, v6  }
0x6e: {  	v15 =	vld [tilespmem:s23+$0x4000];
	v5 =	vadd.s32 $0x1, v5;
	vm2 =	vgt.f32 v30, v16;
	vm3 =	vgt.f32 v24, v7  }
0x6f: {  	v29 =	vld [tilespmem:s2+$0x4060];
	vm4 =	vgt.f32 v31, v18;
	vm12 =	vgt.f32 v25, v9;
	vm13 =	vgt.f32 v26, v10  }
0x70: {  	v17 =	vld [tilespmem:s23+$0x4020];
	v16 =	vsel vm2, v30, v16;
	v8 =	vsel vm2, v5, v8;
	v7 =	vsel vm3, v24, v7  }
0x71: {  	v27 =	vld [tilespmem:s23+$0x4040];
	v18 =	vsel vm4, v31, v18;
	v9 =	vsel vm12, v25, v9;
	v10 =	vsel vm13, v26, v10  }
0x72: {  	v24 =	vld [tilespmem:s23+$0x4010];
	vm14 =	vgt.f32 v28, v19;
	vm2 =	vgt.f32 v32, v12;
	v20 =	vsel vm3, v5, v20  }
0x73: {  	v25 =	vld [tilespmem:s23+$0x4030];
	v13 =	vsel vm4, v5, v13;
	v14 =	vsel vm12, v5, v14;
	v23 =	vsel vm13, v5, v23  }
0x74: {  	v26 =	vld [tilespmem:s23+$0x4050];
	vm15 =	vgt.f32 v29, v11;
	v19 =	vsel vm14, v28, v19;
	v12 =	vsel vm2, v32, v12  }
0x75: {  	s2 =	simm.s32 $0x400;
	v28 =	vld [tilespmem:s23+$0x4060];
	v21 =	vsel vm14, v5, v21;
	v11 =	vsel vm15, v29, v11;
	v22 =	vsel vm15, v5, v22  }
.LBB2_6:
0x76: {  	p0 =	sne.s32 s2, $0x7E00;
	v29 =	vld [tilespmem:s23+$0x4070];
	v6 =	vsel vm2, v5, v6  }
0x77: {  	s23 =	sshra.s32 s2, $0x2;
	vm2 =	vgt.f32 v15, v16;
	vm3 =	vgt.f32 v24, v7;
	v5 =	vadd.s32 $0x1, v5  }
0x78: {  	v16 =	vsel vm2, v15, v16;
	v8 =	vsel vm2, v5, v8;
	v7 =	vsel vm3, v24, v7;
	v15 =	vld [tilespmem:s23+$0x4000]  }
0x79: {  	vm4 =	vgt.f32 v17, v18;
	vm5 =	vgt.f32 v25, v9;
	vm6 =	vgt.f32 v27, v10;
	v24 =	vld [tilespmem:s23+$0x4010]  }
.Ltmp2:
0x7a: {  	v18 =	vsel vm4, v17, v18;
	v9 =	vsel vm5, v25, v9;
	v10 =	vsel vm6, v27, v10;
	v17 =	vld [tilespmem:s23+$0x4020];
	(pc) =	sbr.rel @p0 .LBB2_6-.Ltmp2, $4  }
0x7b: {  	vm7 =	vgt.f32 v26, v19;
	vm8 =	vgt.f32 v28, v11;
	v25 =	vld [tilespmem:s23+$0x4030];
	vm2 =	vgt.f32 v29, v12  }
0x7c: {  	v19 =	vsel vm7, v26, v19;
	v11 =	vsel vm8, v28, v11;
	v27 =	vld [tilespmem:s23+$0x4040];
	v12 =	vsel vm2, v29, v12  }
0x7d: {  	v20 =	vsel vm3, v5, v20;
	v13 =	vsel vm4, v5, v13;
	v14 =	vsel vm5, v5, v14;
	v26 =	vld [tilespmem:s23+$0x4050]  }
0x7e: {  	s2 =	sadd.s32 $0x200, s2;
	v23 =	vsel vm6, v5, v23;
	v21 =	vsel vm7, v5, v21;
	v22 =	vsel vm8, v5, v22;
	v28 =	vld [tilespmem:s23+$0x4060]  }
0x7f: {  	v29 =	vld [tilespmem:s23+$0x4070];
	[tilespmem:s20], [sflag:$0x3] =	stream.strided.gather [hbm4b:s13+s17], $0x2000, s18, s17, $0x38  }
0x80: {  	_ =	swait.ge [sflag:s30], $0x2000  }
0x81: {  	[sflag:s30] =	ssyncset.done $0x0  }
0x82: {  	v6 =	vsel vm2, v5, v6;
	vm2 =	vgt.f32 v15, v16;
	s2 =	simm.s32 $0x0;
	[sflag:s30] =	ssyncadd.s32 $0xFFFFE000  }
0x83: {  	vm3 =	vgt.f32 v24, v7;
	v5 =	vadd.s32 $0x1, v5;
	v15 =	vsel vm2, v15, v16;
	v16 =	vld [tilespmem:s2+$0x6000]  }
0x84: {  	v8 =	vsel vm2, v5, v8;
	v7 =	vsel vm3, v24, v7;
	vm2 =	vgt.f32 v17, v18;
	v24 =	vld [tilespmem:s2+$0x6010]  }
0x85: {  	vm4 =	vgt.f32 v25, v9;
	vm5 =	vgt.f32 v27, v10;
	v30 =	vsel vm2, v17, v18;
	v31 =	vld [tilespmem:s2+$0x6020]  }
0x86: {  	v9 =	vsel vm4, v25, v9;
	v13 =	vsel vm2, v5, v13;
	vm6 =	vgt.f32 v26, v19;
	v25 =	vld [tilespmem:s2+$0x6030]  }
0x87: {  	v33 =	vsel vm4, v5, v14;
	v10 =	vsel vm5, v27, v10;
	v32 =	vsel vm6, v26, v19;
	v26 =	vld [tilespmem:s2+$0x6040]  }
0x88: {  	v34 =	vsel vm5, v5, v23;
	vm7 =	vgt.f32 v28, v11;
	v14 =	vld [tilespmem:s2+$0x6060];
	v35 =	vsel vm6, v5, v21  }
0x89: {  	vm8 =	vgt.f32 v29, v12;
	v11 =	vsel vm7, v28, v11;
	v28 =	vsel vm3, v5, v20  }
0x8a: {  	s23 =	simm.s32 $0x80;
	v37 =	vld [tilespmem:s2+$0x6070];
	v36 =	vsel vm7, v5, v22;
	v12 =	vsel vm8, v29, v12;
	v6 =	vsel vm8, v5, v6  }
0x8b: {  	v17 =	vld [tilespmem:s23+$0x6000];
	v5 =	vadd.s32 $0x1, v5;
	vm2 =	vgt.f32 v16, v15;
	vm3 =	vgt.f32 v24, v7  }
0x8c: {  	v29 =	vld [tilespmem:s2+$0x6050];
	vm4 =	vgt.f32 v31, v30;
	vm12 =	vgt.f32 v25, v9;
	vm13 =	vgt.f32 v26, v10  }
0x8d: {  	v21 =	vld [tilespmem:s23+$0x6020];
	vm15 =	vgt.f32 v14, v11;
	v18 =	vsel vm2, v16, v15;
	v20 =	vsel vm2, v5, v8  }
0x8e: {  	v27 =	vld [tilespmem:s23+$0x6040];
	v19 =	vsel vm3, v24, v7;
	v22 =	vsel vm4, v31, v30;
	v23 =	vsel vm12, v25, v9  }
0x8f: {  	v24 =	vld [tilespmem:s23+$0x6010];
	v16 =	vsel vm13, v26, v10;
	vm2 =	vgt.f32 v37, v12;
	v8 =	vsel vm15, v14, v11  }
0x90: {  	v26 =	vld [tilespmem:s23+$0x6030];
	v28 =	vsel vm3, v5, v28;
	v25 =	vsel vm4, v5, v13;
	v10 =	vsel vm12, v5, v33  }
0x91: {  	v14 =	vld [tilespmem:s23+$0x6050];
	v11 =	vsel vm13, v5, v34;
	vm14 =	vgt.f32 v29, v32;
	v9 =	vsel vm2, v37, v12  }
0x92: {  	s2 =	simm.s32 $0x400;
	v13 =	vld [tilespmem:s23+$0x6060];
	v12 =	vsel vm15, v5, v36;
	v7 =	vsel vm14, v29, v32;
	v15 =	vsel vm14, v5, v35  }
.LBB2_8:
0x93: {  	p0 =	sne.s32 s2, $0x7E00;
	v29 =	vld [tilespmem:s23+$0x6070];
	v6 =	vsel vm2, v5, v6  }
0x94: {  	s23 =	sshra.s32 s2, $0x2;
	vm2 =	vgt.f32 v17, v18;
	vm3 =	vgt.f32 v24, v19;
	v5 =	vadd.s32 $0x1, v5  }
0x95: {  	v18 =	vsel vm2, v17, v18;
	v20 =	vsel vm2, v5, v20;
	v19 =	vsel vm3, v24, v19;
	v17 =	vld [tilespmem:s23+$0x6000]  }
0x96: {  	vm4 =	vgt.f32 v21, v22;
	vm5 =	vgt.f32 v26, v23;
	vm6 =	vgt.f32 v27, v16;
	v24 =	vld [tilespmem:s23+$0x6010]  }
.Ltmp3:
0x97: {  	v22 =	vsel vm4, v21, v22;
	v23 =	vsel vm5, v26, v23;
	v16 =	vsel vm6, v27, v16;
	v21 =	vld [tilespmem:s23+$0x6020];
	(pc) =	sbr.rel @p0 .LBB2_8-.Ltmp3, $4  }
0x98: {  	vm7 =	vgt.f32 v14, v7;
	vm8 =	vgt.f32 v13, v8;
	v26 =	vld [tilespmem:s23+$0x6030];
	vm2 =	vgt.f32 v29, v9  }
0x99: {  	v7 =	vsel vm7, v14, v7;
	v8 =	vsel vm8, v13, v8;
	v27 =	vld [tilespmem:s23+$0x6040];
	v9 =	vsel vm2, v29, v9  }
0x9a: {  	v28 =	vsel vm3, v5, v28;
	v25 =	vsel vm4, v5, v25;
	v10 =	vsel vm5, v5, v10;
	v14 =	vld [tilespmem:s23+$0x6050]  }
0x9b: {  	s2 =	sadd.s32 $0x200, s2;
	v11 =	vsel vm6, v5, v11;
	v15 =	vsel vm7, v5, v15;
	v12 =	vsel vm8, v5, v12;
	v13 =	vld [tilespmem:s23+$0x6060]  }
0x9c: {  	v29 =	vsel vm2, v5, v6  }
0x9d: {  	vm2 =	vgt.f32 v17, v18;
	vm3 =	vgt.f32 v24, v19;
	v30 =	vadd.s32 $0x1, v5  }
0x9e: {  	vm4 =	vgt.f32 v21, v22;
	v17 =	vsel vm2, v17, v18;
	v5 =	vsel vm2, v30, v20  }
0x9f: {  	v18 =	vsel vm3, v24, v19;
	vm6 =	vgt.f32 v26, v23;
	v19 =	vsel vm4, v21, v22  }
0xa0: {  	v6 =	vsel vm3, v30, v28;
	vm5 =	vgt.f32 v27, v16;
	v20 =	vsel vm6, v26, v23  }
0xa1: {  	v21 =	vshll.u32 v5, $0x7;
	v6 =	vshll.u32 v6, $0x7;
	v5 =	vor.u32 $0x10, v0  }
0xa2: {  	vm3 =	veq.f32 v18, v17;
	v21 =	vor.u32 v0, v21;
	v22 =	vor.u32 v5, v6  }
0xa3: {  	vm13 =	vgt.f32 v18, v17;
	v10 =	vsel vm6, v30, v10;
	vm7 =	vlt.s32 v22, v21  }
0xa4: {  	v16 =	vsel vm5, v27, v16;
	v6 =	vsel vm4, v30, v25;
	vm3 =	vmand vm3, vm7  }
0xa5: {  	v23 =	vshll.u32 v6, $0x7;
	v6 =	vor.u32 $0x20, v0;
	vm3 =	vmor vm13, vm3  }
0xa6: {  	v17 =	vsel vm3, v18, v17;
	v18 =	vsel vm3, v22, v21;
	v21 =	vor.u32 v6, v23  }
0xa7: {  	vm2 =	vgt.f32 v14, v7;
	vm14 =	veq.f32 v19, v17;
	vm15 =	vlt.s32 v21, v18  }
0xa8: {  	v11 =	vsel vm5, v30, v11;
	vm9 =	vgt.f32 v19, v17;
	vm4 =	vmand vm14, vm15  }
0xa9: {  	v22 =	vshll.u32 v10, $0x7;
	v10 =	vor.u32 $0x30, v0;
	vm4 =	vmor vm9, vm4  }
0xaa: {  	v17 =	vsel vm4, v19, v17;
	v18 =	vsel vm4, v21, v18;
	v19 =	vor.u32 v10, v22  }
0xab: {  	v14 =	vsel vm2, v14, v7;
	vm11 =	veq.f32 v20, v17;
	vm12 =	vlt.s32 v19, v18  }
0xac: {  	v24 =	vld [tilespmem:s23+$0x6070];
	v7 =	vsel vm2, v30, v15;
	vm13 =	vgt.f32 v20, v17;
	vm6 =	vmand vm11, vm12  }
0xad: {  	v21 =	vshll.u32 v11, $0x7;
	v11 =	vor.u32 $0x40, v0;
	vm5 =	vmor vm13, vm6  }
0xae: {  	v17 =	vsel vm5, v20, v17;
	v18 =	vsel vm5, v19, v18;
	v19 =	vor.u32 v11, v21  }
0xaf: {  	v15 =	vshll.u32 v7, $0x7;
	vm14 =	veq.f32 v16, v17;
	vm15 =	vlt.s32 v19, v18  }
0xb0: {  	v7 =	vor.u32 $0x50, v0;
	vm2 =	vgt.f32 v16, v17;
	vm5 =	vmand vm14, vm15  }
0xb1: {  	vm10 =	vgt.f32 v24, v9;
	v15 =	vor.u32 v7, v15;
	vm2 =	vmor vm2, vm5  }
0xb2: {  	vm3 =	vgt.f32 v13, v8;
	v16 =	vsel vm2, v16, v17;
	v17 =	vsel vm2, v19, v18  }
0xb3: {  	v13 =	vsel vm3, v13, v8;
	vm2 =	veq.f32 v14, v16;
	vm9 =	vlt.s32 v15, v17  }
0xb4: {  	v8 =	vsel vm3, v30, v12;
	vm3 =	vgt.f32 v14, v16;
	vm2 =	vmand vm2, vm9  }
0xb5: {  	v12 =	vshll.u32 v8, $0x7;
	v8 =	vor.u32 $0x60, v0;
	vm2 =	vmor vm3, vm2  }
0xb6: {  	v12 =	vor.u32 v8, v12;
	v14 =	vsel vm2, v14, v16;
	v15 =	vsel vm2, v15, v17  }
0xb7: {  	v16 =	vsel vm10, v24, v9;
	vm2 =	veq.f32 v13, v14;
	vm3 =	vlt.s32 v12, v15  }
0xb8: {  	v9 =	vsel vm10, v30, v29;
	vm10 =	vgt.f32 v13, v14;
	vm2 =	vmand vm2, vm3  }
0xb9: {  	v17 =	vshll.u32 v9, $0x7;
	v9 =	vor.u32 $0x70, v0;
	vm2 =	vmor vm10, vm2  }
0xba: {  	v13 =	vsel vm2, v13, v14;
	v12 =	vsel vm2, v12, v15;
	v14 =	vor.u32 v9, v17  }
0xbb: {  	vm2 =	veq.f32 v16, v13;
	vm3 =	vlt.s32 v14, v12  }
0xbc: {  	vm11 =	vgt.f32 v16, v13;
	vm2 =	vmand vm2, vm3  }
0xbd: {  	vm2 =	vmor vm11, vm2  }
0xbe: {  	v13 =	vsel vm2, v16, v13  }
0xbf: {  	v15 =	vperm.xlane v13, v1;
	_ =	sdelay $0x1  }
0xc0: {  	v15 =	vmax.f32 v13, v15  }
0xc1: {  	v16 =	vperm.xlane v15, v2;
	_ =	sdelay $0x1  }
0xc2: {  	v15 =	vmax.f32 v15, v16  }
0xc3: {  	v16 =	vperm.xlane v15, v3  }
0xc4: {  	[tilespmem:s21], [sflag:$0x4] =	stream.strided.gather [hbm4b:s14+s17], $0x2000, s18, s17, $0x38;
	[tilespmem:$0x10080] =	vst v63  }
0xc5: {  	_ =	swait.ge [sflag:s31], $0x2000;
	v15 =	vmax.f32 v15, v16  }
0xc6: {  	[sflag:s31] =	ssyncset.done $0x0;
	v16 =	vperm.xlane v15, v4  }
0xc7: {  	s2 =	simm.s32 $0x0;
	[sflag:s31] =	ssyncadd.s32 $0xFFFFE000  }
0xc8: {  	v22 =	vld [tilespmem:s2+$0x8060];
	v15 =	vmax.f32 v15, v16  }
0xc9: {  	v20 =	vld [tilespmem:s2+$0x8040];
	v12 =	vsel vm2, v14, v12;
	vm2 =	veq.f32 v13, v15  }
0xca: {  	v21 =	vld [tilespmem:s2+$0x8050];
	v12 =	vnsel vm2, $0x8000, v12  }
0xcb: {  	v18 =	vld [tilespmem:s2+$0x8020];
	v13 =	vperm.xlane v12, v1  }
0xcc: {  	v19 =	vld [tilespmem:s2+$0x8030]  }
0xcd: {  	v23 =	vimm.f32 $-Inf;
	vm2 =	vlt.s32 v12, v13  }
0xce: {  	v37 =	vimm.s32 $0x0;
	s23 =	simm.s32 $0x80;
	vm8 =	vgt.f32 v22, v23;
	v12 =	vsel vm2, v12, v13  }
0xcf: {  	v32 =	vld [tilespmem:s23+$0x8010];
	vm14 =	vgt.f32 v20, v23;
	vm15 =	vgt.f32 v21, v23;
	v13 =	vperm.xlane v12, v2  }
0xd0: {  	v22 =	vsel vm8, v22, v23;
	v20 =	vsel vm14, v20, v23;
	v21 =	vsel vm15, v21, v23;
	v16 =	vld [tilespmem:s2+$0x8010]  }
0xd1: {  	vm12 =	vgt.f32 v18, v23;
	vm13 =	vgt.f32 v19, v23;
	v15 =	vld [tilespmem:s2+$0x8000];
	vm2 =	vlt.s32 v12, v13  }
0xd2: {  	v24 =	vld [tilespmem:s2+$0x8070];
	v18 =	vsel vm12, v18, v23;
	v14 =	vimm.s32 $0x0;
	v12 =	vsel vm2, v12, v13  }
0xd3: {  	v31 =	vld [tilespmem:s23+$0x8020];
	v19 =	vsel vm13, v19, v23;
	v25 =	vsel vm12, v14, v14;
	v13 =	vperm.xlane v12, v3  }
0xd4: {  	v33 =	vld [tilespmem:s23+$0x8030];
	v26 =	vsel vm13, v14, v14;
	v27 =	vsel vm14, v14, v14;
	v28 =	vsel vm15, v14, v14  }
0xd5: {  	v30 =	vld [tilespmem:s23+$0x8000];
	v29 =	vsel vm8, v14, v14;
	vm3 =	vgt.f32 v16, v23;
	vm2 =	vlt.s32 v12, v13  }
0xd6: {  	v35 =	vld [tilespmem:s23+$0x8040];
	v16 =	vsel vm3, v16, v23;
	v12 =	vsel vm2, v12, v13;
	vm2 =	vgt.f32 v15, v23  }
0xd7: {  	v34 =	vld [tilespmem:s23+$0x8050];
	v15 =	vsel vm2, v15, v23;
	v17 =	vsel vm2, v14, v14;
	vm2 =	vgt.f32 v24, v23  }
0xd8: {  	v36 =	vld [tilespmem:s23+$0x8060];
	s2 =	simm.s32 $0x400;
	v13 =	vperm.xlane v12, v4;
	v23 =	vsel vm2, v24, v23;
	v24 =	vsel vm3, v14, v14  }
.LBB2_10:
0xd9: {  	p0 =	sne.s32 s2, $0x7E00;
	v38 =	vld [tilespmem:s23+$0x8070];
	v37 =	vsel vm2, v14, v37  }
0xda: {  	s23 =	sshra.s32 s2, $0x2;
	vm2 =	vgt.f32 v30, v15;
	vm3 =	vgt.f32 v32, v16;
	v14 =	vadd.s32 $0x1, v14  }
0xdb: {  	v15 =	vsel vm2, v30, v15;
	v17 =	vsel vm2, v14, v17;
	v16 =	vsel vm3, v32, v16;
	v30 =	vld [tilespmem:s23+$0x8000]  }
0xdc: {  	vm4 =	vgt.f32 v31, v18;
	vm5 =	vgt.f32 v33, v19;
	vm6 =	vgt.f32 v35, v20;
	v32 =	vld [tilespmem:s23+$0x8010]  }
.Ltmp4:
0xdd: {  	v18 =	vsel vm4, v31, v18;
	v19 =	vsel vm5, v33, v19;
	v20 =	vsel vm6, v35, v20;
	v31 =	vld [tilespmem:s23+$0x8020];
	(pc) =	sbr.rel @p0 .LBB2_10-.Ltmp4, $4  }
0xde: {  	vm7 =	vgt.f32 v34, v21;
	vm8 =	vgt.f32 v36, v22;
	v33 =	vld [tilespmem:s23+$0x8030];
	vm2 =	vgt.f32 v38, v23  }
0xdf: {  	v21 =	vsel vm7, v34, v21;
	v22 =	vsel vm8, v36, v22;
	v35 =	vld [tilespmem:s23+$0x8040];
	v23 =	vsel vm2, v38, v23  }
0xe0: {  	v24 =	vsel vm3, v14, v24;
	v25 =	vsel vm4, v14, v25;
	v26 =	vsel vm5, v14, v26;
	v34 =	vld [tilespmem:s23+$0x8050]  }
0xe1: {  	s2 =	sadd.s32 $0x200, s2;
	v27 =	vsel vm6, v14, v27;
	v28 =	vsel vm7, v14, v28;
	v29 =	vsel vm8, v14, v29;
	v36 =	vld [tilespmem:s23+$0x8060]  }
0xe2: {  	v38 =	vld [tilespmem:s23+$0x8070];
	_ =	swait.ge [sflag:s1], $0x2000  }
0xe3: {  	[sflag:s1] =	ssyncset.done $0x0  }
0xe4: {  	s2 =	simm.s32 $0x0;
	[sflag:s1] =	ssyncadd.s32 $0xFFFFE000  }
0xe5: {  	v37 =	vsel vm2, v14, v37;
	vm2 =	vgt.f32 v30, v15;
	v14 =	vadd.s32 $0x1, v14;
	v39 =	vld [tilespmem:s2+$0xA000]  }
0xe6: {  	v30 =	vsel vm2, v30, v15;
	v17 =	vsel vm2, v14, v17;
	vm2 =	vgt.f32 v31, v18;
	v60 =	vld [tilespmem:s2+$0xA010]  }
0xe7: {  	vm3 =	vgt.f32 v32, v16;
	v18 =	vsel vm2, v31, v18;
	v31 =	vld [tilespmem:s2+$0xA020]  }
0xe8: {  	v16 =	vsel vm3, v32, v16;
	vm4 =	vgt.f32 v33, v19;
	v63 =	vsel vm3, v14, v24;
	v61 =	vld [tilespmem:s2+$0xA030]  }
0xe9: {  	vm5 =	vgt.f32 v35, v20;
	v19 =	vsel vm4, v33, v19;
	v41 =	vsel vm2, v14, v25;
	v62 =	vld [tilespmem:s2+$0xA040]  }
0xea: {  	v42 =	vsel vm4, v14, v26;
	v20 =	vsel vm5, v35, v20;
	vm6 =	vgt.f32 v34, v21;
	v40 =	vld [tilespmem:s2+$0xA050]  }
0xeb: {  	v43 =	vsel vm5, v14, v27;
	v44 =	vld [tilespmem:s2+$0xA060];
	vm7 =	vgt.f32 v36, v22;
	v21 =	vsel vm6, v34, v21  }
0xec: {  	v45 =	vsel vm6, v14, v28;
	vm8 =	vgt.f32 v38, v23;
	v22 =	vsel vm7, v36, v22  }
0xed: {  	s23 =	simm.s32 $0x80;
	v46 =	vsel vm7, v14, v29;
	v23 =	vsel vm8, v38, v23;
	v15 =	vsel vm8, v14, v37  }
0xee: {  	v24 =	vld [tilespmem:s23+$0xA000];
	v14 =	vadd.s32 $0x1, v14;
	vm2 =	vgt.f32 v39, v30;
	vm3 =	vgt.f32 v60, v16  }
0xef: {  	v29 =	vld [tilespmem:s2+$0xA070];
	vm4 =	vgt.f32 v31, v18;
	vm12 =	vgt.f32 v61, v19;
	vm13 =	vgt.f32 v62, v20  }
0xf0: {  	v33 =	vld [tilespmem:s23+$0xA010];
	vm14 =	vgt.f32 v40, v21;
	vm15 =	vgt.f32 v44, v22;
	v25 =	vsel vm2, v39, v30  }
0xf1: {  	v26 =	vld [tilespmem:s23+$0xA020];
	v17 =	vsel vm2, v14, v17;
	v16 =	vsel vm3, v60, v16;
	v27 =	vsel vm4, v31, v18  }
0xf2: {  	v35 =	vld [tilespmem:s23+$0xA050];
	v18 =	vsel vm12, v61, v19;
	v19 =	vsel vm13, v62, v20;
	v28 =	vsel vm14, v40, v21  }
0xf3: {  	v34 =	vld [tilespmem:s23+$0xA030];
	v20 =	vsel vm15, v44, v22;
	v22 =	vsel vm4, v14, v41;
	v32 =	vsel vm13, v14, v43  }
0xf4: {  	v36 =	vld [tilespmem:s23+$0xA040];
	v30 =	vsel vm14, v14, v45;
	v31 =	vsel vm15, v14, v46;
	vm2 =	vgt.f32 v29, v23  }
0xf5: {  	s2 =	simm.s32 $0x400;
	v37 =	vld [tilespmem:s23+$0xA060];
	v21 =	vsel vm2, v29, v23;
	v29 =	vsel vm3, v14, v63;
	v23 =	vsel vm12, v14, v42  }
.LBB2_12:
0xf6: {  	p0 =	sne.s32 s2, $0x7E00;
	v38 =	vld [tilespmem:s23+$0xA070];
	v15 =	vsel vm2, v14, v15  }
0xf7: {  	s23 =	sshra.s32 s2, $0x2;
	vm2 =	vgt.f32 v24, v25;
	vm3 =	vgt.f32 v33, v16;
	v14 =	vadd.s32 $0x1, v14  }
0xf8: {  	v25 =	vsel vm2, v24, v25;
	v17 =	vsel vm2, v14, v17;
	v16 =	vsel vm3, v33, v16;
	v24 =	vld [tilespmem:s23+$0xA000]  }
0xf9: {  	vm4 =	vgt.f32 v26, v27;
	vm5 =	vgt.f32 v34, v18;
	vm6 =	vgt.f32 v36, v19;
	v33 =	vld [tilespmem:s23+$0xA010]  }
.Ltmp5:
0xfa: {  	v27 =	vsel vm4, v26, v27;
	v18 =	vsel vm5, v34, v18;
	v19 =	vsel vm6, v36, v19;
	v26 =	vld [tilespmem:s23+$0xA020];
	(pc) =	sbr.rel @p0 .LBB2_12-.Ltmp5, $4  }
0xfb: {  	vm7 =	vgt.f32 v35, v28;
	vm8 =	vgt.f32 v37, v20;
	v34 =	vld [tilespmem:s23+$0xA030];
	vm2 =	vgt.f32 v38, v21  }
0xfc: {  	v28 =	vsel vm7, v35, v28;
	v20 =	vsel vm8, v37, v20;
	v36 =	vld [tilespmem:s23+$0xA040];
	v21 =	vsel vm2, v38, v21  }
0xfd: {  	v29 =	vsel vm3, v14, v29;
	v22 =	vsel vm4, v14, v22;
	v23 =	vsel vm5, v14, v23;
	v35 =	vld [tilespmem:s23+$0xA050]  }
0xfe: {  	s2 =	sadd.s32 $0x200, s2;
	v32 =	vsel vm6, v14, v32;
	v30 =	vsel vm7, v14, v30;
	v31 =	vsel vm8, v14, v31;
	v37 =	vld [tilespmem:s23+$0xA060]  }
0xff: {  	v38 =	vld [tilespmem:s23+$0xA070];
	_ =	swait.ge [sflag:s0], $0x2000  }
0x100: {  	[sflag:s0] =	ssyncset.done $0x0  }
0x101: {  	s2 =	simm.s32 $0x0;
	[sflag:s0] =	ssyncadd.s32 $0xFFFFE000  }
0x102: {  	v15 =	vsel vm2, v14, v15;
	vm2 =	vgt.f32 v24, v25;
	v39 =	vld [tilespmem:s2+$0xC000]  }
0x103: {  	vm3 =	vgt.f32 v33, v16;
	v14 =	vadd.s32 $0x1, v14;
	v25 =	vsel vm2, v24, v25;
	v59 =	vld [tilespmem:s2+$0xC010]  }
0x104: {  	v17 =	vsel vm2, v14, v17;
	v16 =	vsel vm3, v33, v16;
	vm2 =	vgt.f32 v26, v27;
	v40 =	vld [tilespmem:s2+$0xC020]  }
0x105: {  	vm4 =	vgt.f32 v34, v18;
	v29 =	vsel vm3, v14, v29;
	vm5 =	vgt.f32 v36, v19;
	v60 =	vld [tilespmem:s2+$0xC030]  }
0x106: {  	v27 =	vsel vm2, v26, v27;
	v18 =	vsel vm4, v34, v18;
	v22 =	vsel vm2, v14, v22;
	v61 =	vld [tilespmem:s2+$0xC040]  }
0x107: {  	v23 =	vsel vm4, v14, v23;
	v19 =	vsel vm5, v36, v19;
	vm6 =	vgt.f32 v35, v28;
	v62 =	vld [tilespmem:s2+$0xC050]  }
0x108: {  	v32 =	vsel vm5, v14, v32;
	v63 =	vld [tilespmem:s2+$0xC060];
	vm7 =	vgt.f32 v37, v20;
	v28 =	vsel vm6, v35, v28  }
0x109: {  	v30 =	vsel vm6, v14, v30;
	vm8 =	vgt.f32 v38, v21;
	v20 =	vsel vm7, v37, v20  }
0x10a: {  	v41 =	vld [tilespmem:s2+$0xC070];
	v31 =	vsel vm7, v14, v31;
	v21 =	vsel vm8, v38, v21;
	v15 =	vsel vm8, v14, v15  }
0x10b: {  	s23 =	simm.s32 $0x80;
	v14 =	vadd.s32 $0x1, v14;
	vm2 =	vgt.f32 v39, v25;
	vm3 =	vgt.f32 v59, v16  }
0x10c: {  	v24 =	vld [tilespmem:s23+$0xC000];
	vm4 =	vgt.f32 v40, v27;
	vm12 =	vgt.f32 v60, v18;
	vm13 =	vgt.f32 v61, v19  }
0x10d: {  	v33 =	vld [tilespmem:s23+$0xC010];
	vm14 =	vgt.f32 v62, v28;
	vm15 =	vgt.f32 v63, v20;
	v25 =	vsel vm2, v39, v25  }
0x10e: {  	v26 =	vld [tilespmem:s23+$0xC020];
	v17 =	vsel vm2, v14, v17;
	v16 =	vsel vm3, v59, v16;
	v27 =	vsel vm4, v40, v27  }
0x10f: {  	v34 =	vld [tilespmem:s23+$0xC030];
	v18 =	vsel vm12, v60, v18;
	v19 =	vsel vm13, v61, v19;
	vm2 =	vgt.f32 v41, v21  }
0x110: {  	v36 =	vld [tilespmem:s23+$0xC040];
	v28 =	vsel vm14, v62, v28;
	v20 =	vsel vm15, v63, v20;
	v29 =	vsel vm3, v14, v29  }
0x111: {  	v35 =	vld [tilespmem:s23+$0xC050];
	v22 =	vsel vm4, v14, v22;
	v23 =	vsel vm12, v14, v23;
	v32 =	vsel vm13, v14, v32  }
0x112: {  	s2 =	simm.s32 $0x400;
	v37 =	vld [tilespmem:s23+$0xC060];
	v30 =	vsel vm14, v14, v30;
	v31 =	vsel vm15, v14, v31;
	v21 =	vsel vm2, v41, v21  }
.LBB2_14:
0x113: {  	p0 =	sne.s32 s2, $0x7E00;
	v38 =	vld [tilespmem:s23+$0xC070];
	v15 =	vsel vm2, v14, v15  }
0x114: {  	s23 =	sshra.s32 s2, $0x2;
	vm2 =	vgt.f32 v24, v25;
	vm3 =	vgt.f32 v33, v16;
	v14 =	vadd.s32 $0x1, v14  }
0x115: {  	v25 =	vsel vm2, v24, v25;
	v17 =	vsel vm2, v14, v17;
	v16 =	vsel vm3, v33, v16;
	v24 =	vld [tilespmem:s23+$0xC000]  }
0x116: {  	vm4 =	vgt.f32 v26, v27;
	vm5 =	vgt.f32 v34, v18;
	vm6 =	vgt.f32 v36, v19;
	v33 =	vld [tilespmem:s23+$0xC010]  }
.Ltmp6:
0x117: {  	v27 =	vsel vm4, v26, v27;
	v18 =	vsel vm5, v34, v18;
	v19 =	vsel vm6, v36, v19;
	v26 =	vld [tilespmem:s23+$0xC020];
	(pc) =	sbr.rel @p0 .LBB2_14-.Ltmp6, $4  }
0x118: {  	vm7 =	vgt.f32 v35, v28;
	vm8 =	vgt.f32 v37, v20;
	v34 =	vld [tilespmem:s23+$0xC030];
	vm2 =	vgt.f32 v38, v21  }
0x119: {  	v28 =	vsel vm7, v35, v28;
	v20 =	vsel vm8, v37, v20;
	v36 =	vld [tilespmem:s23+$0xC040];
	v21 =	vsel vm2, v38, v21  }
0x11a: {  	v29 =	vsel vm3, v14, v29;
	v22 =	vsel vm4, v14, v22;
	v23 =	vsel vm5, v14, v23;
	v35 =	vld [tilespmem:s23+$0xC050]  }
0x11b: {  	s2 =	sadd.s32 $0x200, s2;
	v32 =	vsel vm6, v14, v32;
	v30 =	vsel vm7, v14, v30;
	v31 =	vsel vm8, v14, v31;
	v37 =	vld [tilespmem:s23+$0xC060]  }
0x11c: {  	v38 =	vld [tilespmem:s23+$0xC070];
	_ =	swait.ge [sflag:s22], $0x2000  }
0x11d: {  	[sflag:s22] =	ssyncset.done $0x0  }
0x11e: {  	v15 =	vsel vm2, v14, v15;
	vm2 =	vgt.f32 v24, v25;
	s2 =	simm.s32 $0x0;
	[sflag:s22] =	ssyncadd.s32 $0xFFFFE000  }
0x11f: {  	v24 =	vsel vm2, v24, v25;
	v25 =	vld [tilespmem:s2+$0xE000]  }
0x120: {  	vm3 =	vgt.f32 v33, v16;
	v14 =	vadd.s32 $0x1, v14;
	v60 =	vld [tilespmem:s2+$0xE010]  }
0x121: {  	v17 =	vsel vm2, v14, v17;
	v16 =	vsel vm3, v33, v16;
	vm2 =	vgt.f32 v26, v27;
	v40 =	vld [tilespmem:s2+$0xE020]  }
0x122: {  	vm4 =	vgt.f32 v34, v18;
	v62 =	vsel vm3, v14, v29;
	v29 =	vadd.s32 $0x1, v14;
	v61 =	vld [tilespmem:s2+$0xE030]  }
0x123: {  	vm5 =	vgt.f32 v36, v19;
	v39 =	vsel vm2, v26, v27;
	v18 =	vsel vm4, v34, v18;
	v42 =	vld [tilespmem:s2+$0xE040]  }
0x124: {  	v43 =	vsel vm2, v14, v22;
	v44 =	vsel vm4, v14, v23;
	v19 =	vsel vm5, v36, v19;
	v63 =	vld [tilespmem:s2+$0xE050]  }
0x125: {  	vm6 =	vgt.f32 v35, v28;
	v45 =	vsel vm5, v14, v32;
	v46 =	vld [tilespmem:s2+$0xE060];
	vm7 =	vgt.f32 v37, v20  }
0x126: {  	v41 =	vsel vm6, v35, v28;
	v47 =	vsel vm6, v14, v30;
	vm8 =	vgt.f32 v38, v21  }
0x127: {  	v49 =	vld [tilespmem:s2+$0xE070];
	v20 =	vsel vm7, v37, v20;
	v48 =	vsel vm7, v14, v31;
	v21 =	vsel vm8, v38, v21  }
0x128: {  	s23 =	simm.s32 $0x80;
	v26 =	vsel vm8, v14, v15;
	vm2 =	vgt.f32 v25, v24;
	vm3 =	vgt.f32 v60, v16  }
0x129: {  	v34 =	vld [tilespmem:s23+$0xE010];
	vm4 =	vgt.f32 v40, v39;
	vm12 =	vgt.f32 v61, v18;
	vm13 =	vgt.f32 v42, v19  }
0x12a: {  	v27 =	vld [tilespmem:s23+$0xE020];
	vm14 =	vgt.f32 v63, v41;
	vm15 =	vgt.f32 v46, v20;
	v32 =	vsel vm2, v25, v24  }
0x12b: {  	v23 =	vld [tilespmem:s23+$0xE040];
	v35 =	vsel vm2, v29, v17;
	v30 =	vsel vm3, v60, v16;
	v28 =	vsel vm4, v40, v39  }
0x12c: {  	v31 =	vld [tilespmem:s23+$0xE000];
	v22 =	vsel vm12, v61, v18;
	v19 =	vsel vm13, v42, v19;
	vm2 =	vgt.f32 v49, v21  }
0x12d: {  	v24 =	vld [tilespmem:s23+$0xE030];
	v16 =	vsel vm14, v63, v41;
	v15 =	vsel vm15, v46, v20;
	v37 =	vsel vm3, v29, v62  }
0x12e: {  	v20 =	vld [tilespmem:s23+$0xE050];
	v36 =	vsel vm4, v29, v43;
	v33 =	vsel vm12, v29, v44;
	v25 =	vsel vm13, v29, v45  }
0x12f: {  	s2 =	simm.s32 $0x400;
	v18 =	vld [tilespmem:s23+$0xE060];
	v17 =	vsel vm15, v29, v48;
	v14 =	vsel vm2, v49, v21;
	v21 =	vsel vm14, v29, v47  }
.LBB2_16:
0x130: {  	p0 =	sne.s32 s2, $0x7E00;
	v38 =	vld [tilespmem:s23+$0xE070];
	v26 =	vsel vm2, v29, v26  }
0x131: {  	s23 =	sshra.s32 s2, $0x2;
	vm2 =	vgt.f32 v31, v32;
	vm3 =	vgt.f32 v34, v30;
	v29 =	vadd.s32 $0x1, v29  }
0x132: {  	v32 =	vsel vm2, v31, v32;
	v35 =	vsel vm2, v29, v35;
	v30 =	vsel vm3, v34, v30;
	v31 =	vld [tilespmem:s23+$0xE000]  }
0x133: {  	vm4 =	vgt.f32 v27, v28;
	vm5 =	vgt.f32 v24, v22;
	vm6 =	vgt.f32 v23, v19;
	v34 =	vld [tilespmem:s23+$0xE010]  }
.Ltmp7:
0x134: {  	v28 =	vsel vm4, v27, v28;
	v22 =	vsel vm5, v24, v22;
	v19 =	vsel vm6, v23, v19;
	v27 =	vld [tilespmem:s23+$0xE020];
	(pc) =	sbr.rel @p0 .LBB2_16-.Ltmp7, $4  }
0x135: {  	vm7 =	vgt.f32 v20, v16;
	vm8 =	vgt.f32 v18, v15;
	v24 =	vld [tilespmem:s23+$0xE030];
	vm2 =	vgt.f32 v38, v14  }
0x136: {  	v16 =	vsel vm7, v20, v16;
	v15 =	vsel vm8, v18, v15;
	v23 =	vld [tilespmem:s23+$0xE040];
	v14 =	vsel vm2, v38, v14  }
0x137: {  	v37 =	vsel vm3, v29, v37;
	v36 =	vsel vm4, v29, v36;
	v33 =	vsel vm5, v29, v33;
	v20 =	vld [tilespmem:s23+$0xE050]  }
0x138: {  	s2 =	sadd.s32 $0x200, s2;
	v25 =	vsel vm6, v29, v25;
	v21 =	vsel vm7, v29, v21;
	v17 =	vsel vm8, v29, v17;
	v18 =	vld [tilespmem:s23+$0xE060]  }
0x139: {  	vm3 =	vgt.f32 v31, v32;
	vm4 =	vgt.f32 v34, v30;
	v38 =	vadd.s32 $0x1, v29  }
0x13a: {  	v26 =	vsel vm2, v29, v26;
	v29 =	vsel vm3, v38, v35;
	v61 =	vsel vm4, v38, v37  }
0x13b: {  	v31 =	vsel vm3, v31, v32;
	v29 =	vshll.u32 v29, $0x7;
	v62 =	vshll.u32 v61, $0x7  }
0x13c: {  	v30 =	vsel vm4, v34, v30;
	v29 =	vor.u32 v0, v29;
	v32 =	vor.u32 v5, v62  }
0x13d: {  	vm2 =	vgt.f32 v27, v28;
	vm3 =	veq.f32 v30, v31;
	vm10 =	vlt.s32 v32, v29  }
0x13e: {  	v63 =	vsel vm2, v38, v36;
	vm5 =	vgt.f32 v30, v31;
	vm3 =	vmand vm3, vm10  }
0x13f: {  	v27 =	vsel vm2, v27, v28;
	v28 =	vshll.u32 v63, $0x7;
	vm2 =	vmor vm5, vm3  }
0x140: {  	v28 =	vor.u32 v6, v28;
	v30 =	vsel vm2, v30, v31;
	v29 =	vsel vm2, v32, v29  }
0x141: {  	vm2 =	vgt.f32 v24, v22;
	vm3 =	veq.f32 v27, v30;
	vm11 =	vlt.s32 v28, v29  }
0x142: {  	v31 =	vsel vm2, v38, v33;
	vm12 =	vgt.f32 v27, v30;
	vm3 =	vmand vm3, vm11  }
0x143: {  	v22 =	vsel vm2, v24, v22;
	v24 =	vshll.u32 v31, $0x7;
	vm2 =	vmor vm12, vm3  }
0x144: {  	v24 =	vor.u32 v10, v24;
	v27 =	vsel vm2, v27, v30;
	v28 =	vsel vm2, v28, v29  }
0x145: {  	vm2 =	vgt.f32 v23, v19;
	vm3 =	veq.f32 v22, v27;
	vm13 =	vlt.s32 v24, v28  }
0x146: {  	v25 =	vsel vm2, v38, v25;
	vm14 =	vgt.f32 v22, v27;
	vm3 =	vmand vm3, vm13  }
0x147: {  	v19 =	vsel vm2, v23, v19;
	v23 =	vshll.u32 v25, $0x7;
	vm2 =	vmor vm14, vm3  }
0x148: {  	v23 =	vor.u32 v11, v23;
	v22 =	vsel vm2, v22, v27;
	v24 =	vsel vm2, v24, v28  }
0x149: {  	vm2 =	vgt.f32 v20, v16;
	vm3 =	veq.f32 v19, v22;
	vm15 =	vlt.s32 v23, v24  }
0x14a: {  	v21 =	vsel vm2, v38, v21;
	vm8 =	vgt.f32 v19, v22;
	vm3 =	vmand vm3, vm15  }
0x14b: {  	v16 =	vsel vm2, v20, v16;
	v20 =	vshll.u32 v21, $0x7;
	vm2 =	vmor vm8, vm3  }
0x14c: {  	v21 =	vld [tilespmem:s23+$0xE070];
	v20 =	vor.u32 v7, v20;
	v19 =	vsel vm2, v19, v22;
	v22 =	vsel vm2, v23, v24  }
0x14d: {  	vm2 =	vgt.f32 v18, v15;
	vm3 =	veq.f32 v16, v19;
	vm9 =	vlt.s32 v20, v22  }
0x14e: {  	v17 =	vsel vm2, v38, v17;
	vm10 =	vgt.f32 v16, v19;
	vm3 =	vmand vm3, vm9  }
0x14f: {  	v15 =	vsel vm2, v18, v15;
	v17 =	vshll.u32 v17, $0x7;
	vm2 =	vmor vm10, vm3  }
0x150: {  	v17 =	vor.u32 v8, v17;
	v16 =	vsel vm2, v16, v19;
	v18 =	vsel vm2, v20, v22  }
0x151: {  	vm2 =	vgt.f32 v21, v14;
	vm3 =	veq.f32 v15, v16;
	vm11 =	vlt.s32 v17, v18  }
0x152: {  	v19 =	vsel vm2, v38, v26;
	vm12 =	vgt.f32 v15, v16;
	vm3 =	vmand vm3, vm11  }
0x153: {  	v14 =	vsel vm2, v21, v14;
	v19 =	vshll.u32 v19, $0x7;
	vm2 =	vmor vm12, vm3  }
0x154: {  	v15 =	vsel vm2, v15, v16;
	v16 =	vsel vm2, v17, v18;
	v17 =	vor.u32 v9, v19  }
0x155: {  	vm2 =	veq.f32 v14, v15;
	vm3 =	vlt.s32 v17, v16  }
0x156: {  	vm13 =	vgt.f32 v14, v15;
	vm2 =	vmand vm2, vm3  }
0x157: {  	vm2 =	vmor vm13, vm2  }
0x158: {  	v14 =	vsel vm2, v14, v15  }
0x159: {  	v15 =	vperm.xlane v14, v1;
	_ =	sdelay $0x1  }
0x15a: {  	v15 =	vmax.f32 v14, v15  }
0x15b: {  	v18 =	vperm.xlane v15, v2;
	_ =	sdelay $0x1  }
0x15c: {  	v15 =	vmax.f32 v15, v18  }
0x15d: {  	v18 =	vperm.xlane v15, v3;
	_ =	sdelay $0x1  }
0x15e: {  	_ =	swait.ge [sflag:s26], $0x2000;
	v15 =	vmax.f32 v15, v18  }
0x15f: {  	[sflag:s26] =	ssyncset.done $0x0;
	v18 =	vperm.xlane v15, v4  }
0x160: {  	s2 =	simm.s32 $0x0;
	[sflag:s26] =	ssyncadd.s32 $0xFFFFE000  }
0x161: {  	v23 =	vld [tilespmem:s2+$0x50];
	v15 =	vmax.f32 v15, v18  }
0x162: {  	v24 =	vld [tilespmem:s2+$0x60];
	v16 =	vsel vm2, v17, v16;
	vm2 =	veq.f32 v14, v15  }
0x163: {  	v20 =	vld [tilespmem:s2+$0x20];
	v14 =	vnsel vm2, $0x8000, v16  }
0x164: {  	v22 =	vld [tilespmem:s2+$0x40];
	v15 =	vperm.xlane v14, v1  }
0x165: {  	v21 =	vld [tilespmem:s2+$0x30]  }
0x166: {  	v25 =	vimm.f32 $-Inf;
	vm2 =	vlt.s32 v14, v15  }
0x167: {  	v39 =	vimm.s32 $0x0;
	s23 =	simm.s32 $0x80;
	vm7 =	vgt.f32 v23, v25;
	v14 =	vsel vm2, v14, v15  }
0x168: {  	v32 =	vld [tilespmem:s23+$0x0];
	vm8 =	vgt.f32 v24, v25;
	v23 =	vsel vm7, v23, v25;
	v15 =	vperm.xlane v14, v2  }
0x169: {  	v24 =	vsel vm8, v24, v25;
	vm14 =	vgt.f32 v20, v25;
	vm6 =	vgt.f32 v22, v25;
	v18 =	vld [tilespmem:s2+$0x10]  }
0x16a: {  	vm15 =	vgt.f32 v21, v25;
	v20 =	vsel vm14, v20, v25;
	v17 =	vld [tilespmem:s2+$0x0];
	vm2 =	vlt.s32 v14, v15  }
0x16b: {  	v26 =	vld [tilespmem:s2+$0x70];
	v22 =	vsel vm6, v22, v25;
	v16 =	vimm.s32 $0x0;
	v14 =	vsel vm2, v14, v15  }
0x16c: {  	v34 =	vld [tilespmem:s23+$0x10];
	v21 =	vsel vm15, v21, v25;
	v27 =	vsel vm14, v16, v16;
	v15 =	vperm.xlane v14, v3  }
0x16d: {  	v33 =	vld [tilespmem:s23+$0x20];
	v28 =	vsel vm15, v16, v16;
	v29 =	vsel vm6, v16, v16;
	v30 =	vsel vm7, v16, v16  }
0x16e: {  	v35 =	vld [tilespmem:s23+$0x30];
	v31 =	vsel vm8, v16, v16;
	vm3 =	vgt.f32 v18, v25;
	vm2 =	vlt.s32 v14, v15  }
0x16f: {  	v37 =	vld [tilespmem:s23+$0x40];
	v18 =	vsel vm3, v18, v25;
	v14 =	vsel vm2, v14, v15;
	vm2 =	vgt.f32 v17, v25  }
0x170: {  	v36 =	vld [tilespmem:s23+$0x50];
	v17 =	vsel vm2, v17, v25;
	v19 =	vsel vm2, v16, v16;
	vm2 =	vgt.f32 v26, v25  }
0x171: {  	v38 =	vld [tilespmem:s23+$0x60];
	s2 =	simm.s32 $0x400;
	v15 =	vperm.xlane v14, v4;
	v25 =	vsel vm2, v26, v25;
	v26 =	vsel vm3, v16, v16  }
.LBB2_18:
0x172: {  	p0 =	sne.s32 s2, $0x7E00;
	v40 =	vld [tilespmem:s23+$0x70];
	v39 =	vsel vm2, v16, v39  }
0x173: {  	s23 =	sshra.s32 s2, $0x2;
	vm2 =	vgt.f32 v32, v17;
	vm3 =	vgt.f32 v34, v18;
	v16 =	vadd.s32 $0x1, v16  }
0x174: {  	v17 =	vsel vm2, v32, v17;
	v19 =	vsel vm2, v16, v19;
	v18 =	vsel vm3, v34, v18;
	v32 =	vld [tilespmem:s23+$0x0]  }
0x175: {  	vm4 =	vgt.f32 v33, v20;
	vm5 =	vgt.f32 v35, v21;
	vm6 =	vgt.f32 v37, v22;
	v34 =	vld [tilespmem:s23+$0x10]  }
.Ltmp8:
0x176: {  	v20 =	vsel vm4, v33, v20;
	v21 =	vsel vm5, v35, v21;
	v22 =	vsel vm6, v37, v22;
	v33 =	vld [tilespmem:s23+$0x20];
	(pc) =	sbr.rel @p0 .LBB2_18-.Ltmp8, $4  }
0x177: {  	vm7 =	vgt.f32 v36, v23;
	vm8 =	vgt.f32 v38, v24;
	v35 =	vld [tilespmem:s23+$0x30];
	vm2 =	vgt.f32 v40, v25  }
0x178: {  	v23 =	vsel vm7, v36, v23;
	v24 =	vsel vm8, v38, v24;
	v37 =	vld [tilespmem:s23+$0x40];
	v25 =	vsel vm2, v40, v25  }
0x179: {  	v26 =	vsel vm3, v16, v26;
	v27 =	vsel vm4, v16, v27;
	v28 =	vsel vm5, v16, v28;
	v36 =	vld [tilespmem:s23+$0x50]  }
0x17a: {  	s2 =	sadd.s32 $0x200, s2;
	v29 =	vsel vm6, v16, v29;
	v30 =	vsel vm7, v16, v30;
	v31 =	vsel vm8, v16, v31;
	v38 =	vld [tilespmem:s23+$0x60]  }
0x17b: {  	v40 =	vld [tilespmem:s23+$0x70];
	_ =	swait.ge [sflag:s28], $0x2000  }
0x17c: {  	[sflag:s28] =	ssyncset.done $0x0  }
0x17d: {  	s2 =	simm.s32 $0x0;
	[sflag:s28] =	ssyncadd.s32 $0xFFFFE000  }
0x17e: {  	v39 =	vsel vm2, v16, v39;
	vm2 =	vgt.f32 v32, v17;
	v41 =	vld [tilespmem:s2+$0x2000]  }
0x17f: {  	vm3 =	vgt.f32 v34, v18;
	v16 =	vadd.s32 $0x1, v16;
	v32 =	vsel vm2, v32, v17;
	v59 =	vld [tilespmem:s2+$0x2010]  }
0x180: {  	v19 =	vsel vm2, v16, v19;
	v18 =	vsel vm3, v34, v18;
	vm2 =	vgt.f32 v33, v20;
	v60 =	vld [tilespmem:s2+$0x2020]  }
0x181: {  	vm4 =	vgt.f32 v35, v21;
	v63 =	vsel vm3, v16, v26;
	vm5 =	vgt.f32 v37, v22;
	v61 =	vld [tilespmem:s2+$0x2030]  }
0x182: {  	v20 =	vsel vm2, v33, v20;
	v21 =	vsel vm4, v35, v21;
	v43 =	vsel vm2, v16, v27;
	v62 =	vld [tilespmem:s2+$0x2040]  }
0x183: {  	v44 =	vsel vm4, v16, v28;
	v22 =	vsel vm5, v37, v22;
	vm6 =	vgt.f32 v36, v23;
	v42 =	vld [tilespmem:s2+$0x2050]  }
0x184: {  	v45 =	vsel vm5, v16, v29;
	v46 =	vld [tilespmem:s2+$0x2060];
	vm7 =	vgt.f32 v38, v24;
	v23 =	vsel vm6, v36, v23  }
0x185: {  	v47 =	vsel vm6, v16, v30;
	vm8 =	vgt.f32 v40, v25;
	v24 =	vsel vm7, v38, v24  }
0x186: {  	s23 =	simm.s32 $0x80;
	v48 =	vsel vm7, v16, v31;
	v25 =	vsel vm8, v40, v25;
	v17 =	vsel vm8, v16, v39  }
0x187: {  	v26 =	vld [tilespmem:s23+$0x2000];
	v16 =	vadd.s32 $0x1, v16;
	vm2 =	vgt.f32 v41, v32;
	vm3 =	vgt.f32 v59, v18  }
0x188: {  	v31 =	vld [tilespmem:s2+$0x2070];
	vm4 =	vgt.f32 v60, v20;
	vm12 =	vgt.f32 v61, v21;
	vm13 =	vgt.f32 v62, v22  }
0x189: {  	v35 =	vld [tilespmem:s23+$0x2010];
	vm14 =	vgt.f32 v42, v23;
	vm15 =	vgt.f32 v46, v24;
	v27 =	vsel vm2, v41, v32  }
0x18a: {  	v28 =	vld [tilespmem:s23+$0x2020];
	v19 =	vsel vm2, v16, v19;
	v18 =	vsel vm3, v59, v18;
	v29 =	vsel vm4, v60, v20  }
0x18b: {  	v37 =	vld [tilespmem:s23+$0x2050];
	v20 =	vsel vm12, v61, v21;
	v21 =	vsel vm13, v62, v22;
	v30 =	vsel vm14, v42, v23  }
0x18c: {  	v36 =	vld [tilespmem:s23+$0x2030];
	v22 =	vsel vm15, v46, v24;
	v24 =	vsel vm4, v16, v43;
	v34 =	vsel vm13, v16, v45  }
0x18d: {  	v38 =	vld [tilespmem:s23+$0x2040];
	v32 =	vsel vm14, v16, v47;
	v33 =	vsel vm15, v16, v48;
	vm2 =	vgt.f32 v31, v25  }
0x18e: {  	s2 =	simm.s32 $0x400;
	v39 =	vld [tilespmem:s23+$0x2060];
	v23 =	vsel vm2, v31, v25;
	v31 =	vsel vm3, v16, v63;
	v25 =	vsel vm12, v16, v44  }
.LBB2_20:
0x18f: {  	p0 =	sne.s32 s2, $0x7E00;
	v40 =	vld [tilespmem:s23+$0x2070];
	v17 =	vsel vm2, v16, v17  }
0x190: {  	s23 =	sshra.s32 s2, $0x2;
	vm2 =	vgt.f32 v26, v27;
	vm3 =	vgt.f32 v35, v18;
	v16 =	vadd.s32 $0x1, v16  }
0x191: {  	v27 =	vsel vm2, v26, v27;
	v19 =	vsel vm2, v16, v19;
	v18 =	vsel vm3, v35, v18;
	v26 =	vld [tilespmem:s23+$0x2000]  }
0x192: {  	vm4 =	vgt.f32 v28, v29;
	vm5 =	vgt.f32 v36, v20;
	vm6 =	vgt.f32 v38, v21;
	v35 =	vld [tilespmem:s23+$0x2010]  }
.Ltmp9:
0x193: {  	v29 =	vsel vm4, v28, v29;
	v20 =	vsel vm5, v36, v20;
	v21 =	vsel vm6, v38, v21;
	v28 =	vld [tilespmem:s23+$0x2020];
	(pc) =	sbr.rel @p0 .LBB2_20-.Ltmp9, $4  }
0x194: {  	vm7 =	vgt.f32 v37, v30;
	vm8 =	vgt.f32 v39, v22;
	v36 =	vld [tilespmem:s23+$0x2030];
	vm2 =	vgt.f32 v40, v23  }
0x195: {  	v30 =	vsel vm7, v37, v30;
	v22 =	vsel vm8, v39, v22;
	v38 =	vld [tilespmem:s23+$0x2040];
	v23 =	vsel vm2, v40, v23  }
0x196: {  	v31 =	vsel vm3, v16, v31;
	v24 =	vsel vm4, v16, v24;
	v25 =	vsel vm5, v16, v25;
	v37 =	vld [tilespmem:s23+$0x2050]  }
0x197: {  	s2 =	sadd.s32 $0x200, s2;
	v34 =	vsel vm6, v16, v34;
	v32 =	vsel vm7, v16, v32;
	v33 =	vsel vm8, v16, v33;
	v39 =	vld [tilespmem:s23+$0x2060]  }
0x198: {  	v40 =	vld [tilespmem:s23+$0x2070];
	_ =	swait.ge [sflag:s29], $0x2000  }
0x199: {  	[sflag:s29] =	ssyncset.done $0x0  }
0x19a: {  	s2 =	simm.s32 $0x0;
	[sflag:s29] =	ssyncadd.s32 $0xFFFFE000  }
0x19b: {  	v17 =	vsel vm2, v16, v17;
	vm2 =	vgt.f32 v26, v27;
	v41 =	vld [tilespmem:s2+$0x4000]  }
0x19c: {  	vm3 =	vgt.f32 v35, v18;
	v16 =	vadd.s32 $0x1, v16;
	v27 =	vsel vm2, v26, v27;
	v59 =	vld [tilespmem:s2+$0x4010]  }
0x19d: {  	v19 =	vsel vm2, v16, v19;
	v18 =	vsel vm3, v35, v18;
	vm2 =	vgt.f32 v28, v29;
	v42 =	vld [tilespmem:s2+$0x4020]  }
0x19e: {  	vm4 =	vgt.f32 v36, v20;
	v31 =	vsel vm3, v16, v31;
	vm5 =	vgt.f32 v38, v21;
	v60 =	vld [tilespmem:s2+$0x4030]  }
0x19f: {  	v29 =	vsel vm2, v28, v29;
	v20 =	vsel vm4, v36, v20;
	v24 =	vsel vm2, v16, v24;
	v61 =	vld [tilespmem:s2+$0x4040]  }
0x1a0: {  	v25 =	vsel vm4, v16, v25;
	v21 =	vsel vm5, v38, v21;
	vm6 =	vgt.f32 v37, v30;
	v62 =	vld [tilespmem:s2+$0x4050]  }
0x1a1: {  	v34 =	vsel vm5, v16, v34;
	v63 =	vld [tilespmem:s2+$0x4060];
	vm7 =	vgt.f32 v39, v22;
	v30 =	vsel vm6, v37, v30  }
0x1a2: {  	v32 =	vsel vm6, v16, v32;
	vm8 =	vgt.f32 v40, v23;
	v22 =	vsel vm7, v39, v22  }
0x1a3: {  	v43 =	vld [tilespmem:s2+$0x4070];
	v33 =	vsel vm7, v16, v33;
	v23 =	vsel vm8, v40, v23;
	v17 =	vsel vm8, v16, v17  }
0x1a4: {  	s23 =	simm.s32 $0x80;
	v16 =	vadd.s32 $0x1, v16;
	vm2 =	vgt.f32 v41, v27;
	vm3 =	vgt.f32 v59, v18  }
0x1a5: {  	v26 =	vld [tilespmem:s23+$0x4000];
	vm4 =	vgt.f32 v42, v29;
	vm12 =	vgt.f32 v60, v20;
	vm13 =	vgt.f32 v61, v21  }
0x1a6: {  	v35 =	vld [tilespmem:s23+$0x4010];
	vm14 =	vgt.f32 v62, v30;
	vm15 =	vgt.f32 v63, v22;
	v27 =	vsel vm2, v41, v27  }
0x1a7: {  	v28 =	vld [tilespmem:s23+$0x4020];
	v19 =	vsel vm2, v16, v19;
	v18 =	vsel vm3, v59, v18;
	v29 =	vsel vm4, v42, v29  }
0x1a8: {  	v36 =	vld [tilespmem:s23+$0x4030];
	v20 =	vsel vm12, v60, v20;
	v21 =	vsel vm13, v61, v21;
	vm2 =	vgt.f32 v43, v23  }
0x1a9: {  	v38 =	vld [tilespmem:s23+$0x4040];
	v30 =	vsel vm14, v62, v30;
	v22 =	vsel vm15, v63, v22;
	v31 =	vsel vm3, v16, v31  }
0x1aa: {  	v37 =	vld [tilespmem:s23+$0x4050];
	v24 =	vsel vm4, v16, v24;
	v25 =	vsel vm12, v16, v25;
	v34 =	vsel vm13, v16, v34  }
0x1ab: {  	s2 =	simm.s32 $0x400;
	v39 =	vld [tilespmem:s23+$0x4060];
	v32 =	vsel vm14, v16, v32;
	v33 =	vsel vm15, v16, v33;
	v23 =	vsel vm2, v43, v23  }
.LBB2_22:
0x1ac: {  	p0 =	sne.s32 s2, $0x7E00;
	v40 =	vld [tilespmem:s23+$0x4070];
	v17 =	vsel vm2, v16, v17  }
0x1ad: {  	s23 =	sshra.s32 s2, $0x2;
	vm2 =	vgt.f32 v26, v27;
	vm3 =	vgt.f32 v35, v18;
	v16 =	vadd.s32 $0x1, v16  }
0x1ae: {  	v27 =	vsel vm2, v26, v27;
	v19 =	vsel vm2, v16, v19;
	v18 =	vsel vm3, v35, v18;
	v26 =	vld [tilespmem:s23+$0x4000]  }
0x1af: {  	vm4 =	vgt.f32 v28, v29;
	vm5 =	vgt.f32 v36, v20;
	vm6 =	vgt.f32 v38, v21;
	v35 =	vld [tilespmem:s23+$0x4010]  }
.Ltmp10:
0x1b0: {  	v29 =	vsel vm4, v28, v29;
	v20 =	vsel vm5, v36, v20;
	v21 =	vsel vm6, v38, v21;
	v28 =	vld [tilespmem:s23+$0x4020];
	(pc) =	sbr.rel @p0 .LBB2_22-.Ltmp10, $4  }
0x1b1: {  	vm7 =	vgt.f32 v37, v30;
	vm8 =	vgt.f32 v39, v22;
	v36 =	vld [tilespmem:s23+$0x4030];
	vm2 =	vgt.f32 v40, v23  }
0x1b2: {  	v30 =	vsel vm7, v37, v30;
	v22 =	vsel vm8, v39, v22;
	v38 =	vld [tilespmem:s23+$0x4040];
	v23 =	vsel vm2, v40, v23  }
0x1b3: {  	v31 =	vsel vm3, v16, v31;
	v24 =	vsel vm4, v16, v24;
	v25 =	vsel vm5, v16, v25;
	v37 =	vld [tilespmem:s23+$0x4050]  }
0x1b4: {  	s2 =	sadd.s32 $0x200, s2;
	v34 =	vsel vm6, v16, v34;
	v32 =	vsel vm7, v16, v32;
	v33 =	vsel vm8, v16, v33;
	v39 =	vld [tilespmem:s23+$0x4060]  }
0x1b5: {  	v40 =	vld [tilespmem:s23+$0x4070];
	_ =	swait.ge [sflag:s30], $0x2000  }
0x1b6: {  	[sflag:s30] =	ssyncset.done $0x0  }
0x1b7: {  	v17 =	vsel vm2, v16, v17;
	vm2 =	vgt.f32 v26, v27;
	s2 =	simm.s32 $0x0;
	[sflag:s30] =	ssyncadd.s32 $0xFFFFE000  }
0x1b8: {  	v26 =	vsel vm2, v26, v27;
	v27 =	vld [tilespmem:s2+$0x6000]  }
0x1b9: {  	vm3 =	vgt.f32 v35, v18;
	v16 =	vadd.s32 $0x1, v16;
	v60 =	vld [tilespmem:s2+$0x6010]  }
0x1ba: {  	v19 =	vsel vm2, v16, v19;
	v18 =	vsel vm3, v35, v18;
	vm2 =	vgt.f32 v28, v29;
	v42 =	vld [tilespmem:s2+$0x6020]  }
0x1bb: {  	vm4 =	vgt.f32 v36, v20;
	v62 =	vsel vm3, v16, v31;
	v31 =	vadd.s32 $0x1, v16;
	v61 =	vld [tilespmem:s2+$0x6030]  }
0x1bc: {  	vm5 =	vgt.f32 v38, v21;
	v41 =	vsel vm2, v28, v29;
	v20 =	vsel vm4, v36, v20;
	v44 =	vld [tilespmem:s2+$0x6040]  }
0x1bd: {  	v45 =	vsel vm2, v16, v24;
	v46 =	vsel vm4, v16, v25;
	v21 =	vsel vm5, v38, v21;
	v63 =	vld [tilespmem:s2+$0x6050]  }
0x1be: {  	vm6 =	vgt.f32 v37, v30;
	v47 =	vsel vm5, v16, v34;
	v48 =	vld [tilespmem:s2+$0x6060];
	vm7 =	vgt.f32 v39, v22  }
0x1bf: {  	v43 =	vsel vm6, v37, v30;
	v49 =	vsel vm6, v16, v32;
	vm8 =	vgt.f32 v40, v23  }
0x1c0: {  	v51 =	vld [tilespmem:s2+$0x6070];
	v22 =	vsel vm7, v39, v22;
	v50 =	vsel vm7, v16, v33;
	v23 =	vsel vm8, v40, v23  }
0x1c1: {  	s23 =	simm.s32 $0x80;
	v28 =	vsel vm8, v16, v17;
	vm2 =	vgt.f32 v27, v26;
	vm3 =	vgt.f32 v60, v18  }
0x1c2: {  	v36 =	vld [tilespmem:s23+$0x6010];
	vm4 =	vgt.f32 v42, v41;
	vm12 =	vgt.f32 v61, v20;
	vm13 =	vgt.f32 v44, v21  }
0x1c3: {  	v29 =	vld [tilespmem:s23+$0x6020];
	vm14 =	vgt.f32 v63, v43;
	vm15 =	vgt.f32 v48, v22;
	v34 =	vsel vm2, v27, v26  }
0x1c4: {  	v25 =	vld [tilespmem:s23+$0x6040];
	v37 =	vsel vm2, v31, v19;
	v32 =	vsel vm3, v60, v18;
	v30 =	vsel vm4, v42, v41  }
0x1c5: {  	v33 =	vld [tilespmem:s23+$0x6000];
	v24 =	vsel vm12, v61, v20;
	v21 =	vsel vm13, v44, v21;
	vm2 =	vgt.f32 v51, v23  }
0x1c6: {  	v26 =	vld [tilespmem:s23+$0x6030];
	v18 =	vsel vm14, v63, v43;
	v17 =	vsel vm15, v48, v22;
	v39 =	vsel vm3, v31, v62  }
0x1c7: {  	v22 =	vld [tilespmem:s23+$0x6050];
	v38 =	vsel vm4, v31, v45;
	v35 =	vsel vm12, v31, v46;
	v27 =	vsel vm13, v31, v47  }
0x1c8: {  	s2 =	simm.s32 $0x400;
	v20 =	vld [tilespmem:s23+$0x6060];
	v19 =	vsel vm15, v31, v50;
	v16 =	vsel vm2, v51, v23;
	v23 =	vsel vm14, v31, v49  }
.LBB2_24:
0x1c9: {  	p0 =	sne.s32 s2, $0x7E00;
	v40 =	vld [tilespmem:s23+$0x6070];
	v28 =	vsel vm2, v31, v28  }
0x1ca: {  	s23 =	sshra.s32 s2, $0x2;
	vm2 =	vgt.f32 v33, v34;
	vm3 =	vgt.f32 v36, v32;
	v31 =	vadd.s32 $0x1, v31  }
0x1cb: {  	v34 =	vsel vm2, v33, v34;
	v37 =	vsel vm2, v31, v37;
	v32 =	vsel vm3, v36, v32;
	v33 =	vld [tilespmem:s23+$0x6000]  }
0x1cc: {  	vm4 =	vgt.f32 v29, v30;
	vm5 =	vgt.f32 v26, v24;
	vm6 =	vgt.f32 v25, v21;
	v36 =	vld [tilespmem:s23+$0x6010]  }
.Ltmp11:
0x1cd: {  	v30 =	vsel vm4, v29, v30;
	v24 =	vsel vm5, v26, v24;
	v21 =	vsel vm6, v25, v21;
	v29 =	vld [tilespmem:s23+$0x6020];
	(pc) =	sbr.rel @p0 .LBB2_24-.Ltmp11, $4  }
0x1ce: {  	vm7 =	vgt.f32 v22, v18;
	vm8 =	vgt.f32 v20, v17;
	v26 =	vld [tilespmem:s23+$0x6030];
	vm2 =	vgt.f32 v40, v16  }
0x1cf: {  	v18 =	vsel vm7, v22, v18;
	v17 =	vsel vm8, v20, v17;
	v25 =	vld [tilespmem:s23+$0x6040];
	v16 =	vsel vm2, v40, v16  }
0x1d0: {  	v39 =	vsel vm3, v31, v39;
	v38 =	vsel vm4, v31, v38;
	v35 =	vsel vm5, v31, v35;
	v22 =	vld [tilespmem:s23+$0x6050]  }
0x1d1: {  	s2 =	sadd.s32 $0x200, s2;
	v27 =	vsel vm6, v31, v27;
	v23 =	vsel vm7, v31, v23;
	v19 =	vsel vm8, v31, v19;
	v20 =	vld [tilespmem:s23+$0x6060]  }
0x1d2: {  	vm3 =	vgt.f32 v33, v34;
	vm4 =	vgt.f32 v36, v32;
	v40 =	vadd.s32 $0x1, v31  }
0x1d3: {  	v28 =	vsel vm2, v31, v28;
	v49 =	vsel vm3, v40, v37;
	v50 =	vsel vm4, v40, v39  }
0x1d4: {  	v33 =	vsel vm3, v33, v34;
	v31 =	vshll.u32 v49, $0x7;
	v51 =	vshll.u32 v50, $0x7  }
0x1d5: {  	v32 =	vsel vm4, v36, v32;
	v31 =	vor.u32 v0, v31;
	v5 =	vor.u32 v5, v51  }
0x1d6: {  	vm2 =	vgt.f32 v29, v30;
	vm3 =	veq.f32 v32, v33;
	vm12 =	vlt.s32 v5, v31  }
0x1d7: {  	v52 =	vsel vm2, v40, v38;
	vm5 =	vgt.f32 v32, v33;
	vm3 =	vmand vm3, vm12  }
0x1d8: {  	v29 =	vsel vm2, v29, v30;
	v53 =	vshll.u32 v52, $0x7;
	vm2 =	vmor vm5, vm3  }
0x1d9: {  	v6 =	vor.u32 v6, v53;
	v32 =	vsel vm2, v32, v33;
	v5 =	vsel vm2, v5, v31  }
0x1da: {  	vm2 =	vgt.f32 v26, v24;
	vm3 =	veq.f32 v29, v32;
	vm13 =	vlt.s32 v6, v5  }
0x1db: {  	v54 =	vsel vm2, v40, v35;
	vm14 =	vgt.f32 v29, v32;
	vm3 =	vmand vm3, vm13  }
0x1dc: {  	v24 =	vsel vm2, v26, v24;
	v55 =	vshll.u32 v54, $0x7;
	vm2 =	vmor vm14, vm3  }
0x1dd: {  	v29 =	vsel vm2, v29, v32;
	v5 =	vsel vm2, v6, v5;
	v6 =	vor.u32 v10, v55  }
0x1de: {  	vm2 =	vgt.f32 v25, v21;
	vm3 =	veq.f32 v24, v29;
	vm15 =	vlt.s32 v6, v5  }
0x1df: {  	v56 =	vsel vm2, v40, v27;
	vm8 =	vgt.f32 v24, v29;
	vm3 =	vmand vm3, vm15  }
0x1e0: {  	v21 =	vsel vm2, v25, v21;
	v10 =	vshll.u32 v56, $0x7;
	vm2 =	vmor vm8, vm3  }
0x1e1: {  	v24 =	vsel vm2, v24, v29;
	v5 =	vsel vm2, v6, v5;
	v6 =	vor.u32 v11, v10  }
0x1e2: {  	vm2 =	vgt.f32 v22, v18;
	vm3 =	veq.f32 v21, v24;
	vm9 =	vlt.s32 v6, v5  }
0x1e3: {  	v57 =	vsel vm2, v40, v23;
	vm10 =	vgt.f32 v21, v24;
	vm3 =	vmand vm3, vm9  }
0x1e4: {  	v58 =	vsel vm2, v22, v18;
	v10 =	vshll.u32 v57, $0x7;
	vm2 =	vmor vm10, vm3  }
0x1e5: {  	v59 =	vld [tilespmem:s23+$0x6070];
	v21 =	vsel vm2, v21, v24;
	v5 =	vsel vm2, v6, v5;
	v6 =	vor.u32 v7, v10  }
0x1e6: {  	vm2 =	vgt.f32 v20, v17;
	vm3 =	veq.f32 v58, v21;
	vm11 =	vlt.s32 v6, v5  }
0x1e7: {  	v7 =	vsel vm2, v40, v19;
	vm12 =	vgt.f32 v58, v21;
	vm3 =	vmand vm3, vm11  }
0x1e8: {  	v60 =	vsel vm2, v20, v17;
	v7 =	vshll.u32 v7, $0x7;
	vm2 =	vmor vm12, vm3  }
0x1e9: {  	v11 =	vsel vm2, v58, v21;
	v5 =	vsel vm2, v6, v5;
	v6 =	vor.u32 v8, v7  }
0x1ea: {  	vm2 =	vgt.f32 v59, v16;
	vm3 =	veq.f32 v60, v11;
	vm13 =	vlt.s32 v6, v5  }
0x1eb: {  	v7 =	vsel vm2, v40, v28;
	vm14 =	vgt.f32 v60, v11;
	vm3 =	vmand vm3, vm13  }
0x1ec: {  	v61 =	vsel vm2, v59, v16;
	v7 =	vshll.u32 v7, $0x7;
	vm2 =	vmor vm14, vm3  }
0x1ed: {  	v10 =	vsel vm2, v60, v11;
	v5 =	vsel vm2, v6, v5;
	v6 =	vor.u32 v9, v7  }
0x1ee: {  	vm2 =	veq.f32 v61, v10;
	vm3 =	vlt.s32 v6, v5  }
0x1ef: {  	vm15 =	vgt.f32 v61, v10;
	vm2 =	vmand vm2, vm3  }
0x1f0: {  	vm2 =	vmor vm15, vm2  }
0x1f1: {  	v7 =	vsel vm2, v61, v10  }
0x1f2: {  	v8 =	vperm.xlane v7, v1;
	_ =	sdelay $0x1  }
0x1f3: {  	v8 =	vmax.f32 v7, v8  }
0x1f4: {  	v62 =	vperm.xlane v8, v2;
	_ =	sdelay $0x1  }
0x1f5: {  	v8 =	vmax.f32 v8, v62  }
0x1f6: {  	v9 =	vperm.xlane v8, v3;
	_ =	sdelay $0x1  }
0x1f7: {  	v8 =	vmax.f32 v8, v9  }
0x1f8: {  	v9 =	vperm.xlane v8, v4;
	_ =	sdelay $0x1  }
0x1f9: {  	v8 =	vmax.f32 v8, v9  }
0x1fa: {  	v5 =	vsel vm2, v6, v5;
	vm2 =	veq.f32 v7, v8  }
0x1fb: {  	v5 =	vnsel vm2, $0x8000, v5  }
0x1fc: {  	v6 =	vperm.xlane v5, v1;
	_ =	sdelay $0x1  }
0x1fd: {  	vm2 =	vlt.s32 v5, v6  }
0x1fe: {  	v5 =	vsel vm2, v5, v6  }
0x1ff: {  	v6 =	vperm.xlane v5, v2;
	_ =	sdelay $0x1  }
0x200: {  	vm2 =	vlt.s32 v5, v6  }
0x201: {  	v5 =	vsel vm2, v5, v6  }
0x202: {  	v6 =	vperm.xlane v5, v3;
	_ =	sdelay $0x1  }
0x203: {  	vm2 =	vlt.s32 v5, v6  }
0x204: {  	v5 =	vsel vm2, v5, v6  }
0x205: {  	vm2 =	vlt.s32 v12, v13;
	v6 =	vperm.xlane v5, v4  }
0x206: {  	vm3 =	vlt.s32 v14, v15;
	v7 =	vsel vm2, v12, v13;
	vm2 =	vmmov $0x1  }
0x207: {  	v63 =	vsel vm3, v14, v15;
	v7 =	vnsel vm2, $0x0, v7;
	vm2 =	vlt.s32 v5, v6  }
0x208: {  	s25 =	sadd.s32 $0x1, s25;
	v7 =	vsel vm0, v7, v63;
	v5 =	vsel vm2, v5, v6  }
0x209: {  	p0 =	sne.s32 s25, s16;
	v5 =	vsel vm1, v7, v5  }
.Ltmp12:
0x20a: {  	s23 =	simm.s32 $0x0;
	s2 =	simm.s32 $0x10000;
	[tilespmem:$0x10000] =	vst v5;
	(pc) =	sbr.rel @p0 .LBB2_1-.Ltmp12, $4  }
0x20b: {  	[hbm4b:s15+s23] =	stream.linear.scatter [tilespmem:s2], [sflag:$0x9], $0x80, $0x38;
	[tilespmem:$0x10080] =	vst v63  }
0x20c: {  	_ =	swait.ge [sflag:s24], $0x80  }
0x20d: {  	[sflag:s24] =	ssyncset.done $0x0  }
0x20e: {  	[sflag:s24] =	ssyncadd.s32 $0xFFFFFF80  }
0x20f: {  	_ =	sfence.sel $0x180000  }
0x210: {  	[bflag:$0x0] =	sbarrier.arrive $0xFFFF  }
0x211: {  	_ =	strace $0x90000047  }
0x212: {  	s0 =	stileid.u32;
	[bflag:$0x2] =	sbarrier.arrive $0xFFFF  }
0x213: {  	p0 =	sne.s32 s0, $0x0;
	s0 =	rddreg [dreg:$0x2]  }
0x214: {  	s0 =	sadd.s32 @!p0 $0x100000, s0  }
0x215: {  	[sflag:s0] =	ssyncadd.tile.s32 @!p0 $0x1;
	_ =	shalt  }
.Lfunc_end2:
_tile_overlayer_lowered:
.L_overlay_start_2:
0x216: {  	(tag) =	ssettag $0x2  }
0x217: {  	s0 =	rddreg [dreg:$0x0];
	s2 =	stileid.u32  }
0x218: {  	s1 =	rddreg [dreg:$0x1];
	p0 =	sne.s32 s2, $0x0  }
0x219: {  	s3 =	rddreg [dreg:$0x2];
	[bflag:$0x3] =	sbarrier.arrive $0xFFFF;
	s2 =	simm.s32 @!p0 $0x1C09  }
0x21a: {  	[timem:s3], [sflag:s2] =	dma.local @!p0 [hbm:s0], s1  }
0x21b: {  	s0 =	simm.s32 @!p0 $0x9  }
0x21c: {  	_ =	swait.ge @!p0 [sflag:s0], s1  }
0x21d: {  	s1 =	ssub.s32 @!p0 $0x0, s1;
	[sflag:s0] =	ssyncset.done @!p0 $0x0  }
0x21e: {  	[sflag:s0] =	ssyncadd.s32 @!p0 s1  }
0x21f: {  	[bflag:$0x3] =	sbarrier.arrive $0xFFFF  }
0x220: {  	_ =	shalt  }

</sc_bundles>
